<compile_context>
chip_gen: v7x
topology: tpu7x:2x2x1
jax: 0.10.2.dev20260603
libtpu: 0.0.44.dev20260713+nightly
codegen_flags: <defaults>
</compile_context>

<pallas_src>
import functools

import jax
import jax.numpy as jnp
from jax import lax
from jax.experimental import pallas as pl
from jax.experimental.pallas import tpu as pltpu
from jax.experimental.pallas import tpu_sc as plsc

_ROWS = 16384
_D = 1024

_SC_ROWS = 4096
_TC_ROWS = _ROWS - _SC_ROWS

_L = 16
_NW = 32
_RPW = _SC_ROWS // _NW
_C = 32
_NCHUNK = _RPW // _C

_mesh = plsc.VectorSubcoreMesh(core_axis_name="c", subcore_axis_name="s")


@functools.partial(
    pl.kernel,
    out_type=jax.ShapeDtypeStruct((_NW, 2, _L), jnp.float32),
    mesh=_mesh,
    scratch_types=[
        pltpu.VMEM((_C, _D), jnp.float32),
        pltpu.VMEM((_C, _D), jnp.float32),
        pltpu.VMEM((_RPW + _L,), jnp.float32),
        pltpu.VMEM((_RPW + _L,), jnp.float32),
        pltpu.VMEM((2, _L), jnp.float32),
        pltpu.SemaphoreType.DMA,
        pltpu.SemaphoreType.DMA,
    ],
    compiler_params=pltpu.CompilerParams(needs_layout_passes=False),
)
def _sc_partials(x_hbm, yt_hbm, yp_hbm, out_hbm,
                 buf0, buf1, yt_v, yp_v, res_v, sem0, sem1):
    wid = lax.axis_index("s") * 2 + lax.axis_index("c")
    base = _TC_ROWS + wid * _RPW

    pltpu.sync_copy(yt_hbm.at[pl.ds(base, _RPW)], yt_v.at[pl.ds(0, _RPW)])
    pltpu.sync_copy(yp_hbm.at[pl.ds(base, _RPW)], yp_v.at[pl.ds(0, _RPW)])

    bufs = (buf0, buf1)
    sems = (sem0, sem1)
    copies = [pltpu.async_copy(x_hbm.at[pl.ds(base, _C)], buf0, sem0), None]

    num = jnp.float32(0.0)
    den = jnp.float32(0.0)
    for ch in range(_NCHUNK):
        if ch + 1 < _NCHUNK:
            nxt = (ch + 1) % 2
            copies[nxt] = pltpu.async_copy(
                x_hbm.at[pl.ds(base + (ch + 1) * _C, _C)], bufs[nxt], sems[nxt])
        copies[ch % 2].wait()
        buf = bufs[ch % 2]

        def _row(r, carry, buf=buf, ch=ch):
            num, den = carry
            vals = [buf[r, pl.ds(k * _L, _L)] for k in range(_D // _L)]
            while len(vals) > 1:
                nxt_vals = [vals[i] + vals[i + 1] for i in range(0, len(vals) - 1, 2)]
                if len(vals) % 2:
                    nxt_vals.append(vals[-1])
                vals = nxt_vals
            s = jnp.sum(vals[0])
            m = jnp.where(s > 0.0, jnp.float32(1.0), jnp.float32(0.0))
            yt = yt_v[pl.ds(ch * _C + r, _L)][0]
            yp = yp_v[pl.ds(ch * _C + r, _L)][0]
            c = jnp.where(
                (yp > 0.5) & (yt == 1.0) | (yp <= 0.5) & (yt == 0.0),
                jnp.float32(1.0), jnp.float32(0.0))
            return num + c * m, den + m

        num, den = lax.fori_loop(0, _C, _row, (num, den), unroll=False)

    res_v[0, pl.ds(0, _L)] = jnp.full((_L,), num, jnp.float32)
    res_v[1, pl.ds(0, _L)] = jnp.full((_L,), den, jnp.float32)
    pltpu.sync_copy(res_v, out_hbm.at[wid])


_BLK = 2048
_GRID = _TC_ROWS // _BLK


def _tc_body(x_ref, yt_ref, yp_ref, out_ref, acc_ref):
    i = pl.program_id(0)

    @pl.when(i == 0)
    def _init():
        acc_ref[0] = 0.0
        acc_ref[1] = 0.0

    rowsum = jnp.sum(x_ref[...], axis=1)
    mask = (rowsum > 0.0).astype(jnp.float32)
    yt = yt_ref[0, 0, :]
    yp = yp_ref[0, 0, :]
    correct = jnp.where(
        (yp > 0.5) & (yt == 1.0) | (yp <= 0.5) & (yt == 0.0), 1.0, 0.0)
    acc_ref[0] += jnp.sum(correct * mask)
    acc_ref[1] += jnp.sum(mask)

    @pl.when(i == _GRID - 1)
    def _fin():
        out_ref[...] = jnp.stack([acc_ref[0], acc_ref[1]]).reshape(1, 2)


def _combine_body(sc_ref, tc_ref, out_ref):
    num = jnp.sum(sc_ref[:, 0, :]) / _L + tc_ref[0, 0]
    den = jnp.sum(sc_ref[:, 1, :]) / _L + tc_ref[0, 1]
    out_ref[...] = jnp.full((1, 1), num / den, jnp.float32)


def kernel(input_data, y_true, y_pred):
    x = input_data.reshape(_ROWS, _D)
    yt = y_true.reshape(_ROWS)
    yp = y_pred.reshape(_ROWS)

    sc_parts = _sc_partials(x, yt, yp)

    tc_parts = pl.pallas_call(
        _tc_body,
        grid=(_GRID,),
        in_specs=[
            pl.BlockSpec((_BLK, _D), lambda i: (i, 0)),
            pl.BlockSpec((1, 1, _BLK), lambda i: (i, 0, 0)),
            pl.BlockSpec((1, 1, _BLK), lambda i: (i, 0, 0)),
        ],
        out_specs=pl.BlockSpec((1, 2), lambda i: (0, 0)),
        out_shape=jax.ShapeDtypeStruct((1, 2), jnp.float32),
        scratch_shapes=[pltpu.SMEM((2,), jnp.float32)],
    )(x,
      yt.reshape(_ROWS // _BLK, 1, _BLK),
      yp.reshape(_ROWS // _BLK, 1, _BLK))

    out = pl.pallas_call(
        _combine_body,
        out_shape=jax.ShapeDtypeStruct((1, 1), jnp.float32),
    )(sc_parts, tc_parts)
    return out[0, 0]

# --- scband reference (transcript-rebuilt; emitter-appended) ---
"""Pipeline reference for scband-selective-accuracy-35442070126632 (READ-ONLY COPY).

The authoritative reference and input builder live on the scoring server;
editing this copy changes nothing except your own understanding.
"""

import jax, jax.numpy as jnp
import numpy as np


def setup_inputs(seed: int = 0) -> dict:
    key = jax.random.key(seed)
    k1, k2, k3 = jax.random.split(key, 3)
    input_data = jax.random.normal(k1, (4, 4096, 1024), dtype=jnp.float32)
    y_true = jax.random.randint(k2, (4, 4096, 1), 0, 2).astype(jnp.float32)
    y_pred = jax.random.uniform(k3, (4, 4096, 1), dtype=jnp.float32)
    return {"input_data": input_data, "y_true": y_true, "y_pred": y_pred}


def reference(input_data, y_true, y_pred):
    # mask = reduce_sum(input_data, axis=-1) > 0, expanded to [B, T, 1]
    mask = (jnp.sum(input_data, axis=-1) > 0)[..., None]
    # Since mask has the same shape as y_true/y_pred, tf.boolean_mask selects
    # individual elements; the mean over selected elements equals
    # sum(correct * mask) / sum(mask).
    correct = jnp.logical_or(
        jnp.logical_and(y_pred <= 0.5, y_true == 0.0),
        jnp.logical_and(y_pred > 0.5, y_true == 1.0),
    ).astype(jnp.float32)
    maskf = mask.astype(jnp.float32)
    accuracy = jnp.sum(correct * maskf) / jnp.sum(maskf)
    return accuracy

if __name__ == "__main__":
    import jax
    _d = setup_inputs()
    print(jax.jit(kernel)(*tuple(_d.values())))

</pallas_src>

<mosaic_0001>
#map = affine_map<(d0, d1) -> (0, 0)>
#map1 = affine_map<(d0, d1) -> (0)>
#map2 = affine_map<(d0, d1) -> (0, 0, 0)>
module attributes {stable_mosaic.version = 14 : i64} {
  func.func @_sc_partials(%arg0: i32, %arg1: i32, %arg2: memref<16384x1024xf32, #tpu.memory_space<hbm>>, %arg3: memref<16384xf32, #tpu.memory_space<hbm>>, %arg4: memref<16384xf32, #tpu.memory_space<hbm>>, %arg5: memref<32x2x16xf32, #tpu.memory_space<hbm>>, %arg6: memref<32x1024xf32, #tpu.memory_space<vmem>>, %arg7: memref<32x1024xf32, #tpu.memory_space<vmem>>, %arg8: memref<144xf32, #tpu.memory_space<vmem>>, %arg9: memref<144xf32, #tpu.memory_space<vmem>>, %arg10: memref<2x16xf32, #tpu.memory_space<vmem>>, %arg11: memref<!tpu.dma_semaphore, #tpu.memory_space<semaphore_mem>>, %arg12: memref<!tpu.dma_semaphore, #tpu.memory_space<semaphore_mem>>) attributes {dimension_semantics = [#tpu.dimension_semantics<core_parallel>, #tpu.dimension_semantics<subcore_parallel>], iteration_bounds = array<i64: 2, 16>, scalar_prefetch = 0 : i64, scratch_operands = 7 : i64, tpu.core_type = #tpu.core_type<sc_vector_subcore>, window_params = [{transform_indices = #map}, {transform_indices = #map1}, {transform_indices = #map1}, {transform_indices = #map2}]} {
    %mul3A = arith.constant 2 : i32
    %mul3A_0 = arith.muli %arg1, %mul3A : i32
    %add3A = arith.addi %mul3A_0, %arg0 : i32
    %mul3A_1 = arith.constant 128 : i32
    %mul3A_2 = arith.muli %add3A, %mul3A_1 : i32
    %add3A_3 = arith.constant 12288 : i32
    %add3A_4 = arith.addi %add3A_3, %mul3A_2 : i32
    "tpu.region"() ({
      %run_scoped3A = tpu.sem_alloc : memref<!tpu.dma_semaphore, #tpu.memory_space<semaphore_mem>>
      %dma_start3A_74 = arith.constant 0 : i32
      %dma_start3A_75 = tpu.memref_slice %arg8[%dma_start3A_74] : memref<144xf32, #tpu.memory_space<vmem>> -> memref<128xf32, #tpu.memory_space<vmem>>
      %dma_start3A_76 = tpu.memref_slice %arg3[%add3A_4] : memref<16384xf32, #tpu.memory_space<hbm>> -> memref<128xf32, #tpu.memory_space<hbm>>
      %dma_start3A_77 = arith.constant 0 : i32
      %dma_start3A_78 = tpu.memref_slice %arg8[%dma_start3A_77] : memref<144xf32, #tpu.memory_space<vmem>> -> memref<128xf32, #tpu.memory_space<vmem>>
      %dma_start3A_79 = tpu.memref_slice %arg3[%add3A_4] : memref<16384xf32, #tpu.memory_space<hbm>> -> memref<128xf32, #tpu.memory_space<hbm>>
      tpu.enqueue_dma source(%dma_start3A_79 : memref<128xf32, #tpu.memory_space<hbm>>) target(%dma_start3A_78 : memref<128xf32, #tpu.memory_space<vmem>>) target_semaphore(%run_scoped3A : memref<!tpu.dma_semaphore, #tpu.memory_space<semaphore_mem>>)
      %dma_wait3A_80 = arith.constant 0 : i32
      %dma_wait3A_81 = tpu.memref_slice %arg8[%dma_wait3A_80] : memref<144xf32, #tpu.memory_space<vmem>> -> memref<128xf32, #tpu.memory_space<vmem>>
      %dma_wait3A_82 = tpu.memref_slice %arg3[%add3A_4] : memref<16384xf32, #tpu.memory_space<hbm>> -> memref<128xf32, #tpu.memory_space<hbm>>
      %dma_wait3A_83 = arith.constant 0 : i32
      %dma_wait3A_84 = tpu.memref_slice %arg8[%dma_wait3A_83] : memref<144xf32, #tpu.memory_space<vmem>> -> memref<128xf32, #tpu.memory_space<vmem>>
      %dma_wait3A_85 = tpu.memref_slice %arg3[%add3A_4] : memref<16384xf32, #tpu.memory_space<hbm>> -> memref<128xf32, #tpu.memory_space<hbm>>
      tpu.wait_dma2 semaphore(%run_scoped3A : memref<!tpu.dma_semaphore, #tpu.memory_space<semaphore_mem>>) src(%dma_wait3A_85 : memref<128xf32, #tpu.memory_space<hbm>>) dst(%dma_wait3A_84 : memref<128xf32, #tpu.memory_space<vmem>>)
      tpu.yield
    }) : () -> ()
    "tpu.region"() ({
      %run_scoped3A = tpu.sem_alloc : memref<!tpu.dma_semaphore, #tpu.memory_space<semaphore_mem>>
      %dma_start3A_74 = arith.constant 0 : i32
      %dma_start3A_75 = tpu.memref_slice %arg9[%dma_start3A_74] : memref<144xf32, #tpu.memory_space<vmem>> -> memref<128xf32, #tpu.memory_space<vmem>>
      %dma_start3A_76 = tpu.memref_slice %arg4[%add3A_4] : memref<16384xf32, #tpu.memory_space<hbm>> -> memref<128xf32, #tpu.memory_space<hbm>>
      %dma_start3A_77 = arith.constant 0 : i32
      %dma_start3A_78 = tpu.memref_slice %arg9[%dma_start3A_77] : memref<144xf32, #tpu.memory_space<vmem>> -> memref<128xf32, #tpu.memory_space<vmem>>
      %dma_start3A_79 = tpu.memref_slice %arg4[%add3A_4] : memref<16384xf32, #tpu.memory_space<hbm>> -> memref<128xf32, #tpu.memory_space<hbm>>
      tpu.enqueue_dma source(%dma_start3A_79 : memref<128xf32, #tpu.memory_space<hbm>>) target(%dma_start3A_78 : memref<128xf32, #tpu.memory_space<vmem>>) target_semaphore(%run_scoped3A : memref<!tpu.dma_semaphore, #tpu.memory_space<semaphore_mem>>)
      %dma_wait3A_80 = arith.constant 0 : i32
      %dma_wait3A_81 = tpu.memref_slice %arg9[%dma_wait3A_80] : memref<144xf32, #tpu.memory_space<vmem>> -> memref<128xf32, #tpu.memory_space<vmem>>
      %dma_wait3A_82 = tpu.memref_slice %arg4[%add3A_4] : memref<16384xf32, #tpu.memory_space<hbm>> -> memref<128xf32, #tpu.memory_space<hbm>>
      %dma_wait3A_83 = arith.constant 0 : i32
      %dma_wait3A_84 = tpu.memref_slice %arg9[%dma_wait3A_83] : memref<144xf32, #tpu.memory_space<vmem>> -> memref<128xf32, #tpu.memory_space<vmem>>
      %dma_wait3A_85 = tpu.memref_slice %arg4[%add3A_4] : memref<16384xf32, #tpu.memory_space<hbm>> -> memref<128xf32, #tpu.memory_space<hbm>>
      tpu.wait_dma2 semaphore(%run_scoped3A : memref<!tpu.dma_semaphore, #tpu.memory_space<semaphore_mem>>) src(%dma_wait3A_85 : memref<128xf32, #tpu.memory_space<hbm>>) dst(%dma_wait3A_84 : memref<128xf32, #tpu.memory_space<vmem>>)
      tpu.yield
    }) : () -> ()
    %dma_start3A = arith.constant 0 : i32
    %dma_start3A_5 = tpu.memref_slice %arg2[%add3A_4, %dma_start3A] : memref<16384x1024xf32, #tpu.memory_space<hbm>> -> memref<32x1024xf32, #tpu.memory_space<hbm>>
    %dma_start3A_6 = arith.constant 0 : i32
    %dma_start3A_7 = tpu.memref_slice %arg2[%add3A_4, %dma_start3A_6] : memref<16384x1024xf32, #tpu.memory_space<hbm>> -> memref<32x1024xf32, #tpu.memory_space<hbm>>
    tpu.enqueue_dma source(%dma_start3A_7 : memref<32x1024xf32, #tpu.memory_space<hbm>>) target(%arg6 : memref<32x1024xf32, #tpu.memory_space<vmem>>) target_semaphore(%arg11 : memref<!tpu.dma_semaphore, #tpu.memory_space<semaphore_mem>>)
    %add3A_8 = arith.constant 32 : i32
    %add3A_9 = arith.addi %add3A_4, %add3A_8 : i32
    %dma_start3A_10 = arith.constant 0 : i32
    %dma_start3A_11 = tpu.memref_slice %arg2[%add3A_9, %dma_start3A_10] : memref<16384x1024xf32, #tpu.memory_space<hbm>> -> memref<32x1024xf32, #tpu.memory_space<hbm>>
    %dma_start3A_12 = arith.constant 0 : i32
    %dma_start3A_13 = tpu.memref_slice %arg2[%add3A_9, %dma_start3A_12] : memref<16384x1024xf32, #tpu.memory_space<hbm>> -> memref<32x1024xf32, #tpu.memory_space<hbm>>
    tpu.enqueue_dma source(%dma_start3A_13 : memref<32x1024xf32, #tpu.memory_space<hbm>>) target(%arg7 : memref<32x1024xf32, #tpu.memory_space<vmem>>) target_semaphore(%arg12 : memref<!tpu.dma_semaphore, #tpu.memory_space<semaphore_mem>>)
    %dma_wait3A = arith.constant 0 : i32
    %dma_wait3A_14 = tpu.memref_slice %arg2[%add3A_4, %dma_wait3A] : memref<16384x1024xf32, #tpu.memory_space<hbm>> -> memref<32x1024xf32, #tpu.memory_space<hbm>>
    %dma_wait3A_15 = arith.constant 0 : i32
    %dma_wait3A_16 = tpu.memref_slice %arg2[%add3A_4, %dma_wait3A_15] : memref<16384x1024xf32, #tpu.memory_space<hbm>> -> memref<32x1024xf32, #tpu.memory_space<hbm>>
    tpu.wait_dma2 semaphore(%arg11 : memref<!tpu.dma_semaphore, #tpu.memory_space<semaphore_mem>>) src(%dma_wait3A_16 : memref<32x1024xf32, #tpu.memory_space<hbm>>) dst(%arg6 : memref<32x1024xf32, #tpu.memory_space<vmem>>)
    %scan3A = arith.constant 0.000000e+00 : f32
    %scan3A_17 = arith.constant 0.000000e+00 : f32
    %scan3A_18 = arith.constant 0 : i32
    %scan3A_19 = arith.constant 32 : i32
    %scan3A_20 = arith.addi %scan3A_18, %scan3A_19 : i32
    %scan3A_21 = arith.constant 1 : i32
    %scan3A_22:2 = scf.for %scan3A_74 = %scan3A_18 to %scan3A_20 step %scan3A_21 iter_args(%scan3A_75 = %scan3A, %scan3A_76 = %scan3A_17) -> (f32, f32)  : i32 {
      %get3A = arith.index_cast %scan3A_74 : i32 to index
      %get3A_77 = arith.constant 0 : index
      %get3A_78 = tpu.vector_load %arg6[%get3A, %get3A_77] {strides = array<i32>} : memref<32x1024xf32, #tpu.memory_space<vmem>>, vector<16xf32>,
      %get3A_79 = arith.index_cast %scan3A_74 : i32 to index
      %get3A_80 = arith.constant 16 : index
      %get3A_81 = tpu.vector_load %arg6[%get3A_79, %get3A_80] {strides = array<i32>} : memref<32x1024xf32, #tpu.memory_space<vmem>>, vector<16xf32>,
      %get3A_82 = arith.index_cast %scan3A_74 : i32 to index
      %get3A_83 = arith.constant 32 : index
      %get3A_84 = tpu.vector_load %arg6[%get3A_82, %get3A_83] {strides = array<i32>} : memref<32x1024xf32, #tpu.memory_space<vmem>>, vector<16xf32>,
      %get3A_85 = arith.index_cast %scan3A_74 : i32 to index
      %get3A_86 = arith.constant 48 : index
      %get3A_87 = tpu.vector_load %arg6[%get3A_85, %get3A_86] {strides = array<i32>} : memref<32x1024xf32, #tpu.memory_space<vmem>>, vector<16xf32>,
      %get3A_88 = arith.index_cast %scan3A_74 : i32 to index
      %get3A_89 = arith.constant 64 : index
      %get3A_90 = tpu.vector_load %arg6[%get3A_88, %get3A_89] {strides = array<i32>} : memref<32x1024xf32, #tpu.memory_space<vmem>>, vector<16xf32>,
      %get3A_91 = arith.index_cast %scan3A_74 : i32 to index
      %get3A_92 = arith.constant 80 : index
      %get3A_93 = tpu.vector_load %arg6[%get3A_91, %get3A_92] {strides = array<i32>} : memref<32x1024xf32, #tpu.memory_space<vmem>>, vector<16xf32>,
      %get3A_94 = arith.index_cast %scan3A_74 : i32 to index
      %get3A_95 = arith.constant 96 : index
      %get3A_96 = tpu.vector_load %arg6[%get3A_94, %get3A_95] {strides = array<i32>} : memref<32x1024xf32, #tpu.memory_space<vmem>>, vector<16xf32>,
      %get3A_97 = arith.index_cast %scan3A_74 : i32 to index
      %get3A_98 = arith.constant 112 : index
      %get3A_99 = tpu.vector_load %arg6[%get3A_97, %get3A_98] {strides = array<i32>} : memref<32x1024xf32, #tpu.memory_space<vmem>>, vector<16xf32>,
      %get3A_100 = arith.index_cast %scan3A_74 : i32 to index
      %get3A_101 = arith.constant 128 : index
      %get3A_102 = tpu.vector_load %arg6[%get3A_100, %get3A_101] {strides = array<i32>} : memref<32x1024xf32, #tpu.memory_space<vmem>>, vector<16xf32>,
      %get3A_103 = arith.index_cast %scan3A_74 : i32 to index
      %get3A_104 = arith.constant 144 : index
      %get3A_105 = tpu.vector_load %arg6[%get3A_103, %get3A_104] {strides = array<i32>} : memref<32x1024xf32, #tpu.memory_space<vmem>>, vector<16xf32>,
      %get3A_106 = arith.index_cast %scan3A_74 : i32 to index
      %get3A_107 = arith.constant 160 : index
      %get3A_108 = tpu.vector_load %arg6[%get3A_106, %get3A_107] {strides = array<i32>} : memref<32x1024xf32, #tpu.memory_space<vmem>>, vector<16xf32>,
      %get3A_109 = arith.index_cast %scan3A_74 : i32 to index
      %get3A_110 = arith.constant 176 : index
      %get3A_111 = tpu.vector_load %arg6[%get3A_109, %get3A_110] {strides = array<i32>} : memref<32x1024xf32, #tpu.memory_space<vmem>>, vector<16xf32>,
      %get3A_112 = arith.index_cast %scan3A_74 : i32 to index
      %get3A_113 = arith.constant 192 : index
      %get3A_114 = tpu.vector_load %arg6[%get3A_112, %get3A_113] {strides = array<i32>} : memref<32x1024xf32, #tpu.memory_space<vmem>>, vector<16xf32>,
      %get3A_115 = arith.index_cast %scan3A_74 : i32 to index
      %get3A_116 = arith.constant 208 : index
      %get3A_117 = tpu.vector_load %arg6[%get3A_115, %get3A_116] {strides = array<i32>} : memref<32x1024xf32, #tpu.memory_space<vmem>>, vector<16xf32>,
      %get3A_118 = arith.index_cast %scan3A_74 : i32 to index
      %get3A_119 = arith.constant 224 : index
      %get3A_120 = tpu.vector_load %arg6[%get3A_118, %get3A_119] {strides = array<i32>} : memref<32x1024xf32, #tpu.memory_space<vmem>>, vector<16xf32>,
      %get3A_121 = arith.index_cast %scan3A_74 : i32 to index
      %get3A_122 = arith.constant 240 : index
      %get3A_123 = tpu.vector_load %arg6[%get3A_121, %get3A_122] {strides = array<i32>} : memref<32x1024xf32, #tpu.memory_space<vmem>>, vector<16xf32>,
      %get3A_124 = arith.index_cast %scan3A_74 : i32 to index
      %get3A_125 = arith.constant 256 : index
      %get3A_126 = tpu.vector_load %arg6[%get3A_124, %get3A_125] {strides = array<i32>} : memref<32x1024xf32, #tpu.memory_space<vmem>>, vector<16xf32>,
      %get3A_127 = arith.index_cast %scan3A_74 : i32 to index
      %get3A_128 = arith.constant 272 : index
      %get3A_129 = tpu.vector_load %arg6[%get3A_127, %get3A_128] {strides = array<i32>} : memref<32x1024xf32, #tpu.memory_space<vmem>>, vector<16xf32>,
      %get3A_130 = arith.index_cast %scan3A_74 : i32 to index
      %get3A_131 = arith.constant 288 : index
      %get3A_132 = tpu.vector_load %arg6[%get3A_130, %get3A_131] {strides = array<i32>} : memref<32x1024xf32, #tpu.memory_space<vmem>>, vector<16xf32>,
      %get3A_133 = arith.index_cast %scan3A_74 : i32 to index
      %get3A_134 = arith.constant 304 : index
      %get3A_135 = tpu.vector_load %arg6[%get3A_133, %get3A_134] {strides = array<i32>} : memref<32x1024xf32, #tpu.memory_space<vmem>>, vector<16xf32>,
      %get3A_136 = arith.index_cast %scan3A_74 : i32 to index
      %get3A_137 = arith.constant 320 : index
      %get3A_138 = tpu.vector_load %arg6[%get3A_136, %get3A_137] {strides = array<i32>} : memref<32x1024xf32, #tpu.memory_space<vmem>>, vector<16xf32>,
      %get3A_139 = arith.index_cast %scan3A_74 : i32 to index
      %get3A_140 = arith.constant 336 : index
      %get3A_141 = tpu.vector_load %arg6[%get3A_139, %get3A_140] {strides = array<i32>} : memref<32x1024xf32, #tpu.memory_space<vmem>>, vector<16xf32>,
      %get3A_142 = arith.index_cast %scan3A_74 : i32 to index
      %get3A_143 = arith.constant 352 : index
      %get3A_144 = tpu.vector_load %arg6[%get3A_142, %get3A_143] {strides = array<i32>} : memref<32x1024xf32, #tpu.memory_space<vmem>>, vector<16xf32>,
      %get3A_145 = arith.index_cast %scan3A_74 : i32 to index
      %get3A_146 = arith.constant 368 : index
      %get3A_147 = tpu.vector_load %arg6[%get3A_145, %get3A_146] {strides = array<i32>} : memref<32x1024xf32, #tpu.memory_space<vmem>>, vector<16xf32>,
      %get3A_148 = arith.index_cast %scan3A_74 : i32 to index
      %get3A_149 = arith.constant 384 : index
      %get3A_150 = tpu.vector_load %arg6[%get3A_148, %get3A_149] {strides = array<i32>} : memref<32x1024xf32, #tpu.memory_space<vmem>>, vector<16xf32>,
      %get3A_151 = arith.index_cast %scan3A_74 : i32 to index
      %get3A_152 = arith.constant 400 : index
      %get3A_153 = tpu.vector_load %arg6[%get3A_151, %get3A_152] {strides = array<i32>} : memref<32x1024xf32, #tpu.memory_space<vmem>>, vector<16xf32>,
      %get3A_154 = arith.index_cast %scan3A_74 : i32 to index
      %get3A_155 = arith.constant 416 : index
      %get3A_156 = tpu.vector_load %arg6[%get3A_154, %get3A_155] {strides = array<i32>} : memref<32x1024xf32, #tpu.memory_space<vmem>>, vector<16xf32>,
      %get3A_157 = arith.index_cast %scan3A_74 : i32 to index
      %get3A_158 = arith.constant 432 : index
      %get3A_159 = tpu.vector_load %arg6[%get3A_157, %get3A_158] {strides = array<i32>} : memref<32x1024xf32, #tpu.memory_space<vmem>>, vector<16xf32>,
      %get3A_160 = arith.index_cast %scan3A_74 : i32 to index
      %get3A_161 = arith.constant 448 : index
      %get3A_162 = tpu.vector_load %arg6[%get3A_160, %get3A_161] {strides = array<i32>} : memref<32x1024xf32, #tpu.memory_space<vmem>>, vector<16xf32>,
      %get3A_163 = arith.index_cast %scan3A_74 : i32 to index
      %get3A_164 = arith.constant 464 : index
      %get3A_165 = tpu.vector_load %arg6[%get3A_163, %get3A_164] {strides = array<i32>} : memref<32x1024xf32, #tpu.memory_space<vmem>>, vector<16xf32>,
      %get3A_166 = arith.index_cast %scan3A_74 : i32 to index
      %get3A_167 = arith.constant 480 : index
      %get3A_168 = tpu.vector_load %arg6[%get3A_166, %get3A_167] {strides = array<i32>} : memref<32x1024xf32, #tpu.memory_space<vmem>>, vector<16xf32>,
      %get3A_169 = arith.index_cast %scan3A_74 : i32 to index
      %get3A_170 = arith.constant 496 : index
      %get3A_171 = tpu.vector_load %arg6[%get3A_169, %get3A_170] {strides = array<i32>} : memref<32x1024xf32, #tpu.memory_space<vmem>>, vector<16xf32>,
      %get3A_172 = arith.index_cast %scan3A_74 : i32 to index
      %get3A_173 = arith.constant 512 : index
      %get3A_174 = tpu.vector_load %arg6[%get3A_172, %get3A_173] {strides = array<i32>} : memref<32x1024xf32, #tpu.memory_space<vmem>>, vector<16xf32>,
      %get3A_175 = arith.index_cast %scan3A_74 : i32 to index
      %get3A_176 = arith.constant 528 : index
      %get3A_177 = tpu.vector_load %arg6[%get3A_175, %get3A_176] {strides = array<i32>} : memref<32x1024xf32, #tpu.memory_space<vmem>>, vector<16xf32>,
      %get3A_178 = arith.index_cast %scan3A_74 : i32 to index
      %get3A_179 = arith.constant 544 : index
      %get3A_180 = tpu.vector_load %arg6[%get3A_178, %get3A_179] {strides = array<i32>} : memref<32x1024xf32, #tpu.memory_space<vmem>>, vector<16xf32>,
      %get3A_181 = arith.index_cast %scan3A_74 : i32 to index
      %get3A_182 = arith.constant 560 : index
      %get3A_183 = tpu.vector_load %arg6[%get3A_181, %get3A_182] {strides = array<i32>} : memref<32x1024xf32, #tpu.memory_space<vmem>>, vector<16xf32>,
      %get3A_184 = arith.index_cast %scan3A_74 : i32 to index
      %get3A_185 = arith.constant 576 : index
      %get3A_186 = tpu.vector_load %arg6[%get3A_184, %get3A_185] {strides = array<i32>} : memref<32x1024xf32, #tpu.memory_space<vmem>>, vector<16xf32>,
      %get3A_187 = arith.index_cast %scan3A_74 : i32 to index
      %get3A_188 = arith.constant 592 : index
      %get3A_189 = tpu.vector_load %arg6[%get3A_187, %get3A_188] {strides = array<i32>} : memref<32x1024xf32, #tpu.memory_space<vmem>>, vector<16xf32>,
      %get3A_190 = arith.index_cast %scan3A_74 : i32 to index
      %get3A_191 = arith.constant 608 : index
      %get3A_192 = tpu.vector_load %arg6[%get3A_190, %get3A_191] {strides = array<i32>} : memref<32x1024xf32, #tpu.memory_space<vmem>>, vector<16xf32>,
      %get3A_193 = arith.index_cast %scan3A_74 : i32 to index
      %get3A_194 = arith.constant 624 : index
      %get3A_195 = tpu.vector_load %arg6[%get3A_193, %get3A_194] {strides = array<i32>} : memref<32x1024xf32, #tpu.memory_space<vmem>>, vector<16xf32>,
      %get3A_196 = arith.index_cast %scan3A_74 : i32 to index
      %get3A_197 = arith.constant 640 : index
      %get3A_198 = tpu.vector_load %arg6[%get3A_196, %get3A_197] {strides = array<i32>} : memref<32x1024xf32, #tpu.memory_space<vmem>>, vector<16xf32>,
      %get3A_199 = arith.index_cast %scan3A_74 : i32 to index
      %get3A_200 = arith.constant 656 : index
      %get3A_201 = tpu.vector_load %arg6[%get3A_199, %get3A_200] {strides = array<i32>} : memref<32x1024xf32, #tpu.memory_space<vmem>>, vector<16xf32>,
      %get3A_202 = arith.index_cast %scan3A_74 : i32 to index
      %get3A_203 = arith.constant 672 : index
      %get3A_204 = tpu.vector_load %arg6[%get3A_202, %get3A_203] {strides = array<i32>} : memref<32x1024xf32, #tpu.memory_space<vmem>>, vector<16xf32>,
      %get3A_205 = arith.index_cast %scan3A_74 : i32 to index
      %get3A_206 = arith.constant 688 : index
      %get3A_207 = tpu.vector_load %arg6[%get3A_205, %get3A_206] {strides = array<i32>} : memref<32x1024xf32, #tpu.memory_space<vmem>>, vector<16xf32>,
      %get3A_208 = arith.index_cast %scan3A_74 : i32 to index
      %get3A_209 = arith.constant 704 : index
      %get3A_210 = tpu.vector_load %arg6[%get3A_208, %get3A_209] {strides = array<i32>} : memref<32x1024xf32, #tpu.memory_space<vmem>>, vector<16xf32>,
      %get3A_211 = arith.index_cast %scan3A_74 : i32 to index
      %get3A_212 = arith.constant 720 : index
      %get3A_213 = tpu.vector_load %arg6[%get3A_211, %get3A_212] {strides = array<i32>} : memref<32x1024xf32, #tpu.memory_space<vmem>>, vector<16xf32>,
      %get3A_214 = arith.index_cast %scan3A_74 : i32 to index
      %get3A_215 = arith.constant 736 : index
      %get3A_216 = tpu.vector_load %arg6[%get3A_214, %get3A_215] {strides = array<i32>} : memref<32x1024xf32, #tpu.memory_space<vmem>>, vector<16xf32>,
      %get3A_217 = arith.index_cast %scan3A_74 : i32 to index
      %get3A_218 = arith.constant 752 : index
      %get3A_219 = tpu.vector_load %arg6[%get3A_217, %get3A_218] {strides = array<i32>} : memref<32x1024xf32, #tpu.memory_space<vmem>>, vector<16xf32>,
      %get3A_220 = arith.index_cast %scan3A_74 : i32 to index
      %get3A_221 = arith.constant 768 : index
      %get3A_222 = tpu.vector_load %arg6[%get3A_220, %get3A_221] {strides = array<i32>} : memref<32x1024xf32, #tpu.memory_space<vmem>>, vector<16xf32>,
      %get3A_223 = arith.index_cast %scan3A_74 : i32 to index
      %get3A_224 = arith.constant 784 : index
      %get3A_225 = tpu.vector_load %arg6[%get3A_223, %get3A_224] {strides = array<i32>} : memref<32x1024xf32, #tpu.memory_space<vmem>>, vector<16xf32>,
      %get3A_226 = arith.index_cast %scan3A_74 : i32 to index
      %get3A_227 = arith.constant 800 : index
      %get3A_228 = tpu.vector_load %arg6[%get3A_226, %get3A_227] {strides = array<i32>} : memref<32x1024xf32, #tpu.memory_space<vmem>>, vector<16xf32>,
      %get3A_229 = arith.index_cast %scan3A_74 : i32 to index
      %get3A_230 = arith.constant 816 : index
      %get3A_231 = tpu.vector_load %arg6[%get3A_229, %get3A_230] {strides = array<i32>} : memref<32x1024xf32, #tpu.memory_space<vmem>>, vector<16xf32>,
      %get3A_232 = arith.index_cast %scan3A_74 : i32 to index
      %get3A_233 = arith.constant 832 : index
      %get3A_234 = tpu.vector_load %arg6[%get3A_232, %get3A_233] {strides = array<i32>} : memref<32x1024xf32, #tpu.memory_space<vmem>>, vector<16xf32>,
      %get3A_235 = arith.index_cast %scan3A_74 : i32 to index
      %get3A_236 = arith.constant 848 : index
      %get3A_237 = tpu.vector_load %arg6[%get3A_235, %get3A_236] {strides = array<i32>} : memref<32x1024xf32, #tpu.memory_space<vmem>>, vector<16xf32>,
      %get3A_238 = arith.index_cast %scan3A_74 : i32 to index
      %get3A_239 = arith.constant 864 : index
      %get3A_240 = tpu.vector_load %arg6[%get3A_238, %get3A_239] {strides = array<i32>} : memref<32x1024xf32, #tpu.memory_space<vmem>>, vector<16xf32>,
      %get3A_241 = arith.index_cast %scan3A_74 : i32 to index
      %get3A_242 = arith.constant 880 : index
      %get3A_243 = tpu.vector_load %arg6[%get3A_241, %get3A_242] {strides = array<i32>} : memref<32x1024xf32, #tpu.memory_space<vmem>>, vector<16xf32>,
      %get3A_244 = arith.index_cast %scan3A_74 : i32 to index
      %get3A_245 = arith.constant 896 : index
      %get3A_246 = tpu.vector_load %arg6[%get3A_244, %get3A_245] {strides = array<i32>} : memref<32x1024xf32, #tpu.memory_space<vmem>>, vector<16xf32>,
      %get3A_247 = arith.index_cast %scan3A_74 : i32 to index
      %get3A_248 = arith.constant 912 : index
      %get3A_249 = tpu.vector_load %arg6[%get3A_247, %get3A_248] {strides = array<i32>} : memref<32x1024xf32, #tpu.memory_space<vmem>>, vector<16xf32>,
      %get3A_250 = arith.index_cast %scan3A_74 : i32 to index
      %get3A_251 = arith.constant 928 : index
      %get3A_252 = tpu.vector_load %arg6[%get3A_250, %get3A_251] {strides = array<i32>} : memref<32x1024xf32, #tpu.memory_space<vmem>>, vector<16xf32>,
      %get3A_253 = arith.index_cast %scan3A_74 : i32 to index
      %get3A_254 = arith.constant 944 : index
      %get3A_255 = tpu.vector_load %arg6[%get3A_253, %get3A_254] {strides = array<i32>} : memref<32x1024xf32, #tpu.memory_space<vmem>>, vector<16xf32>,
      %get3A_256 = arith.index_cast %scan3A_74 : i32 to index
      %get3A_257 = arith.constant 960 : index
      %get3A_258 = tpu.vector_load %arg6[%get3A_256, %get3A_257] {strides = array<i32>} : memref<32x1024xf32, #tpu.memory_space<vmem>>, vector<16xf32>,
      %get3A_259 = arith.index_cast %scan3A_74 : i32 to index
      %get3A_260 = arith.constant 976 : index
      %get3A_261 = tpu.vector_load %arg6[%get3A_259, %get3A_260] {strides = array<i32>} : memref<32x1024xf32, #tpu.memory_space<vmem>>, vector<16xf32>,
      %get3A_262 = arith.index_cast %scan3A_74 : i32 to index
      %get3A_263 = arith.constant 992 : index
      %get3A_264 = tpu.vector_load %arg6[%get3A_262, %get3A_263] {strides = array<i32>} : memref<32x1024xf32, #tpu.memory_space<vmem>>, vector<16xf32>,
      %get3A_265 = arith.index_cast %scan3A_74 : i32 to index
      %get3A_266 = arith.constant 1008 : index
      %get3A_267 = tpu.vector_load %arg6[%get3A_265, %get3A_266] {strides = array<i32>} : memref<32x1024xf32, #tpu.memory_space<vmem>>, vector<16xf32>,
      %add3A_268 = arith.addf %get3A_78, %get3A_81 : vector<16xf32>
      %add3A_269 = arith.addf %get3A_84, %get3A_87 : vector<16xf32>
      %add3A_270 = arith.addf %get3A_90, %get3A_93 : vector<16xf32>
      %add3A_271 = arith.addf %get3A_96, %get3A_99 : vector<16xf32>
      %add3A_272 = arith.addf %get3A_102, %get3A_105 : vector<16xf32>
      %add3A_273 = arith.addf %get3A_108, %get3A_111 : vector<16xf32>
      %add3A_274 = arith.addf %get3A_114, %get3A_117 : vector<16xf32>
      %add3A_275 = arith.addf %get3A_120, %get3A_123 : vector<16xf32>
      %add3A_276 = arith.addf %get3A_126, %get3A_129 : vector<16xf32>
      %add3A_277 = arith.addf %get3A_132, %get3A_135 : vector<16xf32>
      %add3A_278 = arith.addf %get3A_138, %get3A_141 : vector<16xf32>
      %add3A_279 = arith.addf %get3A_144, %get3A_147 : vector<16xf32>
      %add3A_280 = arith.addf %get3A_150, %get3A_153 : vector<16xf32>
      %add3A_281 = arith.addf %get3A_156, %get3A_159 : vector<16xf32>
      %add3A_282 = arith.addf %get3A_162, %get3A_165 : vector<16xf32>
      %add3A_283 = arith.addf %get3A_168, %get3A_171 : vector<16xf32>
      %add3A_284 = arith.addf %get3A_174, %get3A_177 : vector<16xf32>
      %add3A_285 = arith.addf %get3A_180, %get3A_183 : vector<16xf32>
      %add3A_286 = arith.addf %get3A_186, %get3A_189 : vector<16xf32>
      %add3A_287 = arith.addf %get3A_192, %get3A_195 : vector<16xf32>
      %add3A_288 = arith.addf %get3A_198, %get3A_201 : vector<16xf32>
      %add3A_289 = arith.addf %get3A_204, %get3A_207 : vector<16xf32>
      %add3A_290 = arith.addf %get3A_210, %get3A_213 : vector<16xf32>
      %add3A_291 = arith.addf %get3A_216, %get3A_219 : vector<16xf32>
      %add3A_292 = arith.addf %get3A_222, %get3A_225 : vector<16xf32>
      %add3A_293 = arith.addf %get3A_228, %get3A_231 : vector<16xf32>
      %add3A_294 = arith.addf %get3A_234, %get3A_237 : vector<16xf32>
      %add3A_295 = arith.addf %get3A_240, %get3A_243 : vector<16xf32>
      %add3A_296 = arith.addf %get3A_246, %get3A_249 : vector<16xf32>
      %add3A_297 = arith.addf %get3A_252, %get3A_255 : vector<16xf32>
      %add3A_298 = arith.addf %get3A_258, %get3A_261 : vector<16xf32>
      %add3A_299 = arith.addf %get3A_264, %get3A_267 : vector<16xf32>
      %add3A_300 = arith.addf %add3A_268, %add3A_269 : vector<16xf32>
      %add3A_301 = arith.addf %add3A_270, %add3A_271 : vector<16xf32>
      %add3A_302 = arith.addf %add3A_272, %add3A_273 : vector<16xf32>
      %add3A_303 = arith.addf %add3A_274, %add3A_275 : vector<16xf32>
      %add3A_304 = arith.addf %add3A_276, %add3A_277 : vector<16xf32>
      %add3A_305 = arith.addf %add3A_278, %add3A_279 : vector<16xf32>
      %add3A_306 = arith.addf %add3A_280, %add3A_281 : vector<16xf32>
      %add3A_307 = arith.addf %add3A_282, %add3A_283 : vector<16xf32>
      %add3A_308 = arith.addf %add3A_284, %add3A_285 : vector<16xf32>
      %add3A_309 = arith.addf %add3A_286, %add3A_287 : vector<16xf32>
      %add3A_310 = arith.addf %add3A_288, %add3A_289 : vector<16xf32>
      %add3A_311 = arith.addf %add3A_290, %add3A_291 : vector<16xf32>
      %add3A_312 = arith.addf %add3A_292, %add3A_293 : vector<16xf32>
      %add3A_313 = arith.addf %add3A_294, %add3A_295 : vector<16xf32>
      %add3A_314 = arith.addf %add3A_296, %add3A_297 : vector<16xf32>
      %add3A_315 = arith.addf %add3A_298, %add3A_299 : vector<16xf32>
      %add3A_316 = arith.addf %add3A_300, %add3A_301 : vector<16xf32>
      %add3A_317 = arith.addf %add3A_302, %add3A_303 : vector<16xf32>
      %add3A_318 = arith.addf %add3A_304, %add3A_305 : vector<16xf32>
      %add3A_319 = arith.addf %add3A_306, %add3A_307 : vector<16xf32>
      %add3A_320 = arith.addf %add3A_308, %add3A_309 : vector<16xf32>
      %add3A_321 = arith.addf %add3A_310, %add3A_311 : vector<16xf32>
      %add3A_322 = arith.addf %add3A_312, %add3A_313 : vector<16xf32>
      %add3A_323 = arith.addf %add3A_314, %add3A_315 : vector<16xf32>
      %add3A_324 = arith.addf %add3A_316, %add3A_317 : vector<16xf32>
      %add3A_325 = arith.addf %add3A_318, %add3A_319 : vector<16xf32>
      %add3A_326 = arith.addf %add3A_320, %add3A_321 : vector<16xf32>
      %add3A_327 = arith.addf %add3A_322, %add3A_323 : vector<16xf32>
      %add3A_328 = arith.addf %add3A_324, %add3A_325 : vector<16xf32>
      %add3A_329 = arith.addf %add3A_326, %add3A_327 : vector<16xf32>
      %add3A_330 = arith.addf %add3A_328, %add3A_329 : vector<16xf32>
      %reduce_sum3A = arith.constant true
      %reduce_sum3A_331 = vector.broadcast %reduce_sum3A : i1 to vector<16xi1>
      %reduce_sum3A_332 = tpu.scan <sum>, %add3A_330 masked %reduce_sum3A_331 : vector<16xf32>, vector<16xi1> -> vector<16xf32>
      %reduce_sum3A_333 = vector.extract %reduce_sum3A_332[15] : f32 from vector<16xf32>
      %gt3A = arith.constant 0.000000e+00 : f32
      %gt3A_334 = arith.cmpf ogt, %reduce_sum3A_333, %gt3A : f32
      %jit3A = arith.constant 1.000000e+00 : f32
      %jit3A_335 = arith.constant 0.000000e+00 : f32
      %select_n3A = arith.select %gt3A_334, %jit3A, %jit3A_335 : f32
      %add3A_336 = arith.constant 0 : i32
      %add3A_337 = arith.addi %add3A_336, %scan3A_74 : i32
      %get3A_338 = arith.index_cast %add3A_337 : i32 to index
      %get3A_339 = tpu.vector_load %arg8[%get3A_338] {strides = array<i32>} : memref<144xf32, #tpu.memory_space<vmem>>, vector<16xf32>,
      %slice3A = vector.extract_strided_slice %get3A_339 {offsets = [0], sizes = [1], strides = [1]} : vector<16xf32> to vector<1xf32>
      %squeeze3A = vector.extract %slice3A[0] : f32 from vector<1xf32>
      %add3A_340 = arith.constant 0 : i32
      %add3A_341 = arith.addi %add3A_340, %scan3A_74 : i32
      %get3A_342 = arith.index_cast %add3A_341 : i32 to index
      %get3A_343 = tpu.vector_load %arg9[%get3A_342] {strides = array<i32>} : memref<144xf32, #tpu.memory_space<vmem>>, vector<16xf32>,
      %slice3A_344 = vector.extract_strided_slice %get3A_343 {offsets = [0], sizes = [1], strides = [1]} : vector<16xf32> to vector<1xf32>
      %squeeze3A_345 = vector.extract %slice3A_344[0] : f32 from vector<1xf32>
      %gt3A_346 = arith.constant 5.000000e-01 : f32
      %gt3A_347 = arith.cmpf ogt, %squeeze3A_345, %gt3A_346 : f32
      %eq3A = arith.constant 1.000000e+00 : f32
      %eq3A_348 = arith.cmpf oeq, %squeeze3A, %eq3A : f32
      %and3A = arith.andi %gt3A_347, %eq3A_348 : i1
      %le3A = arith.constant 5.000000e-01 : f32
      %le3A_349 = arith.cmpf ole, %squeeze3A_345, %le3A : f32
      %eq3A_350 = arith.constant 0.000000e+00 : f32
      %eq3A_351 = arith.cmpf oeq, %squeeze3A, %eq3A_350 : f32
      %and3A_352 = arith.andi %le3A_349, %eq3A_351 : i1
      %or3A = arith.ori %and3A, %and3A_352 : i1
      %jit3A_353 = arith.constant 1.000000e+00 : f32
      %jit3A_354 = arith.constant 0.000000e+00 : f32
      %select_n3A_355 = arith.select %or3A, %jit3A_353, %jit3A_354 : f32
      %mul3A_356 = arith.mulf %select_n3A_355, %select_n3A : f32
      %add3A_357 = arith.addf %scan3A_75, %mul3A_356 : f32
      %add3A_358 = arith.addf %scan3A_76, %select_n3A : f32
      scf.yield %add3A_357, %add3A_358 : f32, f32
    }
    %scan3A_23 = arith.constant 32 : i32
    %add3A_24 = arith.constant 64 : i32
    %add3A_25 = arith.addi %add3A_4, %add3A_24 : i32
    %dma_start3A_26 = arith.constant 0 : i32
    %dma_start3A_27 = tpu.memref_slice %arg2[%add3A_25, %dma_start3A_26] : memref<16384x1024xf32, #tpu.memory_space<hbm>> -> memref<32x1024xf32, #tpu.memory_space<hbm>>
    %dma_start3A_28 = arith.constant 0 : i32
    %dma_start3A_29 = tpu.memref_slice %arg2[%add3A_25, %dma_start3A_28] : memref<16384x1024xf32, #tpu.memory_space<hbm>> -> memref<32x1024xf32, #tpu.memory_space<hbm>>
    tpu.enqueue_dma source(%dma_start3A_29 : memref<32x1024xf32, #tpu.memory_space<hbm>>) target(%arg6 : memref<32x1024xf32, #tpu.memory_space<vmem>>) target_semaphore(%arg11 : memref<!tpu.dma_semaphore, #tpu.memory_space<semaphore_mem>>)
    %dma_wait3A_30 = arith.constant 0 : i32
    %dma_wait3A_31 = tpu.memref_slice %arg2[%add3A_9, %dma_wait3A_30] : memref<16384x1024xf32, #tpu.memory_space<hbm>> -> memref<32x1024xf32, #tpu.memory_space<hbm>>
    %dma_wait3A_32 = arith.constant 0 : i32
    %dma_wait3A_33 = tpu.memref_slice %arg2[%add3A_9, %dma_wait3A_32] : memref<16384x1024xf32, #tpu.memory_space<hbm>> -> memref<32x1024xf32, #tpu.memory_space<hbm>>
    tpu.wait_dma2 semaphore(%arg12 : memref<!tpu.dma_semaphore, #tpu.memory_space<semaphore_mem>>) src(%dma_wait3A_33 : memref<32x1024xf32, #tpu.memory_space<hbm>>) dst(%arg7 : memref<32x1024xf32, #tpu.memory_space<vmem>>)
    %scan3A_34 = arith.constant 0 : i32
    %scan3A_35 = arith.constant 32 : i32
    %scan3A_36 = arith.addi %scan3A_34, %scan3A_35 : i32
    %scan3A_37 = arith.constant 1 : i32
    %scan3A_38:2 = scf.for %scan3A_74 = %scan3A_34 to %scan3A_36 step %scan3A_37 iter_args(%scan3A_75 = %scan3A_22#0, %scan3A_76 = %scan3A_22#1) -> (f32, f32)  : i32 {
      %get3A = arith.index_cast %scan3A_74 : i32 to index
      %get3A_77 = arith.constant 0 : index
      %get3A_78 = tpu.vector_load %arg7[%get3A, %get3A_77] {strides = array<i32>} : memref<32x1024xf32, #tpu.memory_space<vmem>>, vector<16xf32>,
      %get3A_79 = arith.index_cast %scan3A_74 : i32 to index
      %get3A_80 = arith.constant 16 : index
      %get3A_81 = tpu.vector_load %arg7[%get3A_79, %get3A_80] {strides = array<i32>} : memref<32x1024xf32, #tpu.memory_space<vmem>>, vector<16xf32>,
      %get3A_82 = arith.index_cast %scan3A_74 : i32 to index
      %get3A_83 = arith.constant 32 : index
      %get3A_84 = tpu.vector_load %arg7[%get3A_82, %get3A_83] {strides = array<i32>} : memref<32x1024xf32, #tpu.memory_space<vmem>>, vector<16xf32>,
      %get3A_85 = arith.index_cast %scan3A_74 : i32 to index
      %get3A_86 = arith.constant 48 : index
      %get3A_87 = tpu.vector_load %arg7[%get3A_85, %get3A_86] {strides = array<i32>} : memref<32x1024xf32, #tpu.memory_space<vmem>>, vector<16xf32>,
      %get3A_88 = arith.index_cast %scan3A_74 : i32 to index
      %get3A_89 = arith.constant 64 : index
      %get3A_90 = tpu.vector_load %arg7[%get3A_88, %get3A_89] {strides = array<i32>} : memref<32x1024xf32, #tpu.memory_space<vmem>>, vector<16xf32>,
      %get3A_91 = arith.index_cast %scan3A_74 : i32 to index
      %get3A_92 = arith.constant 80 : index
      %get3A_93 = tpu.vector_load %arg7[%get3A_91, %get3A_92] {strides = array<i32>} : memref<32x1024xf32, #tpu.memory_space<vmem>>, vector<16xf32>,
      %get3A_94 = arith.index_cast %scan3A_74 : i32 to index
      %get3A_95 = arith.constant 96 : index
      %get3A_96 = tpu.vector_load %arg7[%get3A_94, %get3A_95] {strides = array<i32>} : memref<32x1024xf32, #tpu.memory_space<vmem>>, vector<16xf32>,
      %get3A_97 = arith.index_cast %scan3A_74 : i32 to index
      %get3A_98 = arith.constant 112 : index
      %get3A_99 = tpu.vector_load %arg7[%get3A_97, %get3A_98] {strides = array<i32>} : memref<32x1024xf32, #tpu.memory_space<vmem>>, vector<16xf32>,
      %get3A_100 = arith.index_cast %scan3A_74 : i32 to index
      %get3A_101 = arith.constant 128 : index
      %get3A_102 = tpu.vector_load %arg7[%get3A_100, %get3A_101] {strides = array<i32>} : memref<32x1024xf32, #tpu.memory_space<vmem>>, vector<16xf32>,
      %get3A_103 = arith.index_cast %scan3A_74 : i32 to index
      %get3A_104 = arith.constant 144 : index
      %get3A_105 = tpu.vector_load %arg7[%get3A_103, %get3A_104] {strides = array<i32>} : memref<32x1024xf32, #tpu.memory_space<vmem>>, vector<16xf32>,
      %get3A_106 = arith.index_cast %scan3A_74 : i32 to index
      %get3A_107 = arith.constant 160 : index
      %get3A_108 = tpu.vector_load %arg7[%get3A_106, %get3A_107] {strides = array<i32>} : memref<32x1024xf32, #tpu.memory_space<vmem>>, vector<16xf32>,
      %get3A_109 = arith.index_cast %scan3A_74 : i32 to index
      %get3A_110 = arith.constant 176 : index
      %get3A_111 = tpu.vector_load %arg7[%get3A_109, %get3A_110] {strides = array<i32>} : memref<32x1024xf32, #tpu.memory_space<vmem>>, vector<16xf32>,
      %get3A_112 = arith.index_cast %scan3A_74 : i32 to index
      %get3A_113 = arith.constant 192 : index
      %get3A_114 = tpu.vector_load %arg7[%get3A_112, %get3A_113] {strides = array<i32>} : memref<32x1024xf32, #tpu.memory_space<vmem>>, vector<16xf32>,
      %get3A_115 = arith.index_cast %scan3A_74 : i32 to index
      %get3A_116 = arith.constant 208 : index
      %get3A_117 = tpu.vector_load %arg7[%get3A_115, %get3A_116] {strides = array<i32>} : memref<32x1024xf32, #tpu.memory_space<vmem>>, vector<16xf32>,
      %get3A_118 = arith.index_cast %scan3A_74 : i32 to index
      %get3A_119 = arith.constant 224 : index
      %get3A_120 = tpu.vector_load %arg7[%get3A_118, %get3A_119] {strides = array<i32>} : memref<32x1024xf32, #tpu.memory_space<vmem>>, vector<16xf32>,
      %get3A_121 = arith.index_cast %scan3A_74 : i32 to index
      %get3A_122 = arith.constant 240 : index
      %get3A_123 = tpu.vector_load %arg7[%get3A_121, %get3A_122] {strides = array<i32>} : memref<32x1024xf32, #tpu.memory_space<vmem>>, vector<16xf32>,
      %get3A_124 = arith.index_cast %scan3A_74 : i32 to index
      %get3A_125 = arith.constant 256 : index
      %get3A_126 = tpu.vector_load %arg7[%get3A_124, %get3A_125] {strides = array<i32>} : memref<32x1024xf32, #tpu.memory_space<vmem>>, vector<16xf32>,
      %get3A_127 = arith.index_cast %scan3A_74 : i32 to index
      %get3A_128 = arith.constant 272 : index
      %get3A_129 = tpu.vector_load %arg7[%get3A_127, %get3A_128] {strides = array<i32>} : memref<32x1024xf32, #tpu.memory_space<vmem>>, vector<16xf32>,
      %get3A_130 = arith.index_cast %scan3A_74 : i32 to index
      %get3A_131 = arith.constant 288 : index
      %get3A_132 = tpu.vector_load %arg7[%get3A_130, %get3A_131] {strides = array<i32>} : memref<32x1024xf32, #tpu.memory_space<vmem>>, vector<16xf32>,
      %get3A_133 = arith.index_cast %scan3A_74 : i32 to index
      %get3A_134 = arith.constant 304 : index
      %get3A_135 = tpu.vector_load %arg7[%get3A_133, %get3A_134] {strides = array<i32>} : memref<32x1024xf32, #tpu.memory_space<vmem>>, vector<16xf32>,
      %get3A_136 = arith.index_cast %scan3A_74 : i32 to index
      %get3A_137 = arith.constant 320 : index
      %get3A_138 = tpu.vector_load %arg7[%get3A_136, %get3A_137] {strides = array<i32>} : memref<32x1024xf32, #tpu.memory_space<vmem>>, vector<16xf32>,
      %get3A_139 = arith.index_cast %scan3A_74 : i32 to index
      %get3A_140 = arith.constant 336 : index
      %get3A_141 = tpu.vector_load %arg7[%get3A_139, %get3A_140] {strides = array<i32>} : memref<32x1024xf32, #tpu.memory_space<vmem>>, vector<16xf32>,
      %get3A_142 = arith.index_cast %scan3A_74 : i32 to index
      %get3A_143 = arith.constant 352 : index
      %get3A_144 = tpu.vector_load %arg7[%get3A_142, %get3A_143] {strides = array<i32>} : memref<32x1024xf32, #tpu.memory_space<vmem>>, vector<16xf32>,
      %get3A_145 = arith.index_cast %scan3A_74 : i32 to index
      %get3A_146 = arith.constant 368 : index
      %get3A_147 = tpu.vector_load %arg7[%get3A_145, %get3A_146] {strides = array<i32>} : memref<32x1024xf32, #tpu.memory_space<vmem>>, vector<16xf32>,
      %get3A_148 = arith.index_cast %scan3A_74 : i32 to index
      %get3A_149 = arith.constant 384 : index
      %get3A_150 = tpu.vector_load %arg7[%get3A_148, %get3A_149] {strides = array<i32>} : memref<32x1024xf32, #tpu.memory_space<vmem>>, vector<16xf32>,
      %get3A_151 = arith.index_cast %scan3A_74 : i32 to index
      %get3A_152 = arith.constant 400 : index
      %get3A_153 = tpu.vector_load %arg7[%get3A_151, %get3A_152] {strides = array<i32>} : memref<32x1024xf32, #tpu.memory_space<vmem>>, vector<16xf32>,
      %get3A_154 = arith.index_cast %scan3A_74 : i32 to index
      %get3A_155 = arith.constant 416 : index
      %get3A_156 = tpu.vector_load %arg7[%get3A_154, %get3A_155] {strides = array<i32>} : memref<32x1024xf32, #tpu.memory_space<vmem>>, vector<16xf32>,
      %get3A_157 = arith.index_cast %scan3A_74 : i32 to index
      %get3A_158 = arith.constant 432 : index
      %get3A_159 = tpu.vector_load %arg7[%get3A_157, %get3A_158] {strides = array<i32>} : memref<32x1024xf32, #tpu.memory_space<vmem>>, vector<16xf32>,
      %get3A_160 = arith.index_cast %scan3A_74 : i32 to index
      %get3A_161 = arith.constant 448 : index
      %get3A_162 = tpu.vector_load %arg7[%get3A_160, %get3A_161] {strides = array<i32>} : memref<32x1024xf32, #tpu.memory_space<vmem>>, vector<16xf32>,
      %get3A_163 = arith.index_cast %scan3A_74 : i32 to index
      %get3A_164 = arith.constant 464 : index
      %get3A_165 = tpu.vector_load %arg7[%get3A_163, %get3A_164] {strides = array<i32>} : memref<32x1024xf32, #tpu.memory_space<vmem>>, vector<16xf32>,
      %get3A_166 = arith.index_cast %scan3A_74 : i32 to index
      %get3A_167 = arith.constant 480 : index
      %get3A_168 = tpu.vector_load %arg7[%get3A_166, %get3A_167] {strides = array<i32>} : memref<32x1024xf32, #tpu.memory_space<vmem>>, vector<16xf32>,
      %get3A_169 = arith.index_cast %scan3A_74 : i32 to index
      %get3A_170 = arith.constant 496 : index
      %get3A_171 = tpu.vector_load %arg7[%get3A_169, %get3A_170] {strides = array<i32>} : memref<32x1024xf32, #tpu.memory_space<vmem>>, vector<16xf32>,
      %get3A_172 = arith.index_cast %scan3A_74 : i32 to index
      %get3A_173 = arith.constant 512 : index
      %get3A_174 = tpu.vector_load %arg7[%get3A_172, %get3A_173] {strides = array<i32>} : memref<32x1024xf32, #tpu.memory_space<vmem>>, vector<16xf32>,
      %get3A_175 = arith.index_cast %scan3A_74 : i32 to index
      %get3A_176 = arith.constant 528 : index
      %get3A_177 = tpu.vector_load %arg7[%get3A_175, %get3A_176] {strides = array<i32>} : memref<32x1024xf32, #tpu.memory_space<vmem>>, vector<16xf32>,
      %get3A_178 = arith.index_cast %scan3A_74 : i32 to index
      %get3A_179 = arith.constant 544 : index
      %get3A_180 = tpu.vector_load %arg7[%get3A_178, %get3A_179] {strides = array<i32>} : memref<32x1024xf32, #tpu.memory_space<vmem>>, vector<16xf32>,
      %get3A_181 = arith.index_cast %scan3A_74 : i32 to index
      %get3A_182 = arith.constant 560 : index
      %get3A_183 = tpu.vector_load %arg7[%get3A_181, %get3A_182] {strides = array<i32>} : memref<32x1024xf32, #tpu.memory_space<vmem>>, vector<16xf32>,
      %get3A_184 = arith.index_cast %scan3A_74 : i32 to index
      %get3A_185 = arith.constant 576 : index
      %get3A_186 = tpu.vector_load %arg7[%get3A_184, %get3A_185] {strides = array<i32>} : memref<32x1024xf32, #tpu.memory_space<vmem>>, vector<16xf32>,
      %get3A_187 = arith.index_cast %scan3A_74 : i32 to index
      %get3A_188 = arith.constant 592 : index
      %get3A_189 = tpu.vector_load %arg7[%get3A_187, %get3A_188] {strides = array<i32>} : memref<32x1024xf32, #tpu.memory_space<vmem>>, vector<16xf32>,
      %get3A_190 = arith.index_cast %scan3A_74 : i32 to index
      %get3A_191 = arith.constant 608 : index
      %get3A_192 = tpu.vector_load %arg7[%get3A_190, %get3A_191] {strides = array<i32>} : memref<32x1024xf32, #tpu.memory_space<vmem>>, vector<16xf32>,
      %get3A_193 = arith.index_cast %scan3A_74 : i32 to index
      %get3A_194 = arith.constant 624 : index
      %get3A_195 = tpu.vector_load %arg7[%get3A_193, %get3A_194] {strides = array<i32>} : memref<32x1024xf32, #tpu.memory_space<vmem>>, vector<16xf32>,
      %get3A_196 = arith.index_cast %scan3A_74 : i32 to index
      %get3A_197 = arith.constant 640 : index
      %get3A_198 = tpu.vector_load %arg7[%get3A_196, %get3A_197] {strides = array<i32>} : memref<32x1024xf32, #tpu.memory_space<vmem>>, vector<16xf32>,
      %get3A_199 = arith.index_cast %scan3A_74 : i32 to index
      %get3A_200 = arith.constant 656 : index
      %get3A_201 = tpu.vector_load %arg7[%get3A_199, %get3A_200] {strides = array<i32>} : memref<32x1024xf32, #tpu.memory_space<vmem>>, vector<16xf32>,
      %get3A_202 = arith.index_cast %scan3A_74 : i32 to index
      %get3A_203 = arith.constant 672 : index
      %get3A_204 = tpu.vector_load %arg7[%get3A_202, %get3A_203] {strides = array<i32>} : memref<32x1024xf32, #tpu.memory_space<vmem>>, vector<16xf32>,
      %get3A_205 = arith.index_cast %scan3A_74 : i32 to index
      %get3A_206 = arith.constant 688 : index
      %get3A_207 = tpu.vector_load %arg7[%get3A_205, %get3A_206] {strides = array<i32>} : memref<32x1024xf32, #tpu.memory_space<vmem>>, vector<16xf32>,
      %get3A_208 = arith.index_cast %scan3A_74 : i32 to index
      %get3A_209 = arith.constant 704 : index
      %get3A_210 = tpu.vector_load %arg7[%get3A_208, %get3A_209] {strides = array<i32>} : memref<32x1024xf32, #tpu.memory_space<vmem>>, vector<16xf32>,
      %get3A_211 = arith.index_cast %scan3A_74 : i32 to index
      %get3A_212 = arith.constant 720 : index
      %get3A_213 = tpu.vector_load %arg7[%get3A_211, %get3A_212] {strides = array<i32>} : memref<32x1024xf32, #tpu.memory_space<vmem>>, vector<16xf32>,
      %get3A_214 = arith.index_cast %scan3A_74 : i32 to index
      %get3A_215 = arith.constant 736 : index
      %get3A_216 = tpu.vector_load %arg7[%get3A_214, %get3A_215] {strides = array<i32>} : memref<32x1024xf32, #tpu.memory_space<vmem>>, vector<16xf32>,
      %get3A_217 = arith.index_cast %scan3A_74 : i32 to index
      %get3A_218 = arith.constant 752 : index
      %get3A_219 = tpu.vector_load %arg7[%get3A_217, %get3A_218] {strides = array<i32>} : memref<32x1024xf32, #tpu.memory_space<vmem>>, vector<16xf32>,
      %get3A_220 = arith.index_cast %scan3A_74 : i32 to index
      %get3A_221 = arith.constant 768 : index
      %get3A_222 = tpu.vector_load %arg7[%get3A_220, %get3A_221] {strides = array<i32>} : memref<32x1024xf32, #tpu.memory_space<vmem>>, vector<16xf32>,
      %get3A_223 = arith.index_cast %scan3A_74 : i32 to index
      %get3A_224 = arith.constant 784 : index
      %get3A_225 = tpu.vector_load %arg7[%get3A_223, %get3A_224] {strides = array<i32>} : memref<32x1024xf32, #tpu.memory_space<vmem>>, vector<16xf32>,
      %get3A_226 = arith.index_cast %scan3A_74 : i32 to index
      %get3A_227 = arith.constant 800 : index
      %get3A_228 = tpu.vector_load %arg7[%get3A_226, %get3A_227] {strides = array<i32>} : memref<32x1024xf32, #tpu.memory_space<vmem>>, vector<16xf32>,
      %get3A_229 = arith.index_cast %scan3A_74 : i32 to index
      %get3A_230 = arith.constant 816 : index
      %get3A_231 = tpu.vector_load %arg7[%get3A_229, %get3A_230] {strides = array<i32>} : memref<32x1024xf32, #tpu.memory_space<vmem>>, vector<16xf32>,
      %get3A_232 = arith.index_cast %scan3A_74 : i32 to index
      %get3A_233 = arith.constant 832 : index
      %get3A_234 = tpu.vector_load %arg7[%get3A_232, %get3A_233] {strides = array<i32>} : memref<32x1024xf32, #tpu.memory_space<vmem>>, vector<16xf32>,
      %get3A_235 = arith.index_cast %scan3A_74 : i32 to index
      %get3A_236 = arith.constant 848 : index
      %get3A_237 = tpu.vector_load %arg7[%get3A_235, %get3A_236] {strides = array<i32>} : memref<32x1024xf32, #tpu.memory_space<vmem>>, vector<16xf32>,
      %get3A_238 = arith.index_cast %scan3A_74 : i32 to index
      %get3A_239 = arith.constant 864 : index
      %get3A_240 = tpu.vector_load %arg7[%get3A_238, %get3A_239] {strides = array<i32>} : memref<32x1024xf32, #tpu.memory_space<vmem>>, vector<16xf32>,
      %get3A_241 = arith.index_cast %scan3A_74 : i32 to index
      %get3A_242 = arith.constant 880 : index
      %get3A_243 = tpu.vector_load %arg7[%get3A_241, %get3A_242] {strides = array<i32>} : memref<32x1024xf32, #tpu.memory_space<vmem>>, vector<16xf32>,
      %get3A_244 = arith.index_cast %scan3A_74 : i32 to index
      %get3A_245 = arith.constant 896 : index
      %get3A_246 = tpu.vector_load %arg7[%get3A_244, %get3A_245] {strides = array<i32>} : memref<32x1024xf32, #tpu.memory_space<vmem>>, vector<16xf32>,
      %get3A_247 = arith.index_cast %scan3A_74 : i32 to index
      %get3A_248 = arith.constant 912 : index
      %get3A_249 = tpu.vector_load %arg7[%get3A_247, %get3A_248] {strides = array<i32>} : memref<32x1024xf32, #tpu.memory_space<vmem>>, vector<16xf32>,
      %get3A_250 = arith.index_cast %scan3A_74 : i32 to index
      %get3A_251 = arith.constant 928 : index
      %get3A_252 = tpu.vector_load %arg7[%get3A_250, %get3A_251] {strides = array<i32>} : memref<32x1024xf32, #tpu.memory_space<vmem>>, vector<16xf32>,
      %get3A_253 = arith.index_cast %scan3A_74 : i32 to index
      %get3A_254 = arith.constant 944 : index
      %get3A_255 = tpu.vector_load %arg7[%get3A_253, %get3A_254] {strides = array<i32>} : memref<32x1024xf32, #tpu.memory_space<vmem>>, vector<16xf32>,
      %get3A_256 = arith.index_cast %scan3A_74 : i32 to index
      %get3A_257 = arith.constant 960 : index
      %get3A_258 = tpu.vector_load %arg7[%get3A_256, %get3A_257] {strides = array<i32>} : memref<32x1024xf32, #tpu.memory_space<vmem>>, vector<16xf32>,
      %get3A_259 = arith.index_cast %scan3A_74 : i32 to index
      %get3A_260 = arith.constant 976 : index
      %get3A_261 = tpu.vector_load %arg7[%get3A_259, %get3A_260] {strides = array<i32>} : memref<32x1024xf32, #tpu.memory_space<vmem>>, vector<16xf32>,
      %get3A_262 = arith.index_cast %scan3A_74 : i32 to index
      %get3A_263 = arith.constant 992 : index
      %get3A_264 = tpu.vector_load %arg7[%get3A_262, %get3A_263] {strides = array<i32>} : memref<32x1024xf32, #tpu.memory_space<vmem>>, vector<16xf32>,
      %get3A_265 = arith.index_cast %scan3A_74 : i32 to index
      %get3A_266 = arith.constant 1008 : index
      %get3A_267 = tpu.vector_load %arg7[%get3A_265, %get3A_266] {strides = array<i32>} : memref<32x1024xf32, #tpu.memory_space<vmem>>, vector<16xf32>,
      %add3A_268 = arith.addf %get3A_78, %get3A_81 : vector<16xf32>
      %add3A_269 = arith.addf %get3A_84, %get3A_87 : vector<16xf32>
      %add3A_270 = arith.addf %get3A_90, %get3A_93 : vector<16xf32>
      %add3A_271 = arith.addf %get3A_96, %get3A_99 : vector<16xf32>
      %add3A_272 = arith.addf %get3A_102, %get3A_105 : vector<16xf32>
      %add3A_273 = arith.addf %get3A_108, %get3A_111 : vector<16xf32>
      %add3A_274 = arith.addf %get3A_114, %get3A_117 : vector<16xf32>
      %add3A_275 = arith.addf %get3A_120, %get3A_123 : vector<16xf32>
      %add3A_276 = arith.addf %get3A_126, %get3A_129 : vector<16xf32>
      %add3A_277 = arith.addf %get3A_132, %get3A_135 : vector<16xf32>
      %add3A_278 = arith.addf %get3A_138, %get3A_141 : vector<16xf32>
      %add3A_279 = arith.addf %get3A_144, %get3A_147 : vector<16xf32>
      %add3A_280 = arith.addf %get3A_150, %get3A_153 : vector<16xf32>
      %add3A_281 = arith.addf %get3A_156, %get3A_159 : vector<16xf32>
      %add3A_282 = arith.addf %get3A_162, %get3A_165 : vector<16xf32>
      %add3A_283 = arith.addf %get3A_168, %get3A_171 : vector<16xf32>
      %add3A_284 = arith.addf %get3A_174, %get3A_177 : vector<16xf32>
      %add3A_285 = arith.addf %get3A_180, %get3A_183 : vector<16xf32>
      %add3A_286 = arith.addf %get3A_186, %get3A_189 : vector<16xf32>
      %add3A_287 = arith.addf %get3A_192, %get3A_195 : vector<16xf32>
      %add3A_288 = arith.addf %get3A_198, %get3A_201 : vector<16xf32>
      %add3A_289 = arith.addf %get3A_204, %get3A_207 : vector<16xf32>
      %add3A_290 = arith.addf %get3A_210, %get3A_213 : vector<16xf32>
      %add3A_291 = arith.addf %get3A_216, %get3A_219 : vector<16xf32>
      %add3A_292 = arith.addf %get3A_222, %get3A_225 : vector<16xf32>
      %add3A_293 = arith.addf %get3A_228, %get3A_231 : vector<16xf32>
      %add3A_294 = arith.addf %get3A_234, %get3A_237 : vector<16xf32>
      %add3A_295 = arith.addf %get3A_240, %get3A_243 : vector<16xf32>
      %add3A_296 = arith.addf %get3A_246, %get3A_249 : vector<16xf32>
      %add3A_297 = arith.addf %get3A_252, %get3A_255 : vector<16xf32>
      %add3A_298 = arith.addf %get3A_258, %get3A_261 : vector<16xf32>
      %add3A_299 = arith.addf %get3A_264, %get3A_267 : vector<16xf32>
      %add3A_300 = arith.addf %add3A_268, %add3A_269 : vector<16xf32>
      %add3A_301 = arith.addf %add3A_270, %add3A_271 : vector<16xf32>
      %add3A_302 = arith.addf %add3A_272, %add3A_273 : vector<16xf32>
      %add3A_303 = arith.addf %add3A_274, %add3A_275 : vector<16xf32>
      %add3A_304 = arith.addf %add3A_276, %add3A_277 : vector<16xf32>
      %add3A_305 = arith.addf %add3A_278, %add3A_279 : vector<16xf32>
      %add3A_306 = arith.addf %add3A_280, %add3A_281 : vector<16xf32>
      %add3A_307 = arith.addf %add3A_282, %add3A_283 : vector<16xf32>
      %add3A_308 = arith.addf %add3A_284, %add3A_285 : vector<16xf32>
      %add3A_309 = arith.addf %add3A_286, %add3A_287 : vector<16xf32>
      %add3A_310 = arith.addf %add3A_288, %add3A_289 : vector<16xf32>
      %add3A_311 = arith.addf %add3A_290, %add3A_291 : vector<16xf32>
      %add3A_312 = arith.addf %add3A_292, %add3A_293 : vector<16xf32>
      %add3A_313 = arith.addf %add3A_294, %add3A_295 : vector<16xf32>
      %add3A_314 = arith.addf %add3A_296, %add3A_297 : vector<16xf32>
      %add3A_315 = arith.addf %add3A_298, %add3A_299 : vector<16xf32>
      %add3A_316 = arith.addf %add3A_300, %add3A_301 : vector<16xf32>
      %add3A_317 = arith.addf %add3A_302, %add3A_303 : vector<16xf32>
      %add3A_318 = arith.addf %add3A_304, %add3A_305 : vector<16xf32>
      %add3A_319 = arith.addf %add3A_306, %add3A_307 : vector<16xf32>
      %add3A_320 = arith.addf %add3A_308, %add3A_309 : vector<16xf32>
      %add3A_321 = arith.addf %add3A_310, %add3A_311 : vector<16xf32>
      %add3A_322 = arith.addf %add3A_312, %add3A_313 : vector<16xf32>
      %add3A_323 = arith.addf %add3A_314, %add3A_315 : vector<16xf32>
      %add3A_324 = arith.addf %add3A_316, %add3A_317 : vector<16xf32>
      %add3A_325 = arith.addf %add3A_318, %add3A_319 : vector<16xf32>
      %add3A_326 = arith.addf %add3A_320, %add3A_321 : vector<16xf32>
      %add3A_327 = arith.addf %add3A_322, %add3A_323 : vector<16xf32>
      %add3A_328 = arith.addf %add3A_324, %add3A_325 : vector<16xf32>
      %add3A_329 = arith.addf %add3A_326, %add3A_327 : vector<16xf32>
      %add3A_330 = arith.addf %add3A_328, %add3A_329 : vector<16xf32>
      %reduce_sum3A = arith.constant true
      %reduce_sum3A_331 = vector.broadcast %reduce_sum3A : i1 to vector<16xi1>
      %reduce_sum3A_332 = tpu.scan <sum>, %add3A_330 masked %reduce_sum3A_331 : vector<16xf32>, vector<16xi1> -> vector<16xf32>
      %reduce_sum3A_333 = vector.extract %reduce_sum3A_332[15] : f32 from vector<16xf32>
      %gt3A = arith.constant 0.000000e+00 : f32
      %gt3A_334 = arith.cmpf ogt, %reduce_sum3A_333, %gt3A : f32
      %jit3A = arith.constant 1.000000e+00 : f32
      %jit3A_335 = arith.constant 0.000000e+00 : f32
      %select_n3A = arith.select %gt3A_334, %jit3A, %jit3A_335 : f32
      %add3A_336 = arith.constant 32 : i32
      %add3A_337 = arith.addi %add3A_336, %scan3A_74 : i32
      %get3A_338 = arith.index_cast %add3A_337 : i32 to index
      %get3A_339 = tpu.vector_load %arg8[%get3A_338] {strides = array<i32>} : memref<144xf32, #tpu.memory_space<vmem>>, vector<16xf32>,
      %slice3A = vector.extract_strided_slice %get3A_339 {offsets = [0], sizes = [1], strides = [1]} : vector<16xf32> to vector<1xf32>
      %squeeze3A = vector.extract %slice3A[0] : f32 from vector<1xf32>
      %add3A_340 = arith.constant 32 : i32
      %add3A_341 = arith.addi %add3A_340, %scan3A_74 : i32
      %get3A_342 = arith.index_cast %add3A_341 : i32 to index
      %get3A_343 = tpu.vector_load %arg9[%get3A_342] {strides = array<i32>} : memref<144xf32, #tpu.memory_space<vmem>>, vector<16xf32>,
      %slice3A_344 = vector.extract_strided_slice %get3A_343 {offsets = [0], sizes = [1], strides = [1]} : vector<16xf32> to vector<1xf32>
      %squeeze3A_345 = vector.extract %slice3A_344[0] : f32 from vector<1xf32>
      %gt3A_346 = arith.constant 5.000000e-01 : f32
      %gt3A_347 = arith.cmpf ogt, %squeeze3A_345, %gt3A_346 : f32
      %eq3A = arith.constant 1.000000e+00 : f32
      %eq3A_348 = arith.cmpf oeq, %squeeze3A, %eq3A : f32
      %and3A = arith.andi %gt3A_347, %eq3A_348 : i1
      %le3A = arith.constant 5.000000e-01 : f32
      %le3A_349 = arith.cmpf ole, %squeeze3A_345, %le3A : f32
      %eq3A_350 = arith.constant 0.000000e+00 : f32
      %eq3A_351 = arith.cmpf oeq, %squeeze3A, %eq3A_350 : f32
      %and3A_352 = arith.andi %le3A_349, %eq3A_351 : i1
      %or3A = arith.ori %and3A, %and3A_352 : i1
      %jit3A_353 = arith.constant 1.000000e+00 : f32
      %jit3A_354 = arith.constant 0.000000e+00 : f32
      %select_n3A_355 = arith.select %or3A, %jit3A_353, %jit3A_354 : f32
      %mul3A_356 = arith.mulf %select_n3A_355, %select_n3A : f32
      %add3A_357 = arith.addf %scan3A_75, %mul3A_356 : f32
      %add3A_358 = arith.addf %scan3A_76, %select_n3A : f32
      scf.yield %add3A_357, %add3A_358 : f32, f32
    }
    %scan3A_39 = arith.constant 32 : i32
    %add3A_40 = arith.constant 96 : i32
    %add3A_41 = arith.addi %add3A_4, %add3A_40 : i32
    %dma_start3A_42 = arith.constant 0 : i32
    %dma_start3A_43 = tpu.memref_slice %arg2[%add3A_41, %dma_start3A_42] : memref<16384x1024xf32, #tpu.memory_space<hbm>> -> memref<32x1024xf32, #tpu.memory_space<hbm>>
    %dma_start3A_44 = arith.constant 0 : i32
    %dma_start3A_45 = tpu.memref_slice %arg2[%add3A_41, %dma_start3A_44] : memref<16384x1024xf32, #tpu.memory_space<hbm>> -> memref<32x1024xf32, #tpu.memory_space<hbm>>
    tpu.enqueue_dma source(%dma_start3A_45 : memref<32x1024xf32, #tpu.memory_space<hbm>>) target(%arg7 : memref<32x1024xf32, #tpu.memory_space<vmem>>) target_semaphore(%arg12 : memref<!tpu.dma_semaphore, #tpu.memory_space<semaphore_mem>>)
    %dma_wait3A_46 = arith.constant 0 : i32
    %dma_wait3A_47 = tpu.memref_slice %arg2[%add3A_25, %dma_wait3A_46] : memref<16384x1024xf32, #tpu.memory_space<hbm>> -> memref<32x1024xf32, #tpu.memory_space<hbm>>
    %dma_wait3A_48 = arith.constant 0 : i32
    %dma_wait3A_49 = tpu.memref_slice %arg2[%add3A_25, %dma_wait3A_48] : memref<16384x1024xf32, #tpu.memory_space<hbm>> -> memref<32x1024xf32, #tpu.memory_space<hbm>>
    tpu.wait_dma2 semaphore(%arg11 : memref<!tpu.dma_semaphore, #tpu.memory_space<semaphore_mem>>) src(%dma_wait3A_49 : memref<32x1024xf32, #tpu.memory_space<hbm>>) dst(%arg6 : memref<32x1024xf32, #tpu.memory_space<vmem>>)
    %scan3A_50 = arith.constant 0 : i32
    %scan3A_51 = arith.constant 32 : i32
    %scan3A_52 = arith.addi %scan3A_50, %scan3A_51 : i32
    %scan3A_53 = arith.constant 1 : i32
    %scan3A_54:2 = scf.for %scan3A_74 = %scan3A_50 to %scan3A_52 step %scan3A_53 iter_args(%scan3A_75 = %scan3A_38#0, %scan3A_76 = %scan3A_38#1) -> (f32, f32)  : i32 {
      %get3A = arith.index_cast %scan3A_74 : i32 to index
      %get3A_77 = arith.constant 0 : index
      %get3A_78 = tpu.vector_load %arg6[%get3A, %get3A_77] {strides = array<i32>} : memref<32x1024xf32, #tpu.memory_space<vmem>>, vector<16xf32>,
      %get3A_79 = arith.index_cast %scan3A_74 : i32 to index
      %get3A_80 = arith.constant 16 : index
      %get3A_81 = tpu.vector_load %arg6[%get3A_79, %get3A_80] {strides = array<i32>} : memref<32x1024xf32, #tpu.memory_space<vmem>>, vector<16xf32>,
      %get3A_82 = arith.index_cast %scan3A_74 : i32 to index
      %get3A_83 = arith.constant 32 : index
      %get3A_84 = tpu.vector_load %arg6[%get3A_82, %get3A_83] {strides = array<i32>} : memref<32x1024xf32, #tpu.memory_space<vmem>>, vector<16xf32>,
      %get3A_85 = arith.index_cast %scan3A_74 : i32 to index
      %get3A_86 = arith.constant 48 : index
      %get3A_87 = tpu.vector_load %arg6[%get3A_85, %get3A_86] {strides = array<i32>} : memref<32x1024xf32, #tpu.memory_space<vmem>>, vector<16xf32>,
      %get3A_88 = arith.index_cast %scan3A_74 : i32 to index
      %get3A_89 = arith.constant 64 : index
      %get3A_90 = tpu.vector_load %arg6[%get3A_88, %get3A_89] {strides = array<i32>} : memref<32x1024xf32, #tpu.memory_space<vmem>>, vector<16xf32>,
      %get3A_91 = arith.index_cast %scan3A_74 : i32 to index
      %get3A_92 = arith.constant 80 : index
      %get3A_93 = tpu.vector_load %arg6[%get3A_91, %get3A_92] {strides = array<i32>} : memref<32x1024xf32, #tpu.memory_space<vmem>>, vector<16xf32>,
      %get3A_94 = arith.index_cast %scan3A_74 : i32 to index
      %get3A_95 = arith.constant 96 : index
      %get3A_96 = tpu.vector_load %arg6[%get3A_94, %get3A_95] {strides = array<i32>} : memref<32x1024xf32, #tpu.memory_space<vmem>>, vector<16xf32>,
      %get3A_97 = arith.index_cast %scan3A_74 : i32 to index
      %get3A_98 = arith.constant 112 : index
      %get3A_99 = tpu.vector_load %arg6[%get3A_97, %get3A_98] {strides = array<i32>} : memref<32x1024xf32, #tpu.memory_space<vmem>>, vector<16xf32>,
      %get3A_100 = arith.index_cast %scan3A_74 : i32 to index
      %get3A_101 = arith.constant 128 : index
      %get3A_102 = tpu.vector_load %arg6[%get3A_100, %get3A_101] {strides = array<i32>} : memref<32x1024xf32, #tpu.memory_space<vmem>>, vector<16xf32>,
      %get3A_103 = arith.index_cast %scan3A_74 : i32 to index
      %get3A_104 = arith.constant 144 : index
      %get3A_105 = tpu.vector_load %arg6[%get3A_103, %get3A_104] {strides = array<i32>} : memref<32x1024xf32, #tpu.memory_space<vmem>>, vector<16xf32>,
      %get3A_106 = arith.index_cast %scan3A_74 : i32 to index
      %get3A_107 = arith.constant 160 : index
      %get3A_108 = tpu.vector_load %arg6[%get3A_106, %get3A_107] {strides = array<i32>} : memref<32x1024xf32, #tpu.memory_space<vmem>>, vector<16xf32>,
      %get3A_109 = arith.index_cast %scan3A_74 : i32 to index
      %get3A_110 = arith.constant 176 : index
      %get3A_111 = tpu.vector_load %arg6[%get3A_109, %get3A_110] {strides = array<i32>} : memref<32x1024xf32, #tpu.memory_space<vmem>>, vector<16xf32>,
      %get3A_112 = arith.index_cast %scan3A_74 : i32 to index
      %get3A_113 = arith.constant 192 : index
      %get3A_114 = tpu.vector_load %arg6[%get3A_112, %get3A_113] {strides = array<i32>} : memref<32x1024xf32, #tpu.memory_space<vmem>>, vector<16xf32>,
      %get3A_115 = arith.index_cast %scan3A_74 : i32 to index
      %get3A_116 = arith.constant 208 : index
      %get3A_117 = tpu.vector_load %arg6[%get3A_115, %get3A_116] {strides = array<i32>} : memref<32x1024xf32, #tpu.memory_space<vmem>>, vector<16xf32>,
      %get3A_118 = arith.index_cast %scan3A_74 : i32 to index
      %get3A_119 = arith.constant 224 : index
      %get3A_120 = tpu.vector_load %arg6[%get3A_118, %get3A_119] {strides = array<i32>} : memref<32x1024xf32, #tpu.memory_space<vmem>>, vector<16xf32>,
      %get3A_121 = arith.index_cast %scan3A_74 : i32 to index
      %get3A_122 = arith.constant 240 : index
      %get3A_123 = tpu.vector_load %arg6[%get3A_121, %get3A_122] {strides = array<i32>} : memref<32x1024xf32, #tpu.memory_space<vmem>>, vector<16xf32>,
      %get3A_124 = arith.index_cast %scan3A_74 : i32 to index
      %get3A_125 = arith.constant 256 : index
      %get3A_126 = tpu.vector_load %arg6[%get3A_124, %get3A_125] {strides = array<i32>} : memref<32x1024xf32, #tpu.memory_space<vmem>>, vector<16xf32>,
      %get3A_127 = arith.index_cast %scan3A_74 : i32 to index
      %get3A_128 = arith.constant 272 : index
      %get3A_129 = tpu.vector_load %arg6[%get3A_127, %get3A_128] {strides = array<i32>} : memref<32x1024xf32, #tpu.memory_space<vmem>>, vector<16xf32>,
      %get3A_130 = arith.index_cast %scan3A_74 : i32 to index
      %get3A_131 = arith.constant 288 : index
      %get3A_132 = tpu.vector_load %arg6[%get3A_130, %get3A_131] {strides = array<i32>} : memref<32x1024xf32, #tpu.memory_space<vmem>>, vector<16xf32>,
      %get3A_133 = arith.index_cast %scan3A_74 : i32 to index
      %get3A_134 = arith.constant 304 : index
      %get3A_135 = tpu.vector_load %arg6[%get3A_133, %get3A_134] {strides = array<i32>} : memref<32x1024xf32, #tpu.memory_space<vmem>>, vector<16xf32>,
      %get3A_136 = arith.index_cast %scan3A_74 : i32 to index
      %get3A_137 = arith.constant 320 : index
      %get3A_138 = tpu.vector_load %arg6[%get3A_136, %get3A_137] {strides = array<i32>} : memref<32x1024xf32, #tpu.memory_space<vmem>>, vector<16xf32>,
      %get3A_139 = arith.index_cast %scan3A_74 : i32 to index
      %get3A_140 = arith.constant 336 : index
      %get3A_141 = tpu.vector_load %arg6[%get3A_139, %get3A_140] {strides = array<i32>} : memref<32x1024xf32, #tpu.memory_space<vmem>>, vector<16xf32>,
      %get3A_142 = arith.index_cast %scan3A_74 : i32 to index
      %get3A_143 = arith.constant 352 : index
      %get3A_144 = tpu.vector_load %arg6[%get3A_142, %get3A_143] {strides = array<i32>} : memref<32x1024xf32, #tpu.memory_space<vmem>>, vector<16xf32>,
      %get3A_145 = arith.index_cast %scan3A_74 : i32 to index
      %get3A_146 = arith.constant 368 : index
      %get3A_147 = tpu.vector_load %arg6[%get3A_145, %get3A_146] {strides = array<i32>} : memref<32x1024xf32, #tpu.memory_space<vmem>>, vector<16xf32>,
      %get3A_148 = arith.index_cast %scan3A_74 : i32 to index
      %get3A_149 = arith.constant 384 : index
      %get3A_150 = tpu.vector_load %arg6[%get3A_148, %get3A_149] {strides = array<i32>} : memref<32x1024xf32, #tpu.memory_space<vmem>>, vector<16xf32>,
      %get3A_151 = arith.index_cast %scan3A_74 : i32 to index
      %get3A_152 = arith.constant 400 : index
      %get3A_153 = tpu.vector_load %arg6[%get3A_151, %get3A_152] {strides = array<i32>} : memref<32x1024xf32, #tpu.memory_space<vmem>>, vector<16xf32>,
      %get3A_154 = arith.index_cast %scan3A_74 : i32 to index
      %get3A_155 = arith.constant 416 : index
      %get3A_156 = tpu.vector_load %arg6[%get3A_154, %get3A_155] {strides = array<i32>} : memref<32x1024xf32, #tpu.memory_space<vmem>>, vector<16xf32>,
      %get3A_157 = arith.index_cast %scan3A_74 : i32 to index
      %get3A_158 = arith.constant 432 : index
      %get3A_159 = tpu.vector_load %arg6[%get3A_157, %get3A_158] {strides = array<i32>} : memref<32x1024xf32, #tpu.memory_space<vmem>>, vector<16xf32>,
      %get3A_160 = arith.index_cast %scan3A_74 : i32 to index
      %get3A_161 = arith.constant 448 : index
      %get3A_162 = tpu.vector_load %arg6[%get3A_160, %get3A_161] {strides = array<i32>} : memref<32x1024xf32, #tpu.memory_space<vmem>>, vector<16xf32>,
      %get3A_163 = arith.index_cast %scan3A_74 : i32 to index
      %get3A_164 = arith.constant 464 : index
      %get3A_165 = tpu.vector_load %arg6[%get3A_163, %get3A_164] {strides = array<i32>} : memref<32x1024xf32, #tpu.memory_space<vmem>>, vector<16xf32>,
      %get3A_166 = arith.index_cast %scan3A_74 : i32 to index
      %get3A_167 = arith.constant 480 : index
      %get3A_168 = tpu.vector_load %arg6[%get3A_166, %get3A_167] {strides = array<i32>} : memref<32x1024xf32, #tpu.memory_space<vmem>>, vector<16xf32>,
      %get3A_169 = arith.index_cast %scan3A_74 : i32 to index
      %get3A_170 = arith.constant 496 : index
      %get3A_171 = tpu.vector_load %arg6[%get3A_169, %get3A_170] {strides = array<i32>} : memref<32x1024xf32, #tpu.memory_space<vmem>>, vector<16xf32>,
      %get3A_172 = arith.index_cast %scan3A_74 : i32 to index
      %get3A_173 = arith.constant 512 : index
      %get3A_174 = tpu.vector_load %arg6[%get3A_172, %get3A_173] {strides = array<i32>} : memref<32x1024xf32, #tpu.memory_space<vmem>>, vector<16xf32>,
      %get3A_175 = arith.index_cast %scan3A_74 : i32 to index
      %get3A_176 = arith.constant 528 : index
      %get3A_177 = tpu.vector_load %arg6[%get3A_175, %get3A_176] {strides = array<i32>} : memref<32x1024xf32, #tpu.memory_space<vmem>>, vector<16xf32>,
      %get3A_178 = arith.index_cast %scan3A_74 : i32 to index
      %get3A_179 = arith.constant 544 : index
      %get3A_180 = tpu.vector_load %arg6[%get3A_178, %get3A_179] {strides = array<i32>} : memref<32x1024xf32, #tpu.memory_space<vmem>>, vector<16xf32>,
      %get3A_181 = arith.index_cast %scan3A_74 : i32 to index
      %get3A_182 = arith.constant 560 : index
      %get3A_183 = tpu.vector_load %arg6[%get3A_181, %get3A_182] {strides = array<i32>} : memref<32x1024xf32, #tpu.memory_space<vmem>>, vector<16xf32>,
      %get3A_184 = arith.index_cast %scan3A_74 : i32 to index
      %get3A_185 = arith.constant 576 : index
      %get3A_186 = tpu.vector_load %arg6[%get3A_184, %get3A_185] {strides = array<i32>} : memref<32x1024xf32, #tpu.memory_space<vmem>>, vector<16xf32>,
      %get3A_187 = arith.index_cast %scan3A_74 : i32 to index
      %get3A_188 = arith.constant 592 : index
      %get3A_189 = tpu.vector_load %arg6[%get3A_187, %get3A_188] {strides = array<i32>} : memref<32x1024xf32, #tpu.memory_space<vmem>>, vector<16xf32>,
      %get3A_190 = arith.index_cast %scan3A_74 : i32 to index
      %get3A_191 = arith.constant 608 : index
      %get3A_192 = tpu.vector_load %arg6[%get3A_190, %get3A_191] {strides = array<i32>} : memref<32x1024xf32, #tpu.memory_space<vmem>>, vector<16xf32>,
      %get3A_193 = arith.index_cast %scan3A_74 : i32 to index
      %get3A_194 = arith.constant 624 : index
      %get3A_195 = tpu.vector_load %arg6[%get3A_193, %get3A_194] {strides = array<i32>} : memref<32x1024xf32, #tpu.memory_space<vmem>>, vector<16xf32>,
      %get3A_196 = arith.index_cast %scan3A_74 : i32 to index
      %get3A_197 = arith.constant 640 : index
      %get3A_198 = tpu.vector_load %arg6[%get3A_196, %get3A_197] {strides = array<i32>} : memref<32x1024xf32, #tpu.memory_space<vmem>>, vector<16xf32>,
      %get3A_199 = arith.index_cast %scan3A_74 : i32 to index
      %get3A_200 = arith.constant 656 : index
      %get3A_201 = tpu.vector_load %arg6[%get3A_199, %get3A_200] {strides = array<i32>} : memref<32x1024xf32, #tpu.memory_space<vmem>>, vector<16xf32>,
      %get3A_202 = arith.index_cast %scan3A_74 : i32 to index
      %get3A_203 = arith.constant 672 : index
      %get3A_204 = tpu.vector_load %arg6[%get3A_202, %get3A_203] {strides = array<i32>} : memref<32x1024xf32, #tpu.memory_space<vmem>>, vector<16xf32>,
      %get3A_205 = arith.index_cast %scan3A_74 : i32 to index
      %get3A_206 = arith.constant 688 : index
      %get3A_207 = tpu.vector_load %arg6[%get3A_205, %get3A_206] {strides = array<i32>} : memref<32x1024xf32, #tpu.memory_space<vmem>>, vector<16xf32>,
      %get3A_208 = arith.index_cast %scan3A_74 : i32 to index
      %get3A_209 = arith.constant 704 : index
      %get3A_210 = tpu.vector_load %arg6[%get3A_208, %get3A_209] {strides = array<i32>} : memref<32x1024xf32, #tpu.memory_space<vmem>>, vector<16xf32>,
      %get3A_211 = arith.index_cast %scan3A_74 : i32 to index
      %get3A_212 = arith.constant 720 : index
      %get3A_213 = tpu.vector_load %arg6[%get3A_211, %get3A_212] {strides = array<i32>} : memref<32x1024xf32, #tpu.memory_space<vmem>>, vector<16xf32>,
      %get3A_214 = arith.index_cast %scan3A_74 : i32 to index
      %get3A_215 = arith.constant 736 : index
      %get3A_216 = tpu.vector_load %arg6[%get3A_214, %get3A_215] {strides = array<i32>} : memref<32x1024xf32, #tpu.memory_space<vmem>>, vector<16xf32>,
      %get3A_217 = arith.index_cast %scan3A_74 : i32 to index
      %get3A_218 = arith.constant 752 : index
      %get3A_219 = tpu.vector_load %arg6[%get3A_217, %get3A_218] {strides = array<i32>} : memref<32x1024xf32, #tpu.memory_space<vmem>>, vector<16xf32>,
      %get3A_220 = arith.index_cast %scan3A_74 : i32 to index
      %get3A_221 = arith.constant 768 : index
      %get3A_222 = tpu.vector_load %arg6[%get3A_220, %get3A_221] {strides = array<i32>} : memref<32x1024xf32, #tpu.memory_space<vmem>>, vector<16xf32>,
      %get3A_223 = arith.index_cast %scan3A_74 : i32 to index
      %get3A_224 = arith.constant 784 : index
      %get3A_225 = tpu.vector_load %arg6[%get3A_223, %get3A_224] {strides = array<i32>} : memref<32x1024xf32, #tpu.memory_space<vmem>>, vector<16xf32>,
      %get3A_226 = arith.index_cast %scan3A_74 : i32 to index
      %get3A_227 = arith.constant 800 : index
      %get3A_228 = tpu.vector_load %arg6[%get3A_226, %get3A_227] {strides = array<i32>} : memref<32x1024xf32, #tpu.memory_space<vmem>>, vector<16xf32>,
      %get3A_229 = arith.index_cast %scan3A_74 : i32 to index
      %get3A_230 = arith.constant 816 : index
      %get3A_231 = tpu.vector_load %arg6[%get3A_229, %get3A_230] {strides = array<i32>} : memref<32x1024xf32, #tpu.memory_space<vmem>>, vector<16xf32>,
      %get3A_232 = arith.index_cast %scan3A_74 : i32 to index
      %get3A_233 = arith.constant 832 : index
      %get3A_234 = tpu.vector_load %arg6[%get3A_232, %get3A_233] {strides = array<i32>} : memref<32x1024xf32, #tpu.memory_space<vmem>>, vector<16xf32>,
      %get3A_235 = arith.index_cast %scan3A_74 : i32 to index
      %get3A_236 = arith.constant 848 : index
      %get3A_237 = tpu.vector_load %arg6[%get3A_235, %get3A_236] {strides = array<i32>} : memref<32x1024xf32, #tpu.memory_space<vmem>>, vector<16xf32>,
      %get3A_238 = arith.index_cast %scan3A_74 : i32 to index
      %get3A_239 = arith.constant 864 : index
      %get3A_240 = tpu.vector_load %arg6[%get3A_238, %get3A_239] {strides = array<i32>} : memref<32x1024xf32, #tpu.memory_space<vmem>>, vector<16xf32>,
      %get3A_241 = arith.index_cast %scan3A_74 : i32 to index
      %get3A_242 = arith.constant 880 : index
      %get3A_243 = tpu.vector_load %arg6[%get3A_241, %get3A_242] {strides = array<i32>} : memref<32x1024xf32, #tpu.memory_space<vmem>>, vector<16xf32>,
      %get3A_244 = arith.index_cast %scan3A_74 : i32 to index
      %get3A_245 = arith.constant 896 : index
      %get3A_246 = tpu.vector_load %arg6[%get3A_244, %get3A_245] {strides = array<i32>} : memref<32x1024xf32, #tpu.memory_space<vmem>>, vector<16xf32>,
      %get3A_247 = arith.index_cast %scan3A_74 : i32 to index
      %get3A_248 = arith.constant 912 : index
      %get3A_249 = tpu.vector_load %arg6[%get3A_247, %get3A_248] {strides = array<i32>} : memref<32x1024xf32, #tpu.memory_space<vmem>>, vector<16xf32>,
      %get3A_250 = arith.index_cast %scan3A_74 : i32 to index
      %get3A_251 = arith.constant 928 : index
      %get3A_252 = tpu.vector_load %arg6[%get3A_250, %get3A_251] {strides = array<i32>} : memref<32x1024xf32, #tpu.memory_space<vmem>>, vector<16xf32>,
      %get3A_253 = arith.index_cast %scan3A_74 : i32 to index
      %get3A_254 = arith.constant 944 : index
      %get3A_255 = tpu.vector_load %arg6[%get3A_253, %get3A_254] {strides = array<i32>} : memref<32x1024xf32, #tpu.memory_space<vmem>>, vector<16xf32>,
      %get3A_256 = arith.index_cast %scan3A_74 : i32 to index
      %get3A_257 = arith.constant 960 : index
      %get3A_258 = tpu.vector_load %arg6[%get3A_256, %get3A_257] {strides = array<i32>} : memref<32x1024xf32, #tpu.memory_space<vmem>>, vector<16xf32>,
      %get3A_259 = arith.index_cast %scan3A_74 : i32 to index
      %get3A_260 = arith.constant 976 : index
      %get3A_261 = tpu.vector_load %arg6[%get3A_259, %get3A_260] {strides = array<i32>} : memref<32x1024xf32, #tpu.memory_space<vmem>>, vector<16xf32>,
      %get3A_262 = arith.index_cast %scan3A_74 : i32 to index
      %get3A_263 = arith.constant 992 : index
      %get3A_264 = tpu.vector_load %arg6[%get3A_262, %get3A_263] {strides = array<i32>} : memref<32x1024xf32, #tpu.memory_space<vmem>>, vector<16xf32>,
      %get3A_265 = arith.index_cast %scan3A_74 : i32 to index
      %get3A_266 = arith.constant 1008 : index
      %get3A_267 = tpu.vector_load %arg6[%get3A_265, %get3A_266] {strides = array<i32>} : memref<32x1024xf32, #tpu.memory_space<vmem>>, vector<16xf32>,
      %add3A_268 = arith.addf %get3A_78, %get3A_81 : vector<16xf32>
      %add3A_269 = arith.addf %get3A_84, %get3A_87 : vector<16xf32>
      %add3A_270 = arith.addf %get3A_90, %get3A_93 : vector<16xf32>
      %add3A_271 = arith.addf %get3A_96, %get3A_99 : vector<16xf32>
      %add3A_272 = arith.addf %get3A_102, %get3A_105 : vector<16xf32>
      %add3A_273 = arith.addf %get3A_108, %get3A_111 : vector<16xf32>
      %add3A_274 = arith.addf %get3A_114, %get3A_117 : vector<16xf32>
      %add3A_275 = arith.addf %get3A_120, %get3A_123 : vector<16xf32>
      %add3A_276 = arith.addf %get3A_126, %get3A_129 : vector<16xf32>
      %add3A_277 = arith.addf %get3A_132, %get3A_135 : vector<16xf32>
      %add3A_278 = arith.addf %get3A_138, %get3A_141 : vector<16xf32>
      %add3A_279 = arith.addf %get3A_144, %get3A_147 : vector<16xf32>
      %add3A_280 = arith.addf %get3A_150, %get3A_153 : vector<16xf32>
      %add3A_281 = arith.addf %get3A_156, %get3A_159 : vector<16xf32>
      %add3A_282 = arith.addf %get3A_162, %get3A_165 : vector<16xf32>
      %add3A_283 = arith.addf %get3A_168, %get3A_171 : vector<16xf32>
      %add3A_284 = arith.addf %get3A_174, %get3A_177 : vector<16xf32>
      %add3A_285 = arith.addf %get3A_180, %get3A_183 : vector<16xf32>
      %add3A_286 = arith.addf %get3A_186, %get3A_189 : vector<16xf32>
      %add3A_287 = arith.addf %get3A_192, %get3A_195 : vector<16xf32>
      %add3A_288 = arith.addf %get3A_198, %get3A_201 : vector<16xf32>
      %add3A_289 = arith.addf %get3A_204, %get3A_207 : vector<16xf32>
      %add3A_290 = arith.addf %get3A_210, %get3A_213 : vector<16xf32>
      %add3A_291 = arith.addf %get3A_216, %get3A_219 : vector<16xf32>
      %add3A_292 = arith.addf %get3A_222, %get3A_225 : vector<16xf32>
      %add3A_293 = arith.addf %get3A_228, %get3A_231 : vector<16xf32>
      %add3A_294 = arith.addf %get3A_234, %get3A_237 : vector<16xf32>
      %add3A_295 = arith.addf %get3A_240, %get3A_243 : vector<16xf32>
      %add3A_296 = arith.addf %get3A_246, %get3A_249 : vector<16xf32>
      %add3A_297 = arith.addf %get3A_252, %get3A_255 : vector<16xf32>
      %add3A_298 = arith.addf %get3A_258, %get3A_261 : vector<16xf32>
      %add3A_299 = arith.addf %get3A_264, %get3A_267 : vector<16xf32>
      %add3A_300 = arith.addf %add3A_268, %add3A_269 : vector<16xf32>
      %add3A_301 = arith.addf %add3A_270, %add3A_271 : vector<16xf32>
      %add3A_302 = arith.addf %add3A_272, %add3A_273 : vector<16xf32>
      %add3A_303 = arith.addf %add3A_274, %add3A_275 : vector<16xf32>
      %add3A_304 = arith.addf %add3A_276, %add3A_277 : vector<16xf32>
      %add3A_305 = arith.addf %add3A_278, %add3A_279 : vector<16xf32>
      %add3A_306 = arith.addf %add3A_280, %add3A_281 : vector<16xf32>
      %add3A_307 = arith.addf %add3A_282, %add3A_283 : vector<16xf32>
      %add3A_308 = arith.addf %add3A_284, %add3A_285 : vector<16xf32>
      %add3A_309 = arith.addf %add3A_286, %add3A_287 : vector<16xf32>
      %add3A_310 = arith.addf %add3A_288, %add3A_289 : vector<16xf32>
      %add3A_311 = arith.addf %add3A_290, %add3A_291 : vector<16xf32>
      %add3A_312 = arith.addf %add3A_292, %add3A_293 : vector<16xf32>
      %add3A_313 = arith.addf %add3A_294, %add3A_295 : vector<16xf32>
      %add3A_314 = arith.addf %add3A_296, %add3A_297 : vector<16xf32>
      %add3A_315 = arith.addf %add3A_298, %add3A_299 : vector<16xf32>
      %add3A_316 = arith.addf %add3A_300, %add3A_301 : vector<16xf32>
      %add3A_317 = arith.addf %add3A_302, %add3A_303 : vector<16xf32>
      %add3A_318 = arith.addf %add3A_304, %add3A_305 : vector<16xf32>
      %add3A_319 = arith.addf %add3A_306, %add3A_307 : vector<16xf32>
      %add3A_320 = arith.addf %add3A_308, %add3A_309 : vector<16xf32>
      %add3A_321 = arith.addf %add3A_310, %add3A_311 : vector<16xf32>
      %add3A_322 = arith.addf %add3A_312, %add3A_313 : vector<16xf32>
      %add3A_323 = arith.addf %add3A_314, %add3A_315 : vector<16xf32>
      %add3A_324 = arith.addf %add3A_316, %add3A_317 : vector<16xf32>
      %add3A_325 = arith.addf %add3A_318, %add3A_319 : vector<16xf32>
      %add3A_326 = arith.addf %add3A_320, %add3A_321 : vector<16xf32>
      %add3A_327 = arith.addf %add3A_322, %add3A_323 : vector<16xf32>
      %add3A_328 = arith.addf %add3A_324, %add3A_325 : vector<16xf32>
      %add3A_329 = arith.addf %add3A_326, %add3A_327 : vector<16xf32>
      %add3A_330 = arith.addf %add3A_328, %add3A_329 : vector<16xf32>
      %reduce_sum3A = arith.constant true
      %reduce_sum3A_331 = vector.broadcast %reduce_sum3A : i1 to vector<16xi1>
      %reduce_sum3A_332 = tpu.scan <sum>, %add3A_330 masked %reduce_sum3A_331 : vector<16xf32>, vector<16xi1> -> vector<16xf32>
      %reduce_sum3A_333 = vector.extract %reduce_sum3A_332[15] : f32 from vector<16xf32>
      %gt3A = arith.constant 0.000000e+00 : f32
      %gt3A_334 = arith.cmpf ogt, %reduce_sum3A_333, %gt3A : f32
      %jit3A = arith.constant 1.000000e+00 : f32
      %jit3A_335 = arith.constant 0.000000e+00 : f32
      %select_n3A = arith.select %gt3A_334, %jit3A, %jit3A_335 : f32
      %add3A_336 = arith.constant 64 : i32
      %add3A_337 = arith.addi %add3A_336, %scan3A_74 : i32
      %get3A_338 = arith.index_cast %add3A_337 : i32 to index
      %get3A_339 = tpu.vector_load %arg8[%get3A_338] {strides = array<i32>} : memref<144xf32, #tpu.memory_space<vmem>>, vector<16xf32>,
      %slice3A = vector.extract_strided_slice %get3A_339 {offsets = [0], sizes = [1], strides = [1]} : vector<16xf32> to vector<1xf32>
      %squeeze3A = vector.extract %slice3A[0] : f32 from vector<1xf32>
      %add3A_340 = arith.constant 64 : i32
      %add3A_341 = arith.addi %add3A_340, %scan3A_74 : i32
      %get3A_342 = arith.index_cast %add3A_341 : i32 to index
      %get3A_343 = tpu.vector_load %arg9[%get3A_342] {strides = array<i32>} : memref<144xf32, #tpu.memory_space<vmem>>, vector<16xf32>,
      %slice3A_344 = vector.extract_strided_slice %get3A_343 {offsets = [0], sizes = [1], strides = [1]} : vector<16xf32> to vector<1xf32>
      %squeeze3A_345 = vector.extract %slice3A_344[0] : f32 from vector<1xf32>
      %gt3A_346 = arith.constant 5.000000e-01 : f32
      %gt3A_347 = arith.cmpf ogt, %squeeze3A_345, %gt3A_346 : f32
      %eq3A = arith.constant 1.000000e+00 : f32
      %eq3A_348 = arith.cmpf oeq, %squeeze3A, %eq3A : f32
      %and3A = arith.andi %gt3A_347, %eq3A_348 : i1
      %le3A = arith.constant 5.000000e-01 : f32
      %le3A_349 = arith.cmpf ole, %squeeze3A_345, %le3A : f32
      %eq3A_350 = arith.constant 0.000000e+00 : f32
      %eq3A_351 = arith.cmpf oeq, %squeeze3A, %eq3A_350 : f32
      %and3A_352 = arith.andi %le3A_349, %eq3A_351 : i1
      %or3A = arith.ori %and3A, %and3A_352 : i1
      %jit3A_353 = arith.constant 1.000000e+00 : f32
      %jit3A_354 = arith.constant 0.000000e+00 : f32
      %select_n3A_355 = arith.select %or3A, %jit3A_353, %jit3A_354 : f32
      %mul3A_356 = arith.mulf %select_n3A_355, %select_n3A : f32
      %add3A_357 = arith.addf %scan3A_75, %mul3A_356 : f32
      %add3A_358 = arith.addf %scan3A_76, %select_n3A : f32
      scf.yield %add3A_357, %add3A_358 : f32, f32
    }
    %scan3A_55 = arith.constant 32 : i32
    %dma_wait3A_56 = arith.constant 0 : i32
    %dma_wait3A_57 = tpu.memref_slice %arg2[%add3A_41, %dma_wait3A_56] : memref<16384x1024xf32, #tpu.memory_space<hbm>> -> memref<32x1024xf32, #tpu.memory_space<hbm>>
    %dma_wait3A_58 = arith.constant 0 : i32
    %dma_wait3A_59 = tpu.memref_slice %arg2[%add3A_41, %dma_wait3A_58] : memref<16384x1024xf32, #tpu.memory_space<hbm>> -> memref<32x1024xf32, #tpu.memory_space<hbm>>
    tpu.wait_dma2 semaphore(%arg12 : memref<!tpu.dma_semaphore, #tpu.memory_space<semaphore_mem>>) src(%dma_wait3A_59 : memref<32x1024xf32, #tpu.memory_space<hbm>>) dst(%arg7 : memref<32x1024xf32, #tpu.memory_space<vmem>>)
    %scan3A_60 = arith.constant 0 : i32
    %scan3A_61 = arith.constant 32 : i32
    %scan3A_62 = arith.addi %scan3A_60, %scan3A_61 : i32
    %scan3A_63 = arith.constant 1 : i32
    %scan3A_64:2 = scf.for %scan3A_74 = %scan3A_60 to %scan3A_62 step %scan3A_63 iter_args(%scan3A_75 = %scan3A_54#0, %scan3A_76 = %scan3A_54#1) -> (f32, f32)  : i32 {
      %get3A = arith.index_cast %scan3A_74 : i32 to index
      %get3A_77 = arith.constant 0 : index
      %get3A_78 = tpu.vector_load %arg7[%get3A, %get3A_77] {strides = array<i32>} : memref<32x1024xf32, #tpu.memory_space<vmem>>, vector<16xf32>,
      %get3A_79 = arith.index_cast %scan3A_74 : i32 to index
      %get3A_80 = arith.constant 16 : index
      %get3A_81 = tpu.vector_load %arg7[%get3A_79, %get3A_80] {strides = array<i32>} : memref<32x1024xf32, #tpu.memory_space<vmem>>, vector<16xf32>,
      %get3A_82 = arith.index_cast %scan3A_74 : i32 to index
      %get3A_83 = arith.constant 32 : index
      %get3A_84 = tpu.vector_load %arg7[%get3A_82, %get3A_83] {strides = array<i32>} : memref<32x1024xf32, #tpu.memory_space<vmem>>, vector<16xf32>,
      %get3A_85 = arith.index_cast %scan3A_74 : i32 to index
      %get3A_86 = arith.constant 48 : index
      %get3A_87 = tpu.vector_load %arg7[%get3A_85, %get3A_86] {strides = array<i32>} : memref<32x1024xf32, #tpu.memory_space<vmem>>, vector<16xf32>,
      %get3A_88 = arith.index_cast %scan3A_74 : i32 to index
      %get3A_89 = arith.constant 64 : index
      %get3A_90 = tpu.vector_load %arg7[%get3A_88, %get3A_89] {strides = array<i32>} : memref<32x1024xf32, #tpu.memory_space<vmem>>, vector<16xf32>,
      %get3A_91 = arith.index_cast %scan3A_74 : i32 to index
      %get3A_92 = arith.constant 80 : index
      %get3A_93 = tpu.vector_load %arg7[%get3A_91, %get3A_92] {strides = array<i32>} : memref<32x1024xf32, #tpu.memory_space<vmem>>, vector<16xf32>,
      %get3A_94 = arith.index_cast %scan3A_74 : i32 to index
      %get3A_95 = arith.constant 96 : index
      %get3A_96 = tpu.vector_load %arg7[%get3A_94, %get3A_95] {strides = array<i32>} : memref<32x1024xf32, #tpu.memory_space<vmem>>, vector<16xf32>,
      %get3A_97 = arith.index_cast %scan3A_74 : i32 to index
      %get3A_98 = arith.constant 112 : index
      %get3A_99 = tpu.vector_load %arg7[%get3A_97, %get3A_98] {strides = array<i32>} : memref<32x1024xf32, #tpu.memory_space<vmem>>, vector<16xf32>,
      %get3A_100 = arith.index_cast %scan3A_74 : i32 to index
      %get3A_101 = arith.constant 128 : index
      %get3A_102 = tpu.vector_load %arg7[%get3A_100, %get3A_101] {strides = array<i32>} : memref<32x1024xf32, #tpu.memory_space<vmem>>, vector<16xf32>,
      %get3A_103 = arith.index_cast %scan3A_74 : i32 to index
      %get3A_104 = arith.constant 144 : index
      %get3A_105 = tpu.vector_load %arg7[%get3A_103, %get3A_104] {strides = array<i32>} : memref<32x1024xf32, #tpu.memory_space<vmem>>, vector<16xf32>,
      %get3A_106 = arith.index_cast %scan3A_74 : i32 to index
      %get3A_107 = arith.constant 160 : index
      %get3A_108 = tpu.vector_load %arg7[%get3A_106, %get3A_107] {strides = array<i32>} : memref<32x1024xf32, #tpu.memory_space<vmem>>, vector<16xf32>,
      %get3A_109 = arith.index_cast %scan3A_74 : i32 to index
      %get3A_110 = arith.constant 176 : index
      %get3A_111 = tpu.vector_load %arg7[%get3A_109, %get3A_110] {strides = array<i32>} : memref<32x1024xf32, #tpu.memory_space<vmem>>, vector<16xf32>,
      %get3A_112 = arith.index_cast %scan3A_74 : i32 to index
      %get3A_113 = arith.constant 192 : index
      %get3A_114 = tpu.vector_load %arg7[%get3A_112, %get3A_113] {strides = array<i32>} : memref<32x1024xf32, #tpu.memory_space<vmem>>, vector<16xf32>,
      %get3A_115 = arith.index_cast %scan3A_74 : i32 to index
      %get3A_116 = arith.constant 208 : index
      %get3A_117 = tpu.vector_load %arg7[%get3A_115, %get3A_116] {strides = array<i32>} : memref<32x1024xf32, #tpu.memory_space<vmem>>, vector<16xf32>,
      %get3A_118 = arith.index_cast %scan3A_74 : i32 to index
      %get3A_119 = arith.constant 224 : index
      %get3A_120 = tpu.vector_load %arg7[%get3A_118, %get3A_119] {strides = array<i32>} : memref<32x1024xf32, #tpu.memory_space<vmem>>, vector<16xf32>,
      %get3A_121 = arith.index_cast %scan3A_74 : i32 to index
      %get3A_122 = arith.constant 240 : index
      %get3A_123 = tpu.vector_load %arg7[%get3A_121, %get3A_122] {strides = array<i32>} : memref<32x1024xf32, #tpu.memory_space<vmem>>, vector<16xf32>,
      %get3A_124 = arith.index_cast %scan3A_74 : i32 to index
      %get3A_125 = arith.constant 256 : index
      %get3A_126 = tpu.vector_load %arg7[%get3A_124, %get3A_125] {strides = array<i32>} : memref<32x1024xf32, #tpu.memory_space<vmem>>, vector<16xf32>,
      %get3A_127 = arith.index_cast %scan3A_74 : i32 to index
      %get3A_128 = arith.constant 272 : index
      %get3A_129 = tpu.vector_load %arg7[%get3A_127, %get3A_128] {strides = array<i32>} : memref<32x1024xf32, #tpu.memory_space<vmem>>, vector<16xf32>,
      %get3A_130 = arith.index_cast %scan3A_74 : i32 to index
      %get3A_131 = arith.constant 288 : index
      %get3A_132 = tpu.vector_load %arg7[%get3A_130, %get3A_131] {strides = array<i32>} : memref<32x1024xf32, #tpu.memory_space<vmem>>, vector<16xf32>,
      %get3A_133 = arith.index_cast %scan3A_74 : i32 to index
      %get3A_134 = arith.constant 304 : index
      %get3A_135 = tpu.vector_load %arg7[%get3A_133, %get3A_134] {strides = array<i32>} : memref<32x1024xf32, #tpu.memory_space<vmem>>, vector<16xf32>,
      %get3A_136 = arith.index_cast %scan3A_74 : i32 to index
      %get3A_137 = arith.constant 320 : index
      %get3A_138 = tpu.vector_load %arg7[%get3A_136, %get3A_137] {strides = array<i32>} : memref<32x1024xf32, #tpu.memory_space<vmem>>, vector<16xf32>,
      %get3A_139 = arith.index_cast %scan3A_74 : i32 to index
      %get3A_140 = arith.constant 336 : index
      %get3A_141 = tpu.vector_load %arg7[%get3A_139, %get3A_140] {strides = array<i32>} : memref<32x1024xf32, #tpu.memory_space<vmem>>, vector<16xf32>,
      %get3A_142 = arith.index_cast %scan3A_74 : i32 to index
      %get3A_143 = arith.constant 352 : index
      %get3A_144 = tpu.vector_load %arg7[%get3A_142, %get3A_143] {strides = array<i32>} : memref<32x1024xf32, #tpu.memory_space<vmem>>, vector<16xf32>,
      %get3A_145 = arith.index_cast %scan3A_74 : i32 to index
      %get3A_146 = arith.constant 368 : index
      %get3A_147 = tpu.vector_load %arg7[%get3A_145, %get3A_146] {strides = array<i32>} : memref<32x1024xf32, #tpu.memory_space<vmem>>, vector<16xf32>,
      %get3A_148 = arith.index_cast %scan3A_74 : i32 to index
      %get3A_149 = arith.constant 384 : index
      %get3A_150 = tpu.vector_load %arg7[%get3A_148, %get3A_149] {strides = array<i32>} : memref<32x1024xf32, #tpu.memory_space<vmem>>, vector<16xf32>,
      %get3A_151 = arith.index_cast %scan3A_74 : i32 to index
      %get3A_152 = arith.constant 400 : index
      %get3A_153 = tpu.vector_load %arg7[%get3A_151, %get3A_152] {strides = array<i32>} : memref<32x1024xf32, #tpu.memory_space<vmem>>, vector<16xf32>,
      %get3A_154 = arith.index_cast %scan3A_74 : i32 to index
      %get3A_155 = arith.constant 416 : index
      %get3A_156 = tpu.vector_load %arg7[%get3A_154, %get3A_155] {strides = array<i32>} : memref<32x1024xf32, #tpu.memory_space<vmem>>, vector<16xf32>,
      %get3A_157 = arith.index_cast %scan3A_74 : i32 to index
      %get3A_158 = arith.constant 432 : index
      %get3A_159 = tpu.vector_load %arg7[%get3A_157, %get3A_158] {strides = array<i32>} : memref<32x1024xf32, #tpu.memory_space<vmem>>, vector<16xf32>,
      %get3A_160 = arith.index_cast %scan3A_74 : i32 to index
      %get3A_161 = arith.constant 448 : index
      %get3A_162 = tpu.vector_load %arg7[%get3A_160, %get3A_161] {strides = array<i32>} : memref<32x1024xf32, #tpu.memory_space<vmem>>, vector<16xf32>,
      %get3A_163 = arith.index_cast %scan3A_74 : i32 to index
      %get3A_164 = arith.constant 464 : index
      %get3A_165 = tpu.vector_load %arg7[%get3A_163, %get3A_164] {strides = array<i32>} : memref<32x1024xf32, #tpu.memory_space<vmem>>, vector<16xf32>,
      %get3A_166 = arith.index_cast %scan3A_74 : i32 to index
      %get3A_167 = arith.constant 480 : index
      %get3A_168 = tpu.vector_load %arg7[%get3A_166, %get3A_167] {strides = array<i32>} : memref<32x1024xf32, #tpu.memory_space<vmem>>, vector<16xf32>,
      %get3A_169 = arith.index_cast %scan3A_74 : i32 to index
      %get3A_170 = arith.constant 496 : index
      %get3A_171 = tpu.vector_load %arg7[%get3A_169, %get3A_170] {strides = array<i32>} : memref<32x1024xf32, #tpu.memory_space<vmem>>, vector<16xf32>,
      %get3A_172 = arith.index_cast %scan3A_74 : i32 to index
      %get3A_173 = arith.constant 512 : index
      %get3A_174 = tpu.vector_load %arg7[%get3A_172, %get3A_173] {strides = array<i32>} : memref<32x1024xf32, #tpu.memory_space<vmem>>, vector<16xf32>,
      %get3A_175 = arith.index_cast %scan3A_74 : i32 to index
      %get3A_176 = arith.constant 528 : index
      %get3A_177 = tpu.vector_load %arg7[%get3A_175, %get3A_176] {strides = array<i32>} : memref<32x1024xf32, #tpu.memory_space<vmem>>, vector<16xf32>,
      %get3A_178 = arith.index_cast %scan3A_74 : i32 to index
      %get3A_179 = arith.constant 544 : index
      %get3A_180 = tpu.vector_load %arg7[%get3A_178, %get3A_179] {strides = array<i32>} : memref<32x1024xf32, #tpu.memory_space<vmem>>, vector<16xf32>,
      %get3A_181 = arith.index_cast %scan3A_74 : i32 to index
      %get3A_182 = arith.constant 560 : index
      %get3A_183 = tpu.vector_load %arg7[%get3A_181, %get3A_182] {strides = array<i32>} : memref<32x1024xf32, #tpu.memory_space<vmem>>, vector<16xf32>,
      %get3A_184 = arith.index_cast %scan3A_74 : i32 to index
      %get3A_185 = arith.constant 576 : index
      %get3A_186 = tpu.vector_load %arg7[%get3A_184, %get3A_185] {strides = array<i32>} : memref<32x1024xf32, #tpu.memory_space<vmem>>, vector<16xf32>,
      %get3A_187 = arith.index_cast %scan3A_74 : i32 to index
      %get3A_188 = arith.constant 592 : index
      %get3A_189 = tpu.vector_load %arg7[%get3A_187, %get3A_188] {strides = array<i32>} : memref<32x1024xf32, #tpu.memory_space<vmem>>, vector<16xf32>,
      %get3A_190 = arith.index_cast %scan3A_74 : i32 to index
      %get3A_191 = arith.constant 608 : index
      %get3A_192 = tpu.vector_load %arg7[%get3A_190, %get3A_191] {strides = array<i32>} : memref<32x1024xf32, #tpu.memory_space<vmem>>, vector<16xf32>,
      %get3A_193 = arith.index_cast %scan3A_74 : i32 to index
      %get3A_194 = arith.constant 624 : index
      %get3A_195 = tpu.vector_load %arg7[%get3A_193, %get3A_194] {strides = array<i32>} : memref<32x1024xf32, #tpu.memory_space<vmem>>, vector<16xf32>,
      %get3A_196 = arith.index_cast %scan3A_74 : i32 to index
      %get3A_197 = arith.constant 640 : index
      %get3A_198 = tpu.vector_load %arg7[%get3A_196, %get3A_197] {strides = array<i32>} : memref<32x1024xf32, #tpu.memory_space<vmem>>, vector<16xf32>,
      %get3A_199 = arith.index_cast %scan3A_74 : i32 to index
      %get3A_200 = arith.constant 656 : index
      %get3A_201 = tpu.vector_load %arg7[%get3A_199, %get3A_200] {strides = array<i32>} : memref<32x1024xf32, #tpu.memory_space<vmem>>, vector<16xf32>,
      %get3A_202 = arith.index_cast %scan3A_74 : i32 to index
      %get3A_203 = arith.constant 672 : index
      %get3A_204 = tpu.vector_load %arg7[%get3A_202, %get3A_203] {strides = array<i32>} : memref<32x1024xf32, #tpu.memory_space<vmem>>, vector<16xf32>,
      %get3A_205 = arith.index_cast %scan3A_74 : i32 to index
      %get3A_206 = arith.constant 688 : index
      %get3A_207 = tpu.vector_load %arg7[%get3A_205, %get3A_206] {strides = array<i32>} : memref<32x1024xf32, #tpu.memory_space<vmem>>, vector<16xf32>,
      %get3A_208 = arith.index_cast %scan3A_74 : i32 to index
      %get3A_209 = arith.constant 704 : index
      %get3A_210 = tpu.vector_load %arg7[%get3A_208, %get3A_209] {strides = array<i32>} : memref<32x1024xf32, #tpu.memory_space<vmem>>, vector<16xf32>,
      %get3A_211 = arith.index_cast %scan3A_74 : i32 to index
      %get3A_212 = arith.constant 720 : index
      %get3A_213 = tpu.vector_load %arg7[%get3A_211, %get3A_212] {strides = array<i32>} : memref<32x1024xf32, #tpu.memory_space<vmem>>, vector<16xf32>,
      %get3A_214 = arith.index_cast %scan3A_74 : i32 to index
      %get3A_215 = arith.constant 736 : index
      %get3A_216 = tpu.vector_load %arg7[%get3A_214, %get3A_215] {strides = array<i32>} : memref<32x1024xf32, #tpu.memory_space<vmem>>, vector<16xf32>,
      %get3A_217 = arith.index_cast %scan3A_74 : i32 to index
      %get3A_218 = arith.constant 752 : index
      %get3A_219 = tpu.vector_load %arg7[%get3A_217, %get3A_218] {strides = array<i32>} : memref<32x1024xf32, #tpu.memory_space<vmem>>, vector<16xf32>,
      %get3A_220 = arith.index_cast %scan3A_74 : i32 to index
      %get3A_221 = arith.constant 768 : index
      %get3A_222 = tpu.vector_load %arg7[%get3A_220, %get3A_221] {strides = array<i32>} : memref<32x1024xf32, #tpu.memory_space<vmem>>, vector<16xf32>,
      %get3A_223 = arith.index_cast %scan3A_74 : i32 to index
      %get3A_224 = arith.constant 784 : index
      %get3A_225 = tpu.vector_load %arg7[%get3A_223, %get3A_224] {strides = array<i32>} : memref<32x1024xf32, #tpu.memory_space<vmem>>, vector<16xf32>,
      %get3A_226 = arith.index_cast %scan3A_74 : i32 to index
      %get3A_227 = arith.constant 800 : index
      %get3A_228 = tpu.vector_load %arg7[%get3A_226, %get3A_227] {strides = array<i32>} : memref<32x1024xf32, #tpu.memory_space<vmem>>, vector<16xf32>,
      %get3A_229 = arith.index_cast %scan3A_74 : i32 to index
      %get3A_230 = arith.constant 816 : index
      %get3A_231 = tpu.vector_load %arg7[%get3A_229, %get3A_230] {strides = array<i32>} : memref<32x1024xf32, #tpu.memory_space<vmem>>, vector<16xf32>,
      %get3A_232 = arith.index_cast %scan3A_74 : i32 to index
      %get3A_233 = arith.constant 832 : index
      %get3A_234 = tpu.vector_load %arg7[%get3A_232, %get3A_233] {strides = array<i32>} : memref<32x1024xf32, #tpu.memory_space<vmem>>, vector<16xf32>,
      %get3A_235 = arith.index_cast %scan3A_74 : i32 to index
      %get3A_236 = arith.constant 848 : index
      %get3A_237 = tpu.vector_load %arg7[%get3A_235, %get3A_236] {strides = array<i32>} : memref<32x1024xf32, #tpu.memory_space<vmem>>, vector<16xf32>,
      %get3A_238 = arith.index_cast %scan3A_74 : i32 to index
      %get3A_239 = arith.constant 864 : index
      %get3A_240 = tpu.vector_load %arg7[%get3A_238, %get3A_239] {strides = array<i32>} : memref<32x1024xf32, #tpu.memory_space<vmem>>, vector<16xf32>,
      %get3A_241 = arith.index_cast %scan3A_74 : i32 to index
      %get3A_242 = arith.constant 880 : index
      %get3A_243 = tpu.vector_load %arg7[%get3A_241, %get3A_242] {strides = array<i32>} : memref<32x1024xf32, #tpu.memory_space<vmem>>, vector<16xf32>,
      %get3A_244 = arith.index_cast %scan3A_74 : i32 to index
      %get3A_245 = arith.constant 896 : index
      %get3A_246 = tpu.vector_load %arg7[%get3A_244, %get3A_245] {strides = array<i32>} : memref<32x1024xf32, #tpu.memory_space<vmem>>, vector<16xf32>,
      %get3A_247 = arith.index_cast %scan3A_74 : i32 to index
      %get3A_248 = arith.constant 912 : index
      %get3A_249 = tpu.vector_load %arg7[%get3A_247, %get3A_248] {strides = array<i32>} : memref<32x1024xf32, #tpu.memory_space<vmem>>, vector<16xf32>,
      %get3A_250 = arith.index_cast %scan3A_74 : i32 to index
      %get3A_251 = arith.constant 928 : index
      %get3A_252 = tpu.vector_load %arg7[%get3A_250, %get3A_251] {strides = array<i32>} : memref<32x1024xf32, #tpu.memory_space<vmem>>, vector<16xf32>,
      %get3A_253 = arith.index_cast %scan3A_74 : i32 to index
      %get3A_254 = arith.constant 944 : index
      %get3A_255 = tpu.vector_load %arg7[%get3A_253, %get3A_254] {strides = array<i32>} : memref<32x1024xf32, #tpu.memory_space<vmem>>, vector<16xf32>,
      %get3A_256 = arith.index_cast %scan3A_74 : i32 to index
      %get3A_257 = arith.constant 960 : index
      %get3A_258 = tpu.vector_load %arg7[%get3A_256, %get3A_257] {strides = array<i32>} : memref<32x1024xf32, #tpu.memory_space<vmem>>, vector<16xf32>,
      %get3A_259 = arith.index_cast %scan3A_74 : i32 to index
      %get3A_260 = arith.constant 976 : index
      %get3A_261 = tpu.vector_load %arg7[%get3A_259, %get3A_260] {strides = array<i32>} : memref<32x1024xf32, #tpu.memory_space<vmem>>, vector<16xf32>,
      %get3A_262 = arith.index_cast %scan3A_74 : i32 to index
      %get3A_263 = arith.constant 992 : index
      %get3A_264 = tpu.vector_load %arg7[%get3A_262, %get3A_263] {strides = array<i32>} : memref<32x1024xf32, #tpu.memory_space<vmem>>, vector<16xf32>,
      %get3A_265 = arith.index_cast %scan3A_74 : i32 to index
      %get3A_266 = arith.constant 1008 : index
      %get3A_267 = tpu.vector_load %arg7[%get3A_265, %get3A_266] {strides = array<i32>} : memref<32x1024xf32, #tpu.memory_space<vmem>>, vector<16xf32>,
      %add3A_268 = arith.addf %get3A_78, %get3A_81 : vector<16xf32>
      %add3A_269 = arith.addf %get3A_84, %get3A_87 : vector<16xf32>
      %add3A_270 = arith.addf %get3A_90, %get3A_93 : vector<16xf32>
      %add3A_271 = arith.addf %get3A_96, %get3A_99 : vector<16xf32>
      %add3A_272 = arith.addf %get3A_102, %get3A_105 : vector<16xf32>
      %add3A_273 = arith.addf %get3A_108, %get3A_111 : vector<16xf32>
      %add3A_274 = arith.addf %get3A_114, %get3A_117 : vector<16xf32>
      %add3A_275 = arith.addf %get3A_120, %get3A_123 : vector<16xf32>
      %add3A_276 = arith.addf %get3A_126, %get3A_129 : vector<16xf32>
      %add3A_277 = arith.addf %get3A_132, %get3A_135 : vector<16xf32>
      %add3A_278 = arith.addf %get3A_138, %get3A_141 : vector<16xf32>
      %add3A_279 = arith.addf %get3A_144, %get3A_147 : vector<16xf32>
      %add3A_280 = arith.addf %get3A_150, %get3A_153 : vector<16xf32>
      %add3A_281 = arith.addf %get3A_156, %get3A_159 : vector<16xf32>
      %add3A_282 = arith.addf %get3A_162, %get3A_165 : vector<16xf32>
      %add3A_283 = arith.addf %get3A_168, %get3A_171 : vector<16xf32>
      %add3A_284 = arith.addf %get3A_174, %get3A_177 : vector<16xf32>
      %add3A_285 = arith.addf %get3A_180, %get3A_183 : vector<16xf32>
      %add3A_286 = arith.addf %get3A_186, %get3A_189 : vector<16xf32>
      %add3A_287 = arith.addf %get3A_192, %get3A_195 : vector<16xf32>
      %add3A_288 = arith.addf %get3A_198, %get3A_201 : vector<16xf32>
      %add3A_289 = arith.addf %get3A_204, %get3A_207 : vector<16xf32>
      %add3A_290 = arith.addf %get3A_210, %get3A_213 : vector<16xf32>
      %add3A_291 = arith.addf %get3A_216, %get3A_219 : vector<16xf32>
      %add3A_292 = arith.addf %get3A_222, %get3A_225 : vector<16xf32>
      %add3A_293 = arith.addf %get3A_228, %get3A_231 : vector<16xf32>
      %add3A_294 = arith.addf %get3A_234, %get3A_237 : vector<16xf32>
      %add3A_295 = arith.addf %get3A_240, %get3A_243 : vector<16xf32>
      %add3A_296 = arith.addf %get3A_246, %get3A_249 : vector<16xf32>
      %add3A_297 = arith.addf %get3A_252, %get3A_255 : vector<16xf32>
      %add3A_298 = arith.addf %get3A_258, %get3A_261 : vector<16xf32>
      %add3A_299 = arith.addf %get3A_264, %get3A_267 : vector<16xf32>
      %add3A_300 = arith.addf %add3A_268, %add3A_269 : vector<16xf32>
      %add3A_301 = arith.addf %add3A_270, %add3A_271 : vector<16xf32>
      %add3A_302 = arith.addf %add3A_272, %add3A_273 : vector<16xf32>
      %add3A_303 = arith.addf %add3A_274, %add3A_275 : vector<16xf32>
      %add3A_304 = arith.addf %add3A_276, %add3A_277 : vector<16xf32>
      %add3A_305 = arith.addf %add3A_278, %add3A_279 : vector<16xf32>
      %add3A_306 = arith.addf %add3A_280, %add3A_281 : vector<16xf32>
      %add3A_307 = arith.addf %add3A_282, %add3A_283 : vector<16xf32>
      %add3A_308 = arith.addf %add3A_284, %add3A_285 : vector<16xf32>
      %add3A_309 = arith.addf %add3A_286, %add3A_287 : vector<16xf32>
      %add3A_310 = arith.addf %add3A_288, %add3A_289 : vector<16xf32>
      %add3A_311 = arith.addf %add3A_290, %add3A_291 : vector<16xf32>
      %add3A_312 = arith.addf %add3A_292, %add3A_293 : vector<16xf32>
      %add3A_313 = arith.addf %add3A_294, %add3A_295 : vector<16xf32>
      %add3A_314 = arith.addf %add3A_296, %add3A_297 : vector<16xf32>
      %add3A_315 = arith.addf %add3A_298, %add3A_299 : vector<16xf32>
      %add3A_316 = arith.addf %add3A_300, %add3A_301 : vector<16xf32>
      %add3A_317 = arith.addf %add3A_302, %add3A_303 : vector<16xf32>
      %add3A_318 = arith.addf %add3A_304, %add3A_305 : vector<16xf32>
      %add3A_319 = arith.addf %add3A_306, %add3A_307 : vector<16xf32>
      %add3A_320 = arith.addf %add3A_308, %add3A_309 : vector<16xf32>
      %add3A_321 = arith.addf %add3A_310, %add3A_311 : vector<16xf32>
      %add3A_322 = arith.addf %add3A_312, %add3A_313 : vector<16xf32>
      %add3A_323 = arith.addf %add3A_314, %add3A_315 : vector<16xf32>
      %add3A_324 = arith.addf %add3A_316, %add3A_317 : vector<16xf32>
      %add3A_325 = arith.addf %add3A_318, %add3A_319 : vector<16xf32>
      %add3A_326 = arith.addf %add3A_320, %add3A_321 : vector<16xf32>
      %add3A_327 = arith.addf %add3A_322, %add3A_323 : vector<16xf32>
      %add3A_328 = arith.addf %add3A_324, %add3A_325 : vector<16xf32>
      %add3A_329 = arith.addf %add3A_326, %add3A_327 : vector<16xf32>
      %add3A_330 = arith.addf %add3A_328, %add3A_329 : vector<16xf32>
      %reduce_sum3A = arith.constant true
      %reduce_sum3A_331 = vector.broadcast %reduce_sum3A : i1 to vector<16xi1>
      %reduce_sum3A_332 = tpu.scan <sum>, %add3A_330 masked %reduce_sum3A_331 : vector<16xf32>, vector<16xi1> -> vector<16xf32>
      %reduce_sum3A_333 = vector.extract %reduce_sum3A_332[15] : f32 from vector<16xf32>
      %gt3A = arith.constant 0.000000e+00 : f32
      %gt3A_334 = arith.cmpf ogt, %reduce_sum3A_333, %gt3A : f32
      %jit3A = arith.constant 1.000000e+00 : f32
      %jit3A_335 = arith.constant 0.000000e+00 : f32
      %select_n3A = arith.select %gt3A_334, %jit3A, %jit3A_335 : f32
      %add3A_336 = arith.constant 96 : i32
      %add3A_337 = arith.addi %add3A_336, %scan3A_74 : i32
      %get3A_338 = arith.index_cast %add3A_337 : i32 to index
      %get3A_339 = tpu.vector_load %arg8[%get3A_338] {strides = array<i32>} : memref<144xf32, #tpu.memory_space<vmem>>, vector<16xf32>,
      %slice3A = vector.extract_strided_slice %get3A_339 {offsets = [0], sizes = [1], strides = [1]} : vector<16xf32> to vector<1xf32>
      %squeeze3A = vector.extract %slice3A[0] : f32 from vector<1xf32>
      %add3A_340 = arith.constant 96 : i32
      %add3A_341 = arith.addi %add3A_340, %scan3A_74 : i32
      %get3A_342 = arith.index_cast %add3A_341 : i32 to index
      %get3A_343 = tpu.vector_load %arg9[%get3A_342] {strides = array<i32>} : memref<144xf32, #tpu.memory_space<vmem>>, vector<16xf32>,
      %slice3A_344 = vector.extract_strided_slice %get3A_343 {offsets = [0], sizes = [1], strides = [1]} : vector<16xf32> to vector<1xf32>
      %squeeze3A_345 = vector.extract %slice3A_344[0] : f32 from vector<1xf32>
      %gt3A_346 = arith.constant 5.000000e-01 : f32
      %gt3A_347 = arith.cmpf ogt, %squeeze3A_345, %gt3A_346 : f32
      %eq3A = arith.constant 1.000000e+00 : f32
      %eq3A_348 = arith.cmpf oeq, %squeeze3A, %eq3A : f32
      %and3A = arith.andi %gt3A_347, %eq3A_348 : i1
      %le3A = arith.constant 5.000000e-01 : f32
      %le3A_349 = arith.cmpf ole, %squeeze3A_345, %le3A : f32
      %eq3A_350 = arith.constant 0.000000e+00 : f32
      %eq3A_351 = arith.cmpf oeq, %squeeze3A, %eq3A_350 : f32
      %and3A_352 = arith.andi %le3A_349, %eq3A_351 : i1
      %or3A = arith.ori %and3A, %and3A_352 : i1
      %jit3A_353 = arith.constant 1.000000e+00 : f32
      %jit3A_354 = arith.constant 0.000000e+00 : f32
      %select_n3A_355 = arith.select %or3A, %jit3A_353, %jit3A_354 : f32
      %mul3A_356 = arith.mulf %select_n3A_355, %select_n3A : f32
      %add3A_357 = arith.addf %scan3A_75, %mul3A_356 : f32
      %add3A_358 = arith.addf %scan3A_76, %select_n3A : f32
      scf.yield %add3A_357, %add3A_358 : f32, f32
    }
    %scan3A_65 = arith.constant 32 : i32
    %broadcast_in_dim3A = vector.broadcast %scan3A_64#0 : f32 to vector<16xf32>
    %swap3A = arith.constant 0 : i32
    %swap3A_66 = arith.index_cast %swap3A : i32 to index
    %swap3A_67 = arith.constant 0 : index
    %swap3A_68 = tpu.vector_load %arg10[%swap3A_66, %swap3A_67] {strides = array<i32>} : memref<2x16xf32, #tpu.memory_space<vmem>>, vector<16xf32>,
    tpu.vector_store %arg10[%swap3A_66, %swap3A_67], %broadcast_in_dim3A {strides = array<i32>} : memref<2x16xf32, #tpu.memory_space<vmem>>, vector<16xf32>,
    %broadcast_in_dim3A_69 = vector.broadcast %scan3A_64#1 : f32 to vector<16xf32>
    %swap3A_70 = arith.constant 1 : i32
    %swap3A_71 = arith.index_cast %swap3A_70 : i32 to index
    %swap3A_72 = arith.constant 0 : index
    %swap3A_73 = tpu.vector_load %arg10[%swap3A_71, %swap3A_72] {strides = array<i32>} : memref<2x16xf32, #tpu.memory_space<vmem>>, vector<16xf32>,
    tpu.vector_store %arg10[%swap3A_71, %swap3A_72], %broadcast_in_dim3A_69 {strides = array<i32>} : memref<2x16xf32, #tpu.memory_space<vmem>>, vector<16xf32>,
    "tpu.region"() ({
      %run_scoped3A = tpu.sem_alloc : memref<!tpu.dma_semaphore, #tpu.memory_space<semaphore_mem>>
      %dma_start3A_74 = arith.constant 0 : i32
      %dma_start3A_75 = arith.constant 0 : i32
      %dma_start3A_76 = tpu.memref_slice %arg5[%add3A, %dma_start3A_74, %dma_start3A_75] : memref<32x2x16xf32, #tpu.memory_space<hbm>> -> memref<1x2x16xf32, #tpu.memory_space<hbm>>
      %dma_start3A_77 = tpu.memref_squeeze %dma_start3A_76 : memref<1x2x16xf32, #tpu.memory_space<hbm>> -> memref<2x16xf32, #tpu.memory_space<hbm>>
      %dma_start3A_78 = arith.constant 0 : i32
      %dma_start3A_79 = arith.constant 0 : i32
      %dma_start3A_80 = tpu.memref_slice %arg5[%add3A, %dma_start3A_78, %dma_start3A_79] : memref<32x2x16xf32, #tpu.memory_space<hbm>> -> memref<1x2x16xf32, #tpu.memory_space<hbm>>
      %dma_start3A_81 = tpu.memref_squeeze %dma_start3A_80 : memref<1x2x16xf32, #tpu.memory_space<hbm>> -> memref<2x16xf32, #tpu.memory_space<hbm>>
      tpu.enqueue_dma source(%arg10 : memref<2x16xf32, #tpu.memory_space<vmem>>) target(%dma_start3A_81 : memref<2x16xf32, #tpu.memory_space<hbm>>) target_semaphore(%run_scoped3A : memref<!tpu.dma_semaphore, #tpu.memory_space<semaphore_mem>>)
      %dma_wait3A_82 = arith.constant 0 : i32
      %dma_wait3A_83 = arith.constant 0 : i32
      %dma_wait3A_84 = tpu.memref_slice %arg5[%add3A, %dma_wait3A_82, %dma_wait3A_83] : memref<32x2x16xf32, #tpu.memory_space<hbm>> -> memref<1x2x16xf32, #tpu.memory_space<hbm>>
      %dma_wait3A_85 = tpu.memref_squeeze %dma_wait3A_84 : memref<1x2x16xf32, #tpu.memory_space<hbm>> -> memref<2x16xf32, #tpu.memory_space<hbm>>
      %dma_wait3A_86 = arith.constant 0 : i32
      %dma_wait3A_87 = arith.constant 0 : i32
      %dma_wait3A_88 = tpu.memref_slice %arg5[%add3A, %dma_wait3A_86, %dma_wait3A_87] : memref<32x2x16xf32, #tpu.memory_space<hbm>> -> memref<1x2x16xf32, #tpu.memory_space<hbm>>
      %dma_wait3A_89 = tpu.memref_squeeze %dma_wait3A_88 : memref<1x2x16xf32, #tpu.memory_space<hbm>> -> memref<2x16xf32, #tpu.memory_space<hbm>>
      tpu.wait_dma2 semaphore(%run_scoped3A : memref<!tpu.dma_semaphore, #tpu.memory_space<semaphore_mem>>) src(%arg10 : memref<2x16xf32, #tpu.memory_space<vmem>>) dst(%dma_wait3A_89 : memref<2x16xf32, #tpu.memory_space<hbm>>)
      tpu.yield
    }) : () -> ()
    return
  }
}

module attributes {stable_mosaic.version = 14 : i64} {
  func.func @_combine_body(%arg0: memref<32x2x16xf32, #tpu.memory_space<vmem>>, %arg1: memref<1x2xf32, #tpu.memory_space<vmem>>, %arg2: memref<1x1xf32, #tpu.memory_space<vmem>>) attributes {dimension_semantics = [], scalar_prefetch = 0 : i64, scratch_operands = 0 : i64, tpu.core_type = #tpu.core_type<tc>} {
    %get3A = arith.constant 0 : index
    %get3A_0 = arith.constant 0 : index
    %get3A_1 = arith.constant 0 : index
    %get3A_2 = vector.load %arg0[%get3A, %get3A_0, %get3A_1] : memref<32x2x16xf32, #tpu.memory_space<vmem>>, vector<32x1x16xf32>
    %get3A_3 = vector.shape_cast %get3A_2 : vector<32x1x16xf32> to vector<32x16xf32>
    %reduce_sum3A = vector.shape_cast %get3A_3 : vector<32x16xf32> to vector<1x32x16xf32>
    %reduce_sum3A_4 = arith.constant dense<0.000000e+00> : vector<1xf32>
    %reduce_sum3A_5 = vector.multi_reduction <add>, %reduce_sum3A, %reduce_sum3A_4 [1, 2] : vector<1x32x16xf32> to vector<1xf32>
    %reduce_sum3A_6 = vector.shape_cast %reduce_sum3A_5 : vector<1xf32> to vector<1x1x1xf32>
    %reduce_sum3A_7 = vector.extract %reduce_sum3A_6[0, 0, 0] : f32 from vector<1x1x1xf32>
    %div3A = arith.constant 1.600000e+01 : f32
    %div3A_8 = arith.divf %reduce_sum3A_7, %div3A : f32
    %get3A_9 = arith.constant 0 : index
    %get3A_10 = arith.constant 0 : index
    %get3A_11 = vector.load %arg1[%get3A_9, %get3A_10] : memref<1x2xf32, #tpu.memory_space<vmem>>, vector<1x1xf32>
    %get3A_12 = vector.extract %get3A_11[0, 0] : f32 from vector<1x1xf32>
    %add3A = arith.addf %div3A_8, %get3A_12 : f32
    %get3A_13 = arith.constant 0 : index
    %get3A_14 = arith.constant 1 : index
    %get3A_15 = arith.constant 0 : index
    %get3A_16 = vector.load %arg0[%get3A_13, %get3A_14, %get3A_15] : memref<32x2x16xf32, #tpu.memory_space<vmem>>, vector<32x1x16xf32>
    %get3A_17 = vector.shape_cast %get3A_16 : vector<32x1x16xf32> to vector<32x16xf32>
    %reduce_sum3A_18 = vector.shape_cast %get3A_17 : vector<32x16xf32> to vector<1x32x16xf32>
    %reduce_sum3A_19 = arith.constant dense<0.000000e+00> : vector<1xf32>
    %reduce_sum3A_20 = vector.multi_reduction <add>, %reduce_sum3A_18, %reduce_sum3A_19 [1, 2] : vector<1x32x16xf32> to vector<1xf32>
    %reduce_sum3A_21 = vector.shape_cast %reduce_sum3A_20 : vector<1xf32> to vector<1x1x1xf32>
    %reduce_sum3A_22 = vector.extract %reduce_sum3A_21[0, 0, 0] : f32 from vector<1x1x1xf32>
    %div3A_23 = arith.constant 1.600000e+01 : f32
    %div3A_24 = arith.divf %reduce_sum3A_22, %div3A_23 : f32
    %get3A_25 = arith.constant 0 : index
    %get3A_26 = arith.constant 1 : index
    %get3A_27 = vector.load %arg1[%get3A_25, %get3A_26] : memref<1x2xf32, #tpu.memory_space<vmem>>, vector<1x1xf32>
    %get3A_28 = vector.extract %get3A_27[0, 0] : f32 from vector<1x1xf32>
    %add3A_29 = arith.addf %div3A_24, %get3A_28 : f32
    %div3A_30 = arith.divf %add3A, %add3A_29 : f32
    %broadcast_in_dim3A = vector.broadcast %div3A_30 : f32 to vector<1x1xf32>
    %swap3A = arith.constant 0 : index
    %swap3A_31 = arith.constant 0 : index
    %swap3A_32 = vector.load %arg2[%swap3A, %swap3A_31] : memref<1x1xf32, #tpu.memory_space<vmem>>, vector<1x1xf32>
    tpu.vector_store %arg2[%swap3A, %swap3A_31], %broadcast_in_dim3A {strides = array<i32>} : memref<1x1xf32, #tpu.memory_space<vmem>>, vector<1x1xf32>,
    return
  }
}

module attributes {stable_mosaic.version = 14 : i64} {
  func.func @_tc_body(%arg0: i32, %arg1: memref<2048x1024xf32, #tpu.memory_space<vmem>>, %arg2: memref<1x1x2048xf32, #tpu.memory_space<vmem>>, %arg3: memref<1x1x2048xf32, #tpu.memory_space<vmem>>, %arg4: memref<1x2xf32, #tpu.memory_space<vmem>>, %arg5: memref<2xf32, #tpu.memory_space<smem>>) attributes {dimension_semantics = [#tpu.dimension_semantics<arbitrary>], iteration_bounds = array<i64: 6>, scalar_prefetch = 0 : i64, scratch_operands = 1 : i64, tpu.core_type = #tpu.core_type<tc>, window_params = [{transform_indices = @transform_0, window_bounds = array<i64: 2048, 1024>}, {transform_indices = @transform_1, window_bounds = array<i64: 1, 1, 2048>}, {transform_indices = @transform_2, window_bounds = array<i64: 1, 1, 2048>}, {pipeline_mode = #tpu.pipeline_mode<synchronous>, transform_indices = @transform_3, window_bounds = array<i64: 1, 2>}]} {
    %eq3A = arith.constant 0 : i32
    %eq3A_0 = arith.cmpi eq, %arg0, %eq3A : i32
    %convert_element_type3A = arith.extui %eq3A_0 : i1 to i32
    %cond3A = arith.constant 0 : i32
    %cond3A_1 = arith.cmpi ne, %convert_element_type3A, %cond3A : i32
    scf.if %cond3A_1 {
      %swap3A_56 = arith.constant 0.000000e+00 : f32
      %swap3A_57 = arith.constant 0 : index
      %swap3A_58 = memref.load %arg5[%swap3A_57] : memref<2xf32, #tpu.memory_space<smem>>
      memref.store %swap3A_56, %arg5[%swap3A_57] : memref<2xf32, #tpu.memory_space<smem>>
      %swap3A_59 = arith.constant 0.000000e+00 : f32
      %swap3A_60 = arith.constant 1 : index
      %swap3A_61 = memref.load %arg5[%swap3A_60] : memref<2xf32, #tpu.memory_space<smem>>
      memref.store %swap3A_59, %arg5[%swap3A_60] : memref<2xf32, #tpu.memory_space<smem>>
    } else {
    }
    %get3A = arith.constant 0 : index
    %get3A_2 = arith.constant 0 : index
    %get3A_3 = vector.load %arg1[%get3A, %get3A_2] : memref<2048x1024xf32, #tpu.memory_space<vmem>>, vector<2048x1024xf32>
    %reduce_sum3A = arith.constant dense<0.000000e+00> : vector<2048xf32>
    %reduce_sum3A_4 = vector.multi_reduction <add>, %get3A_3, %reduce_sum3A [1] : vector<2048x1024xf32> to vector<2048xf32>
    %gt3A = arith.constant 0.000000e+00 : f32
    %gt3A_5 = vector.broadcast %gt3A : f32 to vector<2048xf32>
    %gt3A_6 = arith.cmpf ogt, %reduce_sum3A_4, %gt3A_5 : vector<2048xf32>
    %convert_element_type3A_7 = arith.extui %gt3A_6 : vector<2048xi1> to vector<2048xi32>
    %convert_element_type3A_8 = arith.sitofp %convert_element_type3A_7 : vector<2048xi32> to vector<2048xf32>
    %get3A_9 = arith.constant 0 : index
    %get3A_10 = arith.constant 0 : index
    %get3A_11 = arith.constant 0 : index
    %get3A_12 = vector.load %arg2[%get3A_9, %get3A_10, %get3A_11] : memref<1x1x2048xf32, #tpu.memory_space<vmem>>, vector<1x1x2048xf32>
    %get3A_13 = vector.shape_cast %get3A_12 : vector<1x1x2048xf32> to vector<2048xf32>
    %get3A_14 = arith.constant 0 : index
    %get3A_15 = arith.constant 0 : index
    %get3A_16 = arith.constant 0 : index
    %get3A_17 = vector.load %arg3[%get3A_14, %get3A_15, %get3A_16] : memref<1x1x2048xf32, #tpu.memory_space<vmem>>, vector<1x1x2048xf32>
    %get3A_18 = vector.shape_cast %get3A_17 : vector<1x1x2048xf32> to vector<2048xf32>
    %gt3A_19 = arith.constant 5.000000e-01 : f32
    %gt3A_20 = vector.broadcast %gt3A_19 : f32 to vector<2048xf32>
    %gt3A_21 = arith.cmpf ogt, %get3A_18, %gt3A_20 : vector<2048xf32>
    %eq3A_22 = arith.constant 1.000000e+00 : f32
    %eq3A_23 = vector.broadcast %eq3A_22 : f32 to vector<2048xf32>
    %eq3A_24 = arith.cmpf oeq, %get3A_13, %eq3A_23 : vector<2048xf32>
    %and3A = arith.andi %gt3A_21, %eq3A_24 : vector<2048xi1>
    %le3A = arith.constant 5.000000e-01 : f32
    %le3A_25 = vector.broadcast %le3A : f32 to vector<2048xf32>
    %le3A_26 = arith.cmpf ole, %get3A_18, %le3A_25 : vector<2048xf32>
    %eq3A_27 = arith.constant 0.000000e+00 : f32
    %eq3A_28 = vector.broadcast %eq3A_27 : f32 to vector<2048xf32>
    %eq3A_29 = arith.cmpf oeq, %get3A_13, %eq3A_28 : vector<2048xf32>
    %and3A_30 = arith.andi %le3A_26, %eq3A_29 : vector<2048xi1>
    %or3A = arith.ori %and3A, %and3A_30 : vector<2048xi1>
    %jit3A = arith.constant 1.000000e+00 : f32
    %jit3A_31 = arith.constant 0.000000e+00 : f32
    %broadcast_in_dim3A = vector.broadcast %jit3A : f32 to vector<2048xf32>
    %broadcast_in_dim3A_32 = vector.broadcast %jit3A_31 : f32 to vector<2048xf32>
    %select_n3A = arith.select %or3A, %broadcast_in_dim3A, %broadcast_in_dim3A_32 : vector<2048xi1>, vector<2048xf32>
    %get3A_33 = arith.constant 0 : index
    %get3A_34 = memref.load %arg5[%get3A_33] : memref<2xf32, #tpu.memory_space<smem>>
    %mul3A = arith.mulf %select_n3A, %convert_element_type3A_8 : vector<2048xf32>
    %reduce_sum3A_35 = vector.shape_cast %mul3A : vector<2048xf32> to vector<1x2048xf32>
    %reduce_sum3A_36 = arith.constant dense<0.000000e+00> : vector<1xf32>
    %reduce_sum3A_37 = vector.multi_reduction <add>, %reduce_sum3A_35, %reduce_sum3A_36 [1] : vector<1x2048xf32> to vector<1xf32>
    %reduce_sum3A_38 = vector.shape_cast %reduce_sum3A_37 : vector<1xf32> to vector<1x1xf32>
    %reduce_sum3A_39 = vector.extract %reduce_sum3A_38[0, 0] : f32 from vector<1x1xf32>
    %add3A = arith.addf %get3A_34, %reduce_sum3A_39 : f32
    %swap3A = arith.constant 0 : index
    %swap3A_40 = memref.load %arg5[%swap3A] : memref<2xf32, #tpu.memory_space<smem>>
    memref.store %add3A, %arg5[%swap3A] : memref<2xf32, #tpu.memory_space<smem>>
    %get3A_41 = arith.constant 1 : index
    %get3A_42 = memref.load %arg5[%get3A_41] : memref<2xf32, #tpu.memory_space<smem>>
    %reduce_sum3A_43 = vector.shape_cast %convert_element_type3A_8 : vector<2048xf32> to vector<1x2048xf32>
    %reduce_sum3A_44 = arith.constant dense<0.000000e+00> : vector<1xf32>
    %reduce_sum3A_45 = vector.multi_reduction <add>, %reduce_sum3A_43, %reduce_sum3A_44 [1] : vector<1x2048xf32> to vector<1xf32>
    %reduce_sum3A_46 = vector.shape_cast %reduce_sum3A_45 : vector<1xf32> to vector<1x1xf32>
    %reduce_sum3A_47 = vector.extract %reduce_sum3A_46[0, 0] : f32 from vector<1x1xf32>
    %add3A_48 = arith.addf %get3A_42, %reduce_sum3A_47 : f32
    %swap3A_49 = arith.constant 1 : index
    %swap3A_50 = memref.load %arg5[%swap3A_49] : memref<2xf32, #tpu.memory_space<smem>>
    memref.store %add3A_48, %arg5[%swap3A_49] : memref<2xf32, #tpu.memory_space<smem>>
    %eq3A_51 = arith.constant 5 : i32
    %eq3A_52 = arith.cmpi eq, %arg0, %eq3A_51 : i32
    %convert_element_type3A_53 = arith.extui %eq3A_52 : i1 to i32
    %cond3A_54 = arith.constant 0 : i32
    %cond3A_55 = arith.cmpi ne, %convert_element_type3A_53, %cond3A_54 : i32
    scf.if %cond3A_55 {
      %get3A_56 = arith.constant 0 : index
      %get3A_57 = memref.load %arg5[%get3A_56] : memref<2xf32, #tpu.memory_space<smem>>
      %get3A_58 = arith.constant 1 : index
      %get3A_59 = memref.load %arg5[%get3A_58] : memref<2xf32, #tpu.memory_space<smem>>
      %stack3A = vector.broadcast %get3A_57 : f32 to vector<1xf32>
      %stack3A_60 = vector.broadcast %get3A_59 : f32 to vector<1xf32>
      %stack3A_61 = tpu.concatenate %stack3A, %stack3A_60 in 0 : vector<1xf32>, vector<1xf32> -> vector<2xf32>
      %reshape3A = vector.shape_cast %stack3A_61 : vector<2xf32> to vector<1x2xf32>
      %swap3A_62 = arith.constant 0 : index
      %swap3A_63 = arith.constant 0 : index
      %swap3A_64 = vector.load %arg4[%swap3A_62, %swap3A_63] : memref<1x2xf32, #tpu.memory_space<vmem>>, vector<1x2xf32>
      tpu.vector_store %arg4[%swap3A_62, %swap3A_63], %reshape3A {strides = array<i32>} : memref<1x2xf32, #tpu.memory_space<vmem>>, vector<1x2xf32>,
    } else {
    }
    return
  }
  func.func @transform_0(%arg0: i32) -> (i32, i32) {
    %c0_i32 = arith.constant 0 : i32
    %c0_i32_0 = arith.constant 0 : i32
    return %arg0, %c0_i32 : i32, i32
  }
  func.func @transform_1(%arg0: i32) -> (i32, i32, i32) {
    %c0_i32 = arith.constant 0 : i32
    %c0_i32_0 = arith.constant 0 : i32
    %c0_i32_1 = arith.constant 0 : i32
    return %arg0, %c0_i32, %c0_i32_0 : i32, i32, i32
  }
  func.func @transform_2(%arg0: i32) -> (i32, i32, i32) {
    %c0_i32 = arith.constant 0 : i32
    %c0_i32_0 = arith.constant 0 : i32
    %c0_i32_1 = arith.constant 0 : i32
    return %arg0, %c0_i32, %c0_i32_0 : i32, i32, i32
  }
  func.func @transform_3(%arg0: i32) -> (i32, i32) {
    %c0_i32 = arith.constant 0 : i32
    %c0_i32_0 = arith.constant 0 : i32
    %c0_i32_1 = arith.constant 0 : i32
    return %c0_i32, %c0_i32_0 : i32, i32
  }
}

</mosaic_0001>

<sc_bundles>
// kernel: kernel.5.cloned.1.call-start
scs
__scs_entry_jumppad:
0x0: {  	(pc) =	sbr.rel $0x88, $3  }
0x1: {  	(tag) =	ssettag $0x0;
	lr =	simm.s32 $0x1  }
0x2: {  	[smem:$0x3F9E] =	sst lr;
	_ =	strace $0xD0000000  }
0x3: {  	_ = 	snop  }
0x4: {  	_ = 	snop  }
0x5: {  	_ = 	snop  }
0x6: {  	_ = 	snop  }
0x7: {  	_ = 	snop  }
__scs_overlays_trampoline_lowered:
0x8: {  	[smem:$0x3FAD] =	sst s0  }
0x9: {  	[smem:$0x3FAE] =	sst s1  }
0xa: {  	[smem:$0x3FAF] =	sst s2  }
0xb: {  	[smem:$0x3FB0] =	sst s3  }
0xc: {  	[smem:$0x3FB1] =	sst s4  }
0xd: {  	[smem:$0x3FB2] =	sst s5  }
0xe: {  	[smem:$0x3FB3] =	sst s6  }
0xf: {  	[smem:$0x3FB4] =	sst s7  }
0x10: {  	[smem:$0x3FB5] =	sst s8  }
0x11: {  	[smem:$0x3FB6] =	sst s9;
	s0 =	simm.s32 @!p0 $0x0  }
0x12: {  	s1 =	sld [smem:$0x3F9C];
	s0 =	simm.s32 @p0 $0x1  }
0x13: {  	[smem:$0x3FB7] =	sst s0;
	s0 =	simm.s32 @!p1 $0x0  }
0x14: {  	s2 =	sld [smem:$0x3F9B];
	s0 =	simm.s32 @p1 $0x1  }
0x15: {  	[smem:$0x3FB8] =	sst s0;
	s0 =	simm.s32 @!p2 $0x0  }
0x16: {  	s3 =	sld [smem:$0x3FDB];
	s0 =	simm.s32 @p2 $0x1  }
0x17: {  	s4 =	simm.s32 $0x1BF5;
	[smem:$0x3FBA] =	sst s0  }
0x18: {  	s0 =	sld [smem:$0x3F9D];
	_ =	swait.ge [sflag:s4], $0x0  }
0x19: {  	s7 =	sld [smem:$0x3F9E]  }
0x1a: {  	s8 =	sadd.s32 $0xFFFFE003, lr  }
0x1b: {  	s9 =	sadd.s32 $0xFFFFFEF7, lr;
	s5 =	simm.s32 $0xFFFFFFFF;
	p2 =	slt.u32 s8, $0xFFFFF086  }
0x1c: {  	p1 =	slt.u32 s9, $0xF7A;
	s5 =	simm.s32 @!p2 $0x0  }
0x1d: {  	s5 =	simm.s32 @p1 $0x1;
	p0 =	seq.s32 s7, s2  }
0x1e: {  	s7 =	smul.u32 @!p0 $0xF7A, s2;
	p2 =	seq.s32 @!p0 s5, $0x0  }
0x1f: {  	s9 =	smul.u32 $0xF7A, s1;
	s8 =	simm.s32 @!p0 $0x1BF5;
	p2 =	por !p2, p0  }
0x20: {  	[sflag:s8] =	ssyncset.s32 @!p0 $0xFFFFF086;
	s6 =	sadd.s32 @!p0 s3, s7;
	s7 =	simm.s32 @!p0 $0x108  }
0x21: {  	s3 =	sadd.s32 s3, s9;
	s6 =	sadd.s32 @!p0 $0x88, s6;
	s7 =	simm.s32 @p2 $0x1082  }
0x22: {  	[simem:s7], [sflag:s8] =	dma.local @!p0 [hbm:s6], $0xF7A  }
0x23: {  	s9 =	sor.u32 $0xD0000000, s2;
	s6 =	simm.s32 $0x108;
	_ =	swait.ge @!p0 [sflag:s8], $0x0  }
0x24: {  	s3 =	sadd.s32 $0x88, s3;
	s6 =	simm.s32 @!p1 $0x1082;
	[sflag:s4] =	ssyncset.s32 $0xFFFFF086  }
0x25: {  	[simem:s6], [sflag:s4] =	dma.local [hbm:s3], $0xF7A  }
0x26: {  	[smem:$0x3F9E] =	sst s1;
	(tag) =	ssettag s2;
	_ =	strace s9  }
0x27: {  	s1 =	sld [smem:$0x3FAE]  }
0x28: {  	s2 =	sld [smem:$0x3FAF]  }
0x29: {  	s4 =	sld [smem:$0x3FB1]  }
0x2a: {  	p0 =	seq.s32 s5, $0x0;
	s5 =	sld [smem:$0x3FB2]  }
0x2b: {  	s6 =	sld [smem:$0x3FB3]  }
0x2c: {  	s7 =	sld [smem:$0x3FB4]  }
0x2d: {  	s3 =	simm.s32 $0x108;
	s8 =	sld [smem:$0x3FB5]  }
0x2e: {  	s3 =	simm.s32 @!p0 $0x1082;
	s9 =	sld [smem:$0x3FB6]  }
0x2f: {  	lr =	sadd.s32 s0, s3;
	s0 =	sld [smem:$0x3FAD]  }
0x30: {  	s3 =	sld [smem:$0x3FB0]  }
0x31: {  	[smem:$0x3FB9] =	sst s10  }
0x32: {  	s10 =	sld [smem:$0x3FB7];
	_ =	sdelay $0x3  }
0x33: {  	p0 =	seq.s32 s10, $0x1;
	s10 =	sld [smem:$0x3FB9];
	_ =	sdelay $0x3  }
0x34: {  	[smem:$0x3FB9] =	sst s10  }
0x35: {  	s10 =	sld [smem:$0x3FB8];
	_ =	sdelay $0x3  }
0x36: {  	p1 =	seq.s32 s10, $0x1;
	s10 =	sld [smem:$0x3FB9];
	_ =	sdelay $0x3  }
0x37: {  	[smem:$0x3FB9] =	sst s10  }
0x38: {  	s10 =	sld [smem:$0x3FBA]  }
0x39: {  	_ = 	snop;
	(pc) =	sbr.ind lr, $3  }
0x3a: {  	_ = 	snop  }
0x3b: {  	_ = 	snop  }
0x3c: {  	p2 =	seq.s32 s10, $0x1;
	s10 =	sld [smem:$0x3FB9]  }
0x3d: {  	_ =	shalt  }
0x3e: {  	_ =	shalt  }
0x3f: {  	_ =	shalt  }
0x40: {  	_ =	shalt  }
0x41: {  	_ =	shalt  }
0x42: {  	_ =	shalt  }
0x43: {  	_ =	shalt  }
0x44: {  	_ =	shalt  }
0x45: {  	_ =	shalt  }
0x46: {  	_ =	shalt  }
0x47: {  	_ =	shalt  }
0x48: {  	_ =	shalt  }
0x49: {  	_ =	shalt  }
0x4a: {  	_ =	shalt  }
0x4b: {  	_ =	shalt  }
0x4c: {  	_ =	shalt  }
0x4d: {  	_ =	shalt  }
0x4e: {  	_ =	shalt  }
0x4f: {  	_ =	shalt  }
0x50: {  	_ =	shalt  }
0x51: {  	_ =	shalt  }
0x52: {  	_ =	shalt  }
0x53: {  	_ =	shalt  }
0x54: {  	_ =	shalt  }
0x55: {  	_ =	shalt  }
0x56: {  	_ =	shalt  }
0x57: {  	_ =	shalt  }
0x58: {  	_ =	shalt  }
0x59: {  	_ =	shalt  }
0x5a: {  	_ =	shalt  }
0x5b: {  	_ =	shalt  }
0x5c: {  	_ =	shalt  }
0x5d: {  	_ =	shalt  }
0x5e: {  	_ =	shalt  }
0x5f: {  	_ =	shalt  }
0x60: {  	_ =	shalt  }
0x61: {  	_ =	shalt  }
0x62: {  	_ =	shalt  }
0x63: {  	_ =	shalt  }
0x64: {  	_ =	shalt  }
0x65: {  	_ =	shalt  }
0x66: {  	_ =	shalt  }
0x67: {  	_ =	shalt  }
0x68: {  	_ =	shalt  }
0x69: {  	_ =	shalt  }
0x6a: {  	_ =	shalt  }
0x6b: {  	_ =	shalt  }
0x6c: {  	_ =	shalt  }
0x6d: {  	_ =	shalt  }
0x6e: {  	_ =	shalt  }
0x6f: {  	_ =	shalt  }
0x70: {  	_ =	shalt  }
0x71: {  	_ =	shalt  }
0x72: {  	_ =	shalt  }
0x73: {  	_ =	shalt  }
0x74: {  	_ =	shalt  }
0x75: {  	_ =	shalt  }
0x76: {  	_ =	shalt  }
0x77: {  	_ =	shalt  }
0x78: {  	_ =	shalt  }
0x79: {  	_ =	shalt  }
0x7a: {  	_ =	shalt  }
0x7b: {  	_ =	shalt  }
0x7c: {  	_ =	shalt  }
0x7d: {  	_ =	shalt  }
0x7e: {  	_ =	shalt  }
0x7f: {  	_ =	shalt  }
0x80: {  	_ =	shalt  }
0x81: {  	_ =	shalt  }
0x82: {  	_ =	shalt  }
0x83: {  	_ =	shalt  }
0x84: {  	_ =	shalt  }
0x85: {  	_ =	shalt  }
0x86: {  	_ =	shalt  }
0x87: {  	_ =	shalt  }
.Lfunc_end0:
.L_simem_size_0:
called_computation_lowered:
.L_overlay_start_0:
0x88: {  	s2 =	sld [smem:$0x3FD9]  }
0x89: {  	s3 =	sld [smem:$0x3FFE];
	_ =	sdelay $0x1  }
0x8a: {  	s1 =	srdreg.scid  }
0x8b: {  	s0 =	sand.u32 $0x1, s1  }
0x8c: {  	s17 =	sshll.u32 s0, $0xA;
	s2 =	sadd.s32 s3, s2  }
0x8d: {  	s2 =	sadd.s32 s2, s17  }
0x8e: {  	[smem:$0x3FC5] =	sst s2  }
0x8f: {  	_ = 	snop  }
0x90: {  	s2 =	sld [smem:$0x3FC9]  }
0x91: {  	s18 =	sld [smem:$0x3FC8]  }
0x92: {  	s4 =	sld [smem:$0x3FC7];
	(tm) =	ssettm $0x1  }
0x93: {  	s5 =	sld [smem:$0x3FFB];
	_ =	sdelay $0x3  }
0x94: {  	_ =	strace s5  }
0x95: {  	s5 =	sld [smem:$0x3FFC];
	_ =	sdelay $0x3  }
0x96: {  	_ =	strace s5  }
0x97: {  	s5 =	sld [smem:$0x3FFD];
	_ =	sdelay $0x3  }
0x98: {  	_ =	strace s5  }
0x99: {  	_ =	strace $0x8FFFFFFF  }
0x9a: {  	s19 =	sld [smem:$0x3FDB];
	_ =	sdelay $0x1  }
0x9b: {  	s6 =	simm.s32 $_scs_section_size  }
0x9c: {  	s7 =	simm.s32 $_size__tile_overlayer_lowered;
	s8 =	simm.s32 $_tile_overlayer_lowered  }
0x9d: {  	s22 =	simm.s32 $0x1BFF;
	s21 =	sshll.u32 s8, $0x1;
	s5 =	sadd.s32 s6, s19  }
0x9e: {  	s9 =	simm.s32 $0x0;
	s20 =	sshll.u32 s7, $0x1;
	s7 =	sadd.s32 s21, s5  }
0x9f: {  	[timem:s9], [sflag:s22] =	dma.local [hbm:s7], s20  }
0xa0: {  	_ =	swait.ge [sflag:s22], s20  }
0xa1: {  	s6 =	ssub.s32 $0x0, s20;
	[sflag:s22] =	ssyncset.done $0x0  }
0xa2: {  	[sflag:s22] =	ssyncadd.s32 s6;
	_ =	sdelay $0x1  }
0xa3: {  	s23 =	simm.s32 $0x1B8B  }
0xa4: {  	_ =	swait.ge [sflag:s23], $0x1  }
0xa5: {  	[sflag:s23] =	ssyncset.done $0x0  }
0xa6: {  	s25 =	simm.s32 $0x1B8E;
	s24 =	sld [smem:$0x3FFE];
	[sflag:s23] =	ssyncadd.s32 $0xFFFFFFFF  }
0xa7: {  	s26 =	simm.s32 $execute0_lowered;
	[smem:$0x3FD2] =	sst s25  }
0xa8: {  	s7 =	sshll.u32 s26, $0x1;
	_ =	strace $0x80000046;
	[dreg:$0x1] =	wrdreg $0xFFFFFFFF  }
0xa9: {  	s28 =	simm.s32 $_size_execute0_lowered;
	s5 =	sadd.s32 s5, s7;
	[dreg:$0x0] =	wrdreg $0x0  }
0xaa: {  	s7 =	sshll.u32 s28, $0x1;
	[dreg:$0x2] =	wrdreg s5  }
0xab: {  	[dreg:$0x3] =	wrdreg s7  }
0xac: {  	[dreg:$0x4] =	wrdreg $0xC0  }
0xad: {  	_ =	task [dreg:s9], $0x5FFFF  }
0xae: {  	[dreg:$0x1] =	wrdreg $0xFFFFFFFF  }
0xaf: {  	[dreg:$0x0] =	wrdreg $0x60  }
0xb0: {  	[dreg:$0x2] =	wrdreg s2  }
0xb1: {  	[dreg:$0x3] =	wrdreg s18  }
0xb2: {  	[dreg:$0x4] =	wrdreg s4  }
0xb3: {  	[dreg:$0x5] =	wrdreg s24  }
0xb4: {  	[dreg:$0x6] =	wrdreg $0x9  }
0xb5: {  	_ =	task.clear_ibuf [dreg:s9], $0x7FFFF;
	_ =	strace $0x90000046  }
0xb6: {  	s29 =	simm.s32 $0x9;
	_ =	strace $0x80000048  }
0xb7: {  	_ =	swait.ge [sflag:s29], $0x1  }
0xb8: {  	[sflag:s29] =	ssyncadd.s32 $0xFFFFFFFF  }
0xb9: {  	_ =	strace $0x90000048  }
0xba: {  	_ =	sfence  }
0xbb: {  	s30 =	sld [smem:$0x0];
	_ =	sdelay $0x2  }
0xbc: {  	s31 =	sshll.u32 s1, $0xD;
	s1 =	sshrl.u32 s1, $0x2  }
0xbd: {  	s3 =	sand.u32 $0x4000, s31;
	s1 =	sadd.s32 s1, s30  }
0xbe: {  	s0 =	sor.u32 s3, s0;
	s1 =	sshll.u32 s1, $0x11  }
0xbf: {  	s0 =	sor.u32 s1, s0  }
0xc0: {  	s0 =	sadd.s32 $0x8F2B, s0  }
0xc1: {  	[sflag:s0] =	ssyncadd.remote.s32 $0x1  }
0xc2: {  	_ =	sfence.sel $0xFFFF  }
0xc3: {  	[dreg:$0x0] =	wrdreg $0xFFFFFFFF;
	(pc) =	sbr.abs _section_cstart, $3  }
0xc4: {  	[dreg:$0x1] =	wrdreg $0xFFFFFFFF  }
0xc5: {  	_ =	task.clear_ibuf [dreg:s9], $0x2FFFF;
	_ =	strace $0x9FFFFFFF  }
0xc6: {  	(tm) =	ssettm $0x7FFFFFFF  }
0xc7: {  	_ =	shalt  }
tec
execute0_lowered:
.L_overlay_start_1:
0x0: {  	(tag) =	ssettag $0x1  }
0x1: {  	s5 =	rddreg [dreg:$0x0]  }
0x2: {  	s3 =	rddreg [dreg:$0x1]  }
0x3: {  	s4 =	rddreg [dreg:$0x2]  }
0x4: {  	s6 =	rddreg [dreg:$0x3]  }
0x5: {  	s0 =	rddreg [dreg:$0x4]  }
0x6: {  	s7 =	srdreg.scid;
	s1 =	stileid.u32;
	s2 =	simm.s32 $0x0  }
0x7: {  	s13 =	simm.s32 $0x1;
	s14 =	simm.s32 $0x2;
	s15 =	simm.s32 $0x10200  }
0x8: {  	s7 =	sand.u32 $0x1, s7;
	s8 =	sshll.u32 s1, $0x1;
	[smem:$0x7FF] =	sst s2  }
0x9: {  	s16 =	simm.s32 $0x0;
	s8 =	sor.u32 s7, s8;
	_ =	strace $0x80000047  }
0xa: {  	s7 =	ssub.s32 $0x2, s7;
	s9 =	sshll.u32 s8, $0x7;
	s10 =	sshll.u32 s8, $0x5  }
0xb: {  	s29 =	sshrl.u32 s7, $0x1;
	s30 =	sshll.u32 s8, $0xE;
	s9 =	sor.u32 $0x3000, s9  }
0xc: {  	s10 =	sadd.s32 s10, s6;
	s12 =	ssub.s32 s7, s29;
	s8 =	sadd.s32 s30, s5  }
0xd: {  	s11 =	sshrl.u32 s9, $0x3;
	s31 =	sshll.u32 s9, $0x7;
	s6 =	sadd.s32 $0x181000, s8  }
0xe: {  	s7 =	sadd.s32 $0x182000, s8;
	s8 =	sadd.s32 $0x183000, s8;
	s9 =	sadd.s32 $0xA00, s10  }
0xf: {  	s10 =	smax.u32 s12, $0x1;
	s12 =	simm.s32 $0x8000;
	s3 =	sadd.s32 s3, s11  }
0x10: {  	s4 =	sadd.s32 s4, s11;
	s5 =	sadd.s32 s5, s31;
	s11 =	simm.s32 $0x3  }
.LBB2_1:
0x11: {  	s18 =	simm.s32 $0x10000  }
0x12: {  	[tilespmem:s18], [sflag:$0x3] =	stream.linear.gather [hbm4b:s3+s2], $0x80, $0x38;
	[tilespmem:$0x10300] =	vst v63  }
0x13: {  	_ =	swait.ge [sflag:s11], $0x80  }
0x14: {  	[sflag:s11] =	ssyncset.done $0x0  }
0x15: {  	s19 =	simm.s32 $0x10100;
	[sflag:s11] =	ssyncadd.s32 $0xFFFFFF80  }
0x16: {  	[tilespmem:s19], [sflag:$0x3] =	stream.linear.gather [hbm4b:s4+s2], $0x80, $0x38;
	[tilespmem:$0x10300] =	vst v63  }
0x17: {  	_ =	swait.ge [sflag:s11], $0x80  }
0x18: {  	[sflag:s11] =	ssyncset.done $0x0  }
0x19: {  	[sflag:s11] =	ssyncadd.s32 $0xFFFFFF80  }
0x1a: {  	[tilespmem:s2], [sflag:$0x1] =	stream.linear.gather [hbm4b:s5+s2], $0x8000, $0x38;
	[tilespmem:$0x10300] =	vst v63  }
0x1b: {  	_ = 	snop  }
0x1c: {  	[tilespmem:s12], [sflag:$0x2] =	stream.linear.gather [hbm4b:s6+s2], $0x8000, $0x38;
	[tilespmem:$0x10300] =	vst v63  }
0x1d: {  	s17 =	simm.s32 $0x0;
	_ =	swait.ge [sflag:s13], $0x8000  }
0x1e: {  	s20 =	sand.u32 $0x380, s2;
	s17 =	sand.u32 $0x6000, s17;
	[sflag:s13] =	ssyncset.done $0x0  }
0x1f: {  	s17 =	sor.u32 s20, s17;
	[sflag:s13] =	ssyncadd.s32 $0xFFFF8000  }
0x20: {  	v0 =	vld [tilespmem:s17+$0x0]  }
0x21: {  	v1 =	vld [tilespmem:s17+$0x10]  }
0x22: {  	v2 =	vld [tilespmem:s17+$0x20]  }
0x23: {  	v3 =	vld [tilespmem:s17+$0x30]  }
0x24: {  	v4 =	vld [tilespmem:s17+$0x40]  }
0x25: {  	v5 =	vld [tilespmem:s17+$0x50]  }
0x26: {  	v6 =	vld [tilespmem:s17+$0x60]  }
0x27: {  	v7 =	vld [tilespmem:s17+$0x70]  }
0x28: {  	v8 =	vld [tilespmem:s17+$0x400]  }
0x29: {  	v9 =	vld [tilespmem:s17+$0x410]  }
0x2a: {  	v10 =	vld [tilespmem:s17+$0x420]  }
0x2b: {  	v11 =	vld [tilespmem:s17+$0x430]  }
0x2c: {  	v12 =	vld [tilespmem:s17+$0x440]  }
0x2d: {  	v13 =	vld [tilespmem:s17+$0x450]  }
0x2e: {  	v14 =	vld [tilespmem:s17+$0x460]  }
0x2f: {  	v15 =	vld [tilespmem:s17+$0x470]  }
0x30: {  	v16 =	vld [tilespmem:s17+$0x800]  }
0x31: {  	v17 =	vld [tilespmem:s17+$0x810]  }
0x32: {  	v18 =	vld [tilespmem:s17+$0x820]  }
0x33: {  	v19 =	vld [tilespmem:s17+$0x830]  }
0x34: {  	v20 =	vld [tilespmem:s17+$0x840]  }
0x35: {  	v21 =	vld [tilespmem:s17+$0x850]  }
0x36: {  	v22 =	vld [tilespmem:s17+$0x860]  }
0x37: {  	v23 =	vld [tilespmem:s17+$0x870]  }
0x38: {  	v24 =	vld [tilespmem:s17+$0xC00]  }
0x39: {  	v25 =	vld [tilespmem:s17+$0xC10]  }
0x3a: {  	v26 =	vld [tilespmem:s17+$0xC20]  }
0x3b: {  	v27 =	vld [tilespmem:s17+$0xC30]  }
0x3c: {  	v28 =	vld [tilespmem:s17+$0xC40]  }
0x3d: {  	v29 =	vld [tilespmem:s17+$0xC50]  }
0x3e: {  	v30 =	vld [tilespmem:s17+$0xC60]  }
0x3f: {  	v31 =	vld [tilespmem:s17+$0xC70]  }
0x40: {  	v32 =	vld [tilespmem:s17+$0x1000]  }
0x41: {  	v33 =	vld [tilespmem:s17+$0x1010]  }
0x42: {  	v34 =	vld [tilespmem:s17+$0x1020]  }
0x43: {  	v35 =	vld [tilespmem:s17+$0x1030]  }
0x44: {  	v36 =	vld [tilespmem:s17+$0x1040]  }
0x45: {  	v37 =	vld [tilespmem:s17+$0x1050]  }
0x46: {  	v38 =	vld [tilespmem:s17+$0x1060]  }
0x47: {  	v39 =	vld [tilespmem:s17+$0x1070]  }
0x48: {  	v40 =	vld [tilespmem:s17+$0x1400]  }
0x49: {  	v41 =	vld [tilespmem:s17+$0x1410]  }
0x4a: {  	v42 =	vld [tilespmem:s17+$0x1420]  }
0x4b: {  	v43 =	vld [tilespmem:s17+$0x1430]  }
0x4c: {  	v44 =	vld [tilespmem:s17+$0x1440]  }
0x4d: {  	v45 =	vld [tilespmem:s17+$0x1450]  }
0x4e: {  	v46 =	vld [tilespmem:s17+$0x1460]  }
0x4f: {  	v47 =	vld [tilespmem:s17+$0x1470]  }
0x50: {  	v48 =	vld [tilespmem:s17+$0x1800]  }
0x51: {  	v49 =	vld [tilespmem:s17+$0x1810]  }
0x52: {  	s25 =	sand.u32 $0x7, s2;
	v50 =	vld [tilespmem:s17+$0x1820]  }
0x53: {  	s20 =	sshll.u32 s25, $0x7;
	v51 =	vld [tilespmem:s17+$0x1830]  }
0x54: {  	s20 =	sadd.s32 $0x0, s20;
	v52 =	vld [tilespmem:s17+$0x1840]  }
0x55: {  	s24 =	simm.s32 $0x80;
	s25 =	simm.s32 $0x400;
	s26 =	sor.u32 $0x1C00, s20;
	v53 =	vld [tilespmem:s17+$0x1850]  }
0x56: {  	s28 =	sor.u32 $0x1C10, s20;
	s29 =	sor.u32 $0x1C20, s20;
	s30 =	sor.u32 $0x1C30, s20;
	v54 =	vld [tilespmem:s17+$0x1860]  }
0x57: {  	s31 =	sor.u32 $0x1C40, s20;
	s21 =	sor.u32 $0x1C50, s20;
	s22 =	sor.u32 $0x1C60, s20;
	v55 =	vld [tilespmem:s17+$0x1870]  }
0x58: {  	s23 =	sor.u32 $0x1C70, s20;
	s20 =	sand.u32 $0x6000, s25;
	v56 =	vld [tilespmem:s26+$0x0];
	s17 =	sand.u32 $0x380, s24  }
0x59: {  	v57 =	vld [tilespmem:s28+$0x0];
	s17 =	sor.u32 s17, s20  }
0x5a: {  	v60 =	vld [tilespmem:s17+$0x50]  }
0x5b: {  	v62 =	vld [tilespmem:s17+$0xC70]  }
0x5c: {  	v63 =	vld [tilespmem:s17+$0x1030]  }
0x5d: {  	v0 =	vadd.f32 v1, v0;
	v1 =	vadd.f32 v3, v2;
	v2 =	vld [tilespmem:s29+$0x0]  }
0x5e: {  	v3 =	vadd.f32 v5, v4;
	v4 =	vadd.f32 v7, v6;
	v5 =	vld [tilespmem:s30+$0x0]  }
0x5f: {  	v6 =	vadd.f32 v9, v8;
	v7 =	vadd.f32 v11, v10;
	v8 =	vld [tilespmem:s31+$0x0]  }
0x60: {  	v9 =	vadd.f32 v13, v12;
	v10 =	vadd.f32 v15, v14;
	v11 =	vld [tilespmem:s21+$0x0]  }
0x61: {  	v12 =	vadd.f32 v17, v16;
	v13 =	vadd.f32 v19, v18;
	v14 =	vld [tilespmem:s22+$0x0]  }
0x62: {  	v15 =	vadd.f32 v21, v20;
	v16 =	vadd.f32 v23, v22;
	v17 =	vld [tilespmem:s23+$0x0]  }
0x63: {  	v18 =	vadd.f32 v25, v24;
	v19 =	vadd.f32 v27, v26;
	v20 =	vld [tilespmem:s18+$0x0]  }
0x64: {  	v21 =	vadd.f32 v29, v28;
	v22 =	vadd.f32 v31, v30;
	v23 =	vld [tilespmem:s19+$0x0]  }
0x65: {  	v24 =	vadd.f32 v33, v32;
	v25 =	vadd.f32 v35, v34;
	v26 =	vld [tilespmem:s17+$0x0]  }
0x66: {  	v27 =	vadd.f32 v37, v36;
	v28 =	vadd.f32 v39, v38;
	v29 =	vld [tilespmem:s17+$0x10]  }
0x67: {  	v30 =	vadd.f32 v41, v40;
	v31 =	vadd.f32 v43, v42;
	v32 =	vld [tilespmem:s17+$0x20]  }
0x68: {  	v45 =	vadd.f32 v45, v44;
	v47 =	vadd.f32 v47, v46;
	v35 =	vld [tilespmem:s17+$0x30]  }
0x69: {  	v49 =	vadd.f32 v49, v48;
	v51 =	vadd.f32 v51, v50;
	v38 =	vld [tilespmem:s17+$0x40]  }
0x6a: {  	v58 =	vadd.f32 v53, v52;
	v59 =	vadd.f32 v55, v54;
	v33 =	vld [tilespmem:s17+$0xC40]  }
0x6b: {  	v61 =	vadd.f32 v57, v56;
	v34 =	vld [tilespmem:s17+$0xC50];
	v0 =	vadd.f32 v1, v0  }
0x6c: {  	v36 =	vld [tilespmem:s17+$0xC60];
	v1 =	vadd.f32 v4, v3;
	v3 =	vadd.f32 v7, v6  }
0x6d: {  	v39 =	vld [tilespmem:s17+$0x1000];
	v6 =	vadd.f32 v10, v9;
	v9 =	vadd.f32 v13, v12  }
0x6e: {  	v40 =	vld [tilespmem:s17+$0x1010];
	v10 =	vadd.f32 v16, v15;
	v13 =	vadd.f32 v19, v18  }
0x6f: {  	v42 =	vld [tilespmem:s17+$0x1020];
	v15 =	vadd.f32 v22, v21;
	v18 =	vadd.f32 v28, v27  }
0x70: {  	v44 =	vld [tilespmem:s17+$0x1040];
	v21 =	vadd.f32 v31, v30;
	v22 =	vadd.f32 v47, v45  }
0x71: {  	v46 =	vld [tilespmem:s17+$0x1060];
	v27 =	vadd.f32 v59, v58;
	v0 =	vadd.f32 v1, v0  }
0x72: {  	v48 =	vld [tilespmem:s17+$0x1420];
	v1 =	vadd.f32 v6, v3;
	v3 =	vadd.f32 v10, v9  }
0x73: {  	v50 =	vld [tilespmem:s17+$0x1440];
	v6 =	vadd.f32 v15, v13;
	v2 =	vadd.f32 v5, v2  }
0x74: {  	v52 =	vld [tilespmem:s17+$0x1460];
	v8 =	vadd.f32 v11, v8;
	v11 =	vadd.f32 v17, v14  }
0x75: {  	v53 =	vld [tilespmem:s17+$0x1470];
	v17 =	vadd.f32 v25, v24;
	v25 =	vadd.f32 v51, v49  }
0x76: {  	v54 =	vld [tilespmem:s17+$0x1800];
	v2 =	vadd.f32 v2, v61;
	v8 =	vadd.f32 v11, v8  }
0x77: {  	v55 =	vld [tilespmem:s17+$0x1810];
	v13 =	vadd.f32 v22, v21;
	v10 =	vadd.f32 v18, v17  }
0x78: {  	v56 =	vld [tilespmem:s17+$0x1820];
	v17 =	vadd.f32 v27, v25;
	v2 =	vadd.f32 v8, v2  }
0x79: {  	v4 =	vld [tilespmem:s17+$0x400];
	v0 =	vadd.f32 v1, v0;
	v1 =	vadd.f32 v6, v3  }
0x7a: {  	v7 =	vld [tilespmem:s17+$0x410];
	v3 =	vadd.f32 v13, v10;
	v2 =	vadd.f32 v2, v17  }
0x7b: {  	v12 =	vld [tilespmem:s17+$0x420]  }
0x7c: {  	v16 =	vld [tilespmem:s17+$0x430];
	v0 =	vadd.f32 v1, v0;
	v1 =	vadd.f32 v2, v3  }
0x7d: {  	v19 =	vld [tilespmem:s17+$0x440]  }
0x7e: {  	v28 =	vld [tilespmem:s17+$0x460];
	v0 =	vadd.f32 v1, v0  }
0x7f: {  	v30 =	vld [tilespmem:s17+$0x800]  }
0x80: {  	v31 =	vld [tilespmem:s17+$0xC30];
	(xrf2) =	vadd.scan.msk.f32 $0xffff, v0  }
0x81: {  	v45 =	vld [tilespmem:s17+$0x1050]  }
0x82: {  	v47 =	vld [tilespmem:s17+$0x1400]  }
0x83: {  	v9 =	vld [tilespmem:s17+$0x810]  }
0x84: {  	v15 =	vld [tilespmem:s17+$0x820]  }
0x85: {  	v21 =	vld [tilespmem:s17+$0x840]  }
0x86: {  	v22 =	vld [tilespmem:s17+$0xC00]  }
0x87: {  	v5 =	vld [tilespmem:s17+$0x60]  }
0x88: {  	v14 =	vld [tilespmem:s17+$0x70]  }
0x89: {  	v24 =	vld [tilespmem:s17+$0x450]  }
0x8a: {  	v49 =	vld [tilespmem:s17+$0x1430];
	v0, _, _ =	vpop (xrf2)  }
0x8b: {  	s21 =	simm.s32 $0x1;
	v51 =	vld [tilespmem:s17+$0x1450];
	(v2sf) =	vpush v0, $0xF  }
0x8c: {  	s26 =	sand.u32 $0x7, s21;
	v11 =	vld [tilespmem:s17+$0x470]  }
0x8d: {  	s20 =	sshll.u32 s26, $0x7;
	v18 =	vld [tilespmem:s17+$0x830];
	(v2sf) =	vpush v23, $0x0  }
0x8e: {  	s23 =	sadd.s32 $0x400, s20;
	v25 =	vld [tilespmem:s17+$0xC10];
	(v2sf) =	vpush v20, $0x0  }
0x8f: {  	s30 =	sor.u32 $0x1C10, s23;
	v27 =	vld [tilespmem:s17+$0xC20]  }
0x90: {  	v61 =	vld [tilespmem:s30+$0x0]  }
0x91: {  	v10 =	vld [tilespmem:s17+$0x850]  }
0x92: {  	v13 =	vld [tilespmem:s17+$0x860]  }
0x93: {  	v4 =	vadd.f32 v7, v4;
	v17 =	vld [tilespmem:s17+$0x870]  }
0x94: {  	s31 =	sor.u32 $0x1C20, s23;
	v8 =	vadd.f32 v9, v30;
	v7 =	vadd.f32 v11, v28;
	v28 =	vld [tilespmem:s17+$0x1860]  }
0x95: {  	v9 =	vadd.f32 v18, v15;
	v15 =	vadd.f32 v62, v36;
	v62 =	vld [tilespmem:s31+$0x0]  }
0x96: {  	s29 =	sor.u32 $0x1C00, s23;
	v2 =	vadd.f32 v60, v38;
	v38 =	vld [tilespmem:s17+$0x1870]  }
0x97: {  	v60 =	vld [tilespmem:s29+$0x0]  }
0x98: {  	s31 =	sor.u32 $0x1C60, s23;
	v1 =	vadd.f32 v35, v32;
	v35 =	vld [tilespmem:s17+$0x1850]  }
0x99: {  	s26 =	sor.u32 $0x1C30, s23;
	v32 =	vld [tilespmem:s31+$0x0]  }
0x9a: {  	s30 =	sor.u32 $0x1C50, s23;
	v11 =	vadd.f32 v17, v13;
	v17 =	vadd.f32 v63, v42;
	v63 =	vld [tilespmem:s26+$0x0];
	s22 =	spop (v2sf)  }
0x9b: {  	v13 =	vadd.f32 v31, v27;
	v31 =	vld [tilespmem:s30+$0x0];
	p1 =	sgt.f32 s22, $0.0e+00  }
0x9c: {  	s20 =	simm.f32 $1.000000000e+00;
	v6 =	vadd.f32 v24, v19;
	v0 =	vadd.f32 v29, v26;
	v26 =	vld [tilespmem:s17+$0x1830];
	s28 =	spop (v2sf)  }
0x9d: {  	v24 =	vadd.f32 v55, v54;
	v18 =	vadd.f32 v45, v44;
	v29 =	vld [tilespmem:s17+$0x1840];
	p0 =	sle.f32 s28, $5.000000000e-01;
	s24 =	spop (v2sf);
	s20 =	simm.s32 @!p1 $0x0  }
0x9e: {  	v3 =	vadd.f32 v14, v5;
	v5 =	vadd.f32 v16, v12;
	v23 =	vld [tilespmem:s17+$0x1070];
	p1 =	seq.f32 s24, $0.0e+00;
	s25 =	smov.u32 s20  }
0x9f: {  	v12 =	vadd.f32 v25, v22;
	v14 =	vadd.f32 v34, v33;
	v20 =	vld [tilespmem:s17+$0x1410];
	s25 =	simm.s32 @!p0 $0x0;
	p0 =	sgt.f32 s28, $5.000000000e-01;
	s28 =	sor.u32 $0x1C40, s23  }
0xa0: {  	v16 =	vadd.f32 v40, v39;
	v22 =	vadd.f32 v51, v50;
	s23 =	sor.u32 $0x1C70, s23;
	v30 =	vld [tilespmem:s28+$0x0]  }
0xa1: {  	v10 =	vadd.f32 v10, v21;
	v21 =	vadd.f32 v49, v48;
	s25 =	simm.s32 @!p1 $0x0;
	v33 =	vld [tilespmem:s23+$0x0]  }
0xa2: {  	v27 =	vadd.f32 v38, v28;
	v28 =	vadd.f32 v61, v60;
	p1 =	seq.f32 s24, $1.000000000e+00;
	s17 =	smov.u32 s25  }
0xa3: {  	s29 =	simm.f32 $0.0e+00;
	v25 =	vadd.f32 v26, v56;
	v26 =	vadd.f32 v35, v29;
	s17 =	smov.u32 @p0 s20  }
0xa4: {  	v29 =	vadd.f32 v63, v62;
	v19 =	vadd.f32 v23, v46;
	s22 =	simm.s32 $0x400;
	s20 =	sadd.f32 s20, s29;
	s25 =	smov.u32 @p1 s17  }
0xa5: {  	v23 =	vadd.f32 v53, v52;
	v20 =	vadd.f32 v20, v47;
	s23 =	simm.s32 $0xFFFF8800;
	s24 =	simm.s32 $0x100;
	s17 =	sadd.f32 s25, s29  }
.LBB2_2:
0xa6: {  	s25 =	sadd.s32 $0x8000, s23;
	p0 =	sne.s32 s24, $0xF80;
	v30 =	vadd.f32 v31, v30;
	v31 =	vadd.f32 v33, v32;
	s18 =	sadd.s32 $0x1, s18  }
0xa7: {  	s26 =	sand.u32 $0x380, s24;
	v32 =	vadd.f32 v1, v0;
	v33 =	vadd.f32 v3, v2;
	s19 =	sadd.s32 $0x1, s19;
	s25 =	sand.u32 $0x6000, s25;
	v34 =	vld [tilespmem:s18+$0x0]  }
0xa8: {  	v35 =	vadd.f32 v5, v4;
	v7 =	vadd.f32 v7, v6;
	s25 =	sor.u32 s26, s25;
	v36 =	vld [tilespmem:s19+$0x0]  }
0xa9: {  	v8 =	vadd.f32 v9, v8;
	v9 =	vadd.f32 v11, v10;
	v0 =	vld [tilespmem:s25+$0x0]  }
0xaa: {  	v10 =	vadd.f32 v13, v12;
	v11 =	vadd.f32 v15, v14;
	v1 =	vld [tilespmem:s25+$0x10]  }
0xab: {  	v12 =	vadd.f32 v17, v16;
	v13 =	vadd.f32 v19, v18;
	v2 =	vld [tilespmem:s25+$0x20]  }
0xac: {  	v14 =	vadd.f32 v21, v20;
	v15 =	vadd.f32 v23, v22;
	v4 =	vld [tilespmem:s25+$0x30]  }
0xad: {  	v16 =	vadd.f32 v25, v24;
	v17 =	vadd.f32 v27, v26;
	v3 =	vld [tilespmem:s25+$0x40]  }
0xae: {  	v18 =	vadd.f32 v29, v28;
	v19 =	vadd.f32 v31, v30;
	v5 =	vld [tilespmem:s25+$0x50]  }
0xaf: {  	v20 =	vadd.f32 v33, v32;
	v21 =	vadd.f32 v7, v35;
	v6 =	vld [tilespmem:s25+$0x60]  }
0xb0: {  	v22 =	vadd.f32 v9, v8;
	v11 =	vadd.f32 v11, v10;
	v7 =	vld [tilespmem:s25+$0x70]  }
0xb1: {  	v12 =	vadd.f32 v13, v12;
	v13 =	vadd.f32 v15, v14;
	v8 =	vld [tilespmem:s25+$0x400]  }
0xb2: {  	v14 =	vadd.f32 v17, v16;
	v15 =	vadd.f32 v19, v18;
	v9 =	vld [tilespmem:s25+$0x410]  }
0xb3: {  	v16 =	vadd.f32 v21, v20;
	v11 =	vadd.f32 v11, v22;
	v10 =	vld [tilespmem:s25+$0x420]  }
0xb4: {  	v12 =	vadd.f32 v13, v12;
	v13 =	vadd.f32 v15, v14;
	v17 =	vld [tilespmem:s25+$0x430]  }
0xb5: {  	v14 =	vld [tilespmem:s25+$0x440]  }
0xb6: {  	v11 =	vadd.f32 v11, v16;
	v12 =	vadd.f32 v13, v12;
	v15 =	vld [tilespmem:s25+$0x450]  }
0xb7: {  	v13 =	vld [tilespmem:s25+$0x460]  }
0xb8: {  	v11 =	vadd.f32 v12, v11;
	v16 =	vld [tilespmem:s25+$0x470]  }
0xb9: {  	v12 =	vld [tilespmem:s25+$0x800]  }
0xba: {  	v18 =	vld [tilespmem:s25+$0x810];
	(xrf2) =	vadd.scan.msk.f32 $0xffff, v11  }
0xbb: {  	v11 =	vld [tilespmem:s25+$0x820]  }
0xbc: {  	v19 =	vld [tilespmem:s25+$0x830]  }
0xbd: {  	v20 =	vld [tilespmem:s25+$0x840]  }
0xbe: {  	v21 =	vld [tilespmem:s25+$0x850]  }
0xbf: {  	v22 =	vld [tilespmem:s25+$0x860]  }
0xc0: {  	v23 =	vld [tilespmem:s25+$0x870]  }
0xc1: {  	v24 =	vld [tilespmem:s25+$0xC00]  }
0xc2: {  	v25 =	vld [tilespmem:s25+$0xC10]  }
0xc3: {  	v26 =	vld [tilespmem:s25+$0xC20]  }
0xc4: {  	v27 =	vld [tilespmem:s25+$0xC30];
	v28, _, _ =	vpop (xrf2)  }
0xc5: {  	v29 =	vld [tilespmem:s25+$0xC40];
	(v2sf) =	vpush v28, $0xF  }
0xc6: {  	v28 =	vld [tilespmem:s25+$0xC50];
	(v2sf) =	vpush v36, $0x0  }
0xc7: {  	v31 =	vld [tilespmem:s25+$0xC60];
	(v2sf) =	vpush v34, $0x0  }
0xc8: {  	v32 =	vld [tilespmem:s25+$0xC70]  }
0xc9: {  	v33 =	vld [tilespmem:s25+$0x1000]  }
0xca: {  	v34 =	vld [tilespmem:s25+$0x1010]  }
0xcb: {  	v35 =	vld [tilespmem:s25+$0x1020]  }
0xcc: {  	v36 =	vld [tilespmem:s25+$0x1030]  }
0xcd: {  	v37 =	vld [tilespmem:s25+$0x1040]  }
0xce: {  	v38 =	vld [tilespmem:s25+$0x1050]  }
0xcf: {  	v39 =	vld [tilespmem:s25+$0x1060]  }
0xd0: {  	v40 =	vld [tilespmem:s25+$0x1070]  }
0xd1: {  	v41 =	vld [tilespmem:s25+$0x1400]  }
0xd2: {  	v42 =	vld [tilespmem:s25+$0x1410]  }
0xd3: {  	v43 =	vld [tilespmem:s25+$0x1420]  }
0xd4: {  	s26 =	spop (v2sf)  }
0xd5: {  	v44 =	vld [tilespmem:s25+$0x1430];
	p1 =	sgt.f32 s26, $0.0e+00  }
0xd6: {  	s29 =	simm.f32 $1.000000000e+00;
	v45 =	vld [tilespmem:s25+$0x1440];
	s26 =	spop (v2sf)  }
0xd7: {  	p2 =	sle.f32 s26, $5.000000000e-01;
	s28 =	spop (v2sf);
	s29 =	simm.s32 @!p1 $0x0  }
0xd8: {  	v46 =	vld [tilespmem:s25+$0x1450];
	p3 =	sgt.f32 s26, $5.000000000e-01;
	p1 =	seq.f32 s28, $0.0e+00;
	s26 =	smov.u32 s29  }
0xd9: {  	v47 =	vld [tilespmem:s25+$0x1460];
	s26 =	simm.s32 @!p2 $0x0  }
0xda: {  	v48 =	vld [tilespmem:s25+$0x1470];
	s26 =	simm.s32 @!p1 $0x0  }
0xdb: {  	p2 =	seq.f32 s28, $1.000000000e+00;
	v49 =	vld [tilespmem:s25+$0x1800];
	s28 =	smov.u32 s26  }
0xdc: {  	s20 =	sadd.f32 s29, s20;
	v50 =	vld [tilespmem:s25+$0x1810];
	s28 =	smov.u32 @p3 s29  }
0xdd: {  	v51 =	vld [tilespmem:s25+$0x1820];
	s26 =	smov.u32 @p2 s28  }
0xde: {  	s21 =	sadd.s32 $0x1, s21;
	v52 =	vld [tilespmem:s25+$0x1830];
	s17 =	sadd.f32 s26, s17  }
0xdf: {  	s26 =	sand.u32 $0x7, s21;
	v53 =	vld [tilespmem:s25+$0x1840]  }
0xe0: {  	s22 =	sadd.s32 $0x400, s22;
	v0 =	vadd.f32 v1, v0;
	v1 =	vadd.f32 v4, v2;
	s26 =	sshll.u32 s26, $0x7;
	v54 =	vld [tilespmem:s25+$0x1850]  }
0xe1: {  	v2 =	vadd.f32 v5, v3;
	v3 =	vadd.f32 v7, v6;
	s26 =	sadd.s32 s26, s22;
	v55 =	vld [tilespmem:s25+$0x1860]  }
0xe2: {  	v4 =	vadd.f32 v9, v8;
	v5 =	vadd.f32 v17, v10;
	v56 =	vld [tilespmem:s25+$0x1870];
	s25 =	sor.u32 $0x1C00, s26  }
0xe3: {  	v6 =	vadd.f32 v15, v14;
	v7 =	vadd.f32 v16, v13;
	v57 =	vld [tilespmem:s25+$0x0];
	s25 =	sor.u32 $0x1C10, s26  }
0xe4: {  	v8 =	vadd.f32 v18, v12;
	v9 =	vadd.f32 v19, v11;
	v58 =	vld [tilespmem:s25+$0x0];
	s25 =	sor.u32 $0x1C20, s26  }
0xe5: {  	v10 =	vadd.f32 v21, v20;
	v11 =	vadd.f32 v23, v22;
	v59 =	vld [tilespmem:s25+$0x0];
	s25 =	sor.u32 $0x1C30, s26  }
0xe6: {  	v12 =	vadd.f32 v25, v24;
	v13 =	vadd.f32 v27, v26;
	v60 =	vld [tilespmem:s25+$0x0];
	s25 =	sor.u32 $0x1C40, s26  }
0xe7: {  	v14 =	vadd.f32 v28, v29;
	v15 =	vadd.f32 v32, v31;
	v30 =	vld [tilespmem:s25+$0x0];
	s25 =	sor.u32 $0x1C50, s26  }
0xe8: {  	v16 =	vadd.f32 v34, v33;
	v17 =	vadd.f32 v36, v35;
	v31 =	vld [tilespmem:s25+$0x0];
	s25 =	sor.u32 $0x1C60, s26  }
0xe9: {  	v18 =	vadd.f32 v38, v37;
	v19 =	vadd.f32 v40, v39;
	v32 =	vld [tilespmem:s25+$0x0];
	s25 =	sor.u32 $0x1C70, s26  }
.Ltmp0:
0xea: {  	v20 =	vadd.f32 v42, v41;
	v21 =	vadd.f32 v44, v43;
	v33 =	vld [tilespmem:s25+$0x0];
	(pc) =	sbr.rel @p0 .LBB2_2-.Ltmp0, $4  }
0xeb: {  	v22 =	vadd.f32 v46, v45;
	v23 =	vadd.f32 v48, v47  }
0xec: {  	v24 =	vadd.f32 v50, v49;
	v25 =	vadd.f32 v52, v51  }
0xed: {  	v26 =	vadd.f32 v54, v53;
	v27 =	vadd.f32 v56, v55  }
0xee: {  	s23 =	sadd.s32 $0x400, s23;
	s24 =	sadd.s32 $0x80, s24;
	v28 =	vadd.f32 v58, v57;
	v29 =	vadd.f32 v60, v59  }
0xef: {  	v30 =	vadd.f32 v31, v30;
	v31 =	vadd.f32 v33, v32  }
0xf0: {  	v0 =	vadd.f32 v1, v0;
	v1 =	vadd.f32 v3, v2  }
0xf1: {  	v2 =	vadd.f32 v5, v4;
	v3 =	vadd.f32 v7, v6  }
0xf2: {  	v4 =	vadd.f32 v9, v8;
	v5 =	vadd.f32 v11, v10  }
0xf3: {  	v6 =	vadd.f32 v13, v12;
	v7 =	vadd.f32 v15, v14  }
0xf4: {  	v8 =	vadd.f32 v17, v16;
	v9 =	vadd.f32 v19, v18  }
0xf5: {  	v10 =	vadd.f32 v21, v20;
	v11 =	vadd.f32 v23, v22  }
0xf6: {  	v12 =	vadd.f32 v25, v24;
	v13 =	vadd.f32 v27, v26  }
0xf7: {  	v14 =	vadd.f32 v29, v28;
	v15 =	vadd.f32 v31, v30  }
0xf8: {  	v0 =	vadd.f32 v1, v0;
	v1 =	vadd.f32 v3, v2  }
0xf9: {  	v2 =	vadd.f32 v5, v4;
	v3 =	vadd.f32 v7, v6  }
0xfa: {  	v4 =	vadd.f32 v9, v8;
	v5 =	vadd.f32 v11, v10  }
0xfb: {  	v6 =	vadd.f32 v13, v12;
	v7 =	vadd.f32 v15, v14  }
0xfc: {  	v0 =	vadd.f32 v1, v0;
	v1 =	vadd.f32 v3, v2  }
0xfd: {  	v2 =	vadd.f32 v5, v4;
	v3 =	vadd.f32 v7, v6;
	_ =	sdelay $0x1  }
0xfe: {  	v0 =	vadd.f32 v1, v0;
	v1 =	vadd.f32 v3, v2;
	_ =	sdelay $0x1  }
0xff: {  	v0 =	vadd.f32 v1, v0;
	_ =	sdelay $0x1  }
0x100: {  	(xrf2) =	vadd.scan.msk.f32 $0xffff, v0;
	_ =	sdelay $0x5  }
0x101: {  	s19 =	sadd.s32 $0x1, s19  }
0x102: {  	s18 =	sadd.s32 $0x1, s18;
	v0 =	vld [tilespmem:s19+$0x0]  }
0x103: {  	v1 =	vld [tilespmem:s18+$0x0];
	_ =	sdelay $0x1  }
0x104: {  	v2, _, _ =	vpop (xrf2)  }
0x105: {  	(v2sf) =	vpush v2, $0xF  }
0x106: {  	(v2sf) =	vpush v0, $0x0  }
0x107: {  	(v2sf) =	vpush v1, $0x0;
	_ =	sdelay $0xa  }
0x108: {  	s26 =	simm.s32 $0x0  }
0x109: {  	[tilespmem:s26], [sflag:$0x1] =	stream.linear.gather [hbm4b:s7+s26], $0x8000, $0x38;
	[tilespmem:$0x10300] =	vst v63  }
0x10a: {  	s23 =	spop (v2sf)  }
0x10b: {  	s22 =	spop (v2sf)  }
0x10c: {  	s18 =	spop (v2sf)  }
0x10d: {  	s21 =	simm.s32 $0x0;
	_ =	swait.ge [sflag:s14], $0x8000  }
0x10e: {  	s21 =	sand.u32 $0x6000, s21;
	s24 =	sand.u32 $0x380, s26;
	[sflag:s14] =	ssyncset.done $0x0  }
0x10f: {  	s21 =	sor.u32 s24, s21;
	[sflag:s14] =	ssyncadd.s32 $0xFFFF8000  }
0x110: {  	v0 =	vld [tilespmem:s21+$0x8000]  }
0x111: {  	v1 =	vld [tilespmem:s21+$0x8010]  }
0x112: {  	v2 =	vld [tilespmem:s21+$0x8020]  }
0x113: {  	v3 =	vld [tilespmem:s21+$0x8030]  }
0x114: {  	v4 =	vld [tilespmem:s21+$0x8040]  }
0x115: {  	v5 =	vld [tilespmem:s21+$0x8050]  }
0x116: {  	v6 =	vld [tilespmem:s21+$0x8060]  }
0x117: {  	v7 =	vld [tilespmem:s21+$0x8070]  }
0x118: {  	v8 =	vld [tilespmem:s21+$0x8400]  }
0x119: {  	v9 =	vld [tilespmem:s21+$0x8410]  }
0x11a: {  	v10 =	vld [tilespmem:s21+$0x8420]  }
0x11b: {  	v11 =	vld [tilespmem:s21+$0x8430]  }
0x11c: {  	v12 =	vld [tilespmem:s21+$0x8440]  }
0x11d: {  	v13 =	vld [tilespmem:s21+$0x8450]  }
0x11e: {  	v14 =	vld [tilespmem:s21+$0x8460]  }
0x11f: {  	v15 =	vld [tilespmem:s21+$0x8470]  }
0x120: {  	v16 =	vld [tilespmem:s21+$0x8800]  }
0x121: {  	v17 =	vld [tilespmem:s21+$0x8810]  }
0x122: {  	v18 =	vld [tilespmem:s21+$0x8820]  }
0x123: {  	v19 =	vld [tilespmem:s21+$0x8830]  }
0x124: {  	v20 =	vld [tilespmem:s21+$0x8840]  }
0x125: {  	v21 =	vld [tilespmem:s21+$0x8850]  }
0x126: {  	v22 =	vld [tilespmem:s21+$0x8860]  }
0x127: {  	v23 =	vld [tilespmem:s21+$0x8870]  }
0x128: {  	v24 =	vld [tilespmem:s21+$0x8C00]  }
0x129: {  	v25 =	vld [tilespmem:s21+$0x8C10]  }
0x12a: {  	v26 =	vld [tilespmem:s21+$0x8C20]  }
0x12b: {  	v27 =	vld [tilespmem:s21+$0x8C30]  }
0x12c: {  	v28 =	vld [tilespmem:s21+$0x8C40]  }
0x12d: {  	v29 =	vld [tilespmem:s21+$0x8C50]  }
0x12e: {  	v30 =	vld [tilespmem:s21+$0x8C60]  }
0x12f: {  	v31 =	vld [tilespmem:s21+$0x8C70]  }
0x130: {  	v62 =	vld [tilespmem:s21+$0x9000]  }
0x131: {  	v63 =	vld [tilespmem:s21+$0x9010]  }
0x132: {  	v34 =	vld [tilespmem:s21+$0x9020]  }
0x133: {  	v35 =	vld [tilespmem:s21+$0x9030]  }
0x134: {  	v36 =	vld [tilespmem:s21+$0x9040]  }
0x135: {  	v37 =	vld [tilespmem:s21+$0x9050]  }
0x136: {  	v38 =	vld [tilespmem:s21+$0x9060]  }
0x137: {  	v39 =	vld [tilespmem:s21+$0x9070]  }
0x138: {  	v40 =	vld [tilespmem:s21+$0x9400]  }
0x139: {  	v41 =	vld [tilespmem:s21+$0x9410]  }
0x13a: {  	v42 =	vld [tilespmem:s21+$0x9420]  }
0x13b: {  	v43 =	vld [tilespmem:s21+$0x9430]  }
0x13c: {  	v44 =	vld [tilespmem:s21+$0x9440]  }
0x13d: {  	v45 =	vld [tilespmem:s21+$0x9450]  }
0x13e: {  	v46 =	vld [tilespmem:s21+$0x9460]  }
0x13f: {  	v47 =	vld [tilespmem:s21+$0x9470]  }
0x140: {  	v48 =	vld [tilespmem:s21+$0x9800]  }
0x141: {  	v49 =	vld [tilespmem:s21+$0x9810]  }
0x142: {  	v50 =	vld [tilespmem:s21+$0x9820]  }
0x143: {  	v51 =	vld [tilespmem:s21+$0x9830]  }
0x144: {  	s19 =	sand.u32 $0x7, s26;
	v52 =	vld [tilespmem:s21+$0x9840]  }
0x145: {  	s19 =	sshll.u32 s19, $0x7;
	v53 =	vld [tilespmem:s21+$0x9850]  }
0x146: {  	s19 =	sadd.s32 $0x0, s19;
	v54 =	vld [tilespmem:s21+$0x9860]  }
0x147: {  	s28 =	sor.u32 $0x1C00, s19;
	v55 =	vld [tilespmem:s21+$0x9870]  }
0x148: {  	s29 =	sor.u32 $0x1C10, s19;
	v56 =	vld [tilespmem:s28+$0x8000]  }
0x149: {  	s30 =	sor.u32 $0x1C20, s19;
	v0 =	vadd.f32 v1, v0;
	v1 =	vadd.f32 v3, v2;
	v2 =	vld [tilespmem:s29+$0x8000]  }
0x14a: {  	s31 =	sor.u32 $0x1C30, s19;
	v3 =	vadd.f32 v5, v4;
	v4 =	vadd.f32 v7, v6;
	v5 =	vld [tilespmem:s30+$0x8000]  }
0x14b: {  	s24 =	sor.u32 $0x1C40, s19;
	v6 =	vadd.f32 v9, v8;
	v7 =	vadd.f32 v11, v10;
	v8 =	vld [tilespmem:s31+$0x8000]  }
0x14c: {  	s25 =	sor.u32 $0x1C50, s19;
	v9 =	vadd.f32 v13, v12;
	v10 =	vadd.f32 v15, v14;
	v11 =	vld [tilespmem:s24+$0x8000]  }
0x14d: {  	s26 =	sor.u32 $0x1C60, s19;
	v12 =	vadd.f32 v17, v16;
	v13 =	vadd.f32 v19, v18;
	v14 =	vld [tilespmem:s25+$0x8000]  }
0x14e: {  	s28 =	sor.u32 $0x1C70, s19;
	v15 =	vadd.f32 v21, v20;
	v16 =	vadd.f32 v23, v22;
	v17 =	vld [tilespmem:s26+$0x8000]  }
0x14f: {  	s19 =	simm.s32 $0x10020;
	v18 =	vadd.f32 v25, v24;
	v19 =	vadd.f32 v27, v26;
	v20 =	vld [tilespmem:s28+$0x8000];
	s29 =	simm.s32 $0x80;
	s25 =	simm.s32 $0x400  }
0x150: {  	s21 =	simm.s32 $0x10120;
	v21 =	vadd.f32 v29, v28;
	v22 =	vadd.f32 v31, v30;
	v23 =	vld [tilespmem:s19+$0x0];
	s25 =	sand.u32 $0x6000, s25;
	s24 =	sand.u32 $0x380, s29  }
0x151: {  	v24 =	vadd.f32 v63, v62;
	v25 =	vadd.f32 v35, v34;
	v26 =	vld [tilespmem:s21+$0x0];
	s24 =	sor.u32 s24, s25  }
0x152: {  	v27 =	vadd.f32 v37, v36;
	v28 =	vadd.f32 v39, v38;
	v29 =	vld [tilespmem:s24+$0x8000]  }
0x153: {  	v30 =	vadd.f32 v41, v40;
	v31 =	vadd.f32 v43, v42;
	v32 =	vld [tilespmem:s24+$0x8010]  }
0x154: {  	v45 =	vadd.f32 v45, v44;
	v47 =	vadd.f32 v47, v46;
	v35 =	vld [tilespmem:s24+$0x8020]  }
0x155: {  	v57 =	vadd.f32 v49, v48;
	v58 =	vadd.f32 v51, v50;
	v38 =	vld [tilespmem:s24+$0x8030]  }
0x156: {  	v59 =	vadd.f32 v53, v52;
	v60 =	vadd.f32 v55, v54;
	v61 =	vld [tilespmem:s24+$0x8040]  }
0x157: {  	v0 =	vadd.f32 v1, v0;
	v1 =	vadd.f32 v4, v3;
	v3 =	vld [tilespmem:s24+$0x8070]  }
0x158: {  	v4 =	vadd.f32 v7, v6;
	v6 =	vadd.f32 v10, v9;
	v7 =	vld [tilespmem:s24+$0x8400]  }
0x159: {  	v9 =	vadd.f32 v13, v12;
	v10 =	vadd.f32 v16, v15;
	v12 =	vld [tilespmem:s24+$0x8410]  }
0x15a: {  	v13 =	vadd.f32 v19, v18;
	v15 =	vadd.f32 v22, v21;
	v16 =	vld [tilespmem:s24+$0x8420]  }
0x15b: {  	v18 =	vadd.f32 v25, v24;
	v19 =	vadd.f32 v28, v27;
	v24 =	vld [tilespmem:s24+$0x8440]  }
0x15c: {  	v21 =	vadd.f32 v31, v30;
	v22 =	vadd.f32 v47, v45;
	v28 =	vld [tilespmem:s24+$0x8450]  }
0x15d: {  	v25 =	vadd.f32 v58, v57;
	v27 =	vadd.f32 v60, v59;
	v30 =	vld [tilespmem:s24+$0x8C20]  }
0x15e: {  	v31 =	vld [tilespmem:s24+$0x8C30];
	v0 =	vadd.f32 v1, v0;
	v1 =	vadd.f32 v6, v4  }
0x15f: {  	v33 =	vld [tilespmem:s24+$0x8C40];
	v2 =	vadd.f32 v2, v56;
	v5 =	vadd.f32 v8, v5  }
0x160: {  	v34 =	vld [tilespmem:s24+$0x8C50];
	v11 =	vadd.f32 v14, v11;
	v14 =	vadd.f32 v20, v17  }
0x161: {  	v36 =	vld [tilespmem:s24+$0x8C60];
	v4 =	vadd.f32 v10, v9;
	v6 =	vadd.f32 v15, v13  }
0x162: {  	v62 =	vld [tilespmem:s24+$0x8C70];
	v2 =	vadd.f32 v5, v2;
	v5 =	vadd.f32 v14, v11  }
0x163: {  	v39 =	vld [tilespmem:s24+$0x9000];
	v10 =	vadd.f32 v19, v18;
	v13 =	vadd.f32 v22, v21  }
0x164: {  	v40 =	vld [tilespmem:s24+$0x9010];
	v18 =	vadd.f32 v27, v25;
	v2 =	vadd.f32 v5, v2  }
0x165: {  	v42 =	vld [tilespmem:s24+$0x9020];
	v0 =	vadd.f32 v1, v0;
	v1 =	vadd.f32 v6, v4  }
0x166: {  	v63 =	vld [tilespmem:s24+$0x9030];
	v4 =	vadd.f32 v13, v10;
	v2 =	vadd.f32 v2, v18  }
0x167: {  	v44 =	vld [tilespmem:s24+$0x9040]  }
0x168: {  	v45 =	vld [tilespmem:s24+$0x9050];
	v0 =	vadd.f32 v1, v0;
	v1 =	vadd.f32 v2, v4  }
0x169: {  	v46 =	vld [tilespmem:s24+$0x9060]  }
0x16a: {  	v47 =	vld [tilespmem:s24+$0x9070];
	v0 =	vadd.f32 v1, v0  }
0x16b: {  	v48 =	vld [tilespmem:s24+$0x9420]  }
0x16c: {  	v49 =	vld [tilespmem:s24+$0x9430];
	(xrf2) =	vadd.scan.msk.f32 $0xffff, v0  }
0x16d: {  	v50 =	vld [tilespmem:s24+$0x9440]  }
0x16e: {  	v51 =	vld [tilespmem:s24+$0x9450]  }
0x16f: {  	v52 =	vld [tilespmem:s24+$0x9460]  }
0x170: {  	v53 =	vld [tilespmem:s24+$0x9470]  }
0x171: {  	v54 =	vld [tilespmem:s24+$0x9800]  }
0x172: {  	v55 =	vld [tilespmem:s24+$0x9810]  }
0x173: {  	v60 =	vld [tilespmem:s24+$0x9850]  }
0x174: {  	v9 =	vld [tilespmem:s24+$0x8800]  }
0x175: {  	v15 =	vld [tilespmem:s24+$0x8810]  }
0x176: {  	v19 =	vld [tilespmem:s24+$0x8820];
	v0, _, _ =	vpop (xrf2)  }
0x177: {  	v21 =	vld [tilespmem:s24+$0x8830];
	(v2sf) =	vpush v0, $0xF  }
0x178: {  	v22 =	vld [tilespmem:s24+$0x8870]  }
0x179: {  	v25 =	vld [tilespmem:s24+$0x8C00];
	(v2sf) =	vpush v26, $0x0  }
0x17a: {  	v27 =	vld [tilespmem:s24+$0x8C10];
	(v2sf) =	vpush v23, $0x0  }
0x17b: {  	v8 =	vld [tilespmem:s24+$0x8050]  }
0x17c: {  	v17 =	vld [tilespmem:s24+$0x8060]  }
0x17d: {  	v20 =	vld [tilespmem:s24+$0x8430]  }
0x17e: {  	v56 =	vld [tilespmem:s24+$0x9820]  }
0x17f: {  	v10 =	vld [tilespmem:s24+$0x8840]  }
0x180: {  	p0 =	sgt.f32 s23, $0.0e+00;
	v13 =	vld [tilespmem:s24+$0x8850]  }
0x181: {  	s23 =	simm.f32 $1.000000000e+00;
	v11 =	vld [tilespmem:s24+$0x8460]  }
0x182: {  	p1 =	sle.f32 s22, $5.000000000e-01;
	s23 =	simm.s32 @!p0 $0x0;
	v14 =	vld [tilespmem:s24+$0x8470]  }
0x183: {  	p2 =	seq.f32 s18, $0.0e+00;
	p0 =	sgt.f32 s22, $5.000000000e-01;
	s22 =	simm.s32 $0x1;
	v6 =	vadd.f32 v28, v24;
	v28 =	vld [tilespmem:s24+$0x9860]  }
0x184: {  	s20 =	sadd.f32 s23, s20;
	s28 =	sand.u32 $0x7, s22;
	s25 =	smov.u32 s23;
	v18 =	vld [tilespmem:s24+$0x8860]  }
0x185: {  	s30 =	sshll.u32 s28, $0x7;
	s25 =	simm.s32 @!p1 $0x0;
	p1 =	seq.f32 s18, $1.000000000e+00;
	v2 =	vadd.f32 v8, v61;
	v61 =	vld [tilespmem:s24+$0x9870]  }
0x186: {  	s18 =	simm.f32 $1.000000000e+00;
	s25 =	simm.s32 @!p2 $0x0;
	v1 =	vadd.f32 v38, v35;
	v35 =	vld [tilespmem:s24+$0x9840];
	s26 =	spop (v2sf)  }
0x187: {  	s29 =	smov.u32 s25;
	v0 =	vadd.f32 v32, v29;
	v29 =	vld [tilespmem:s24+$0x9830];
	p2 =	sgt.f32 s26, $0.0e+00;
	s26 =	sadd.s32 $0x400, s30  }
0x188: {  	s29 =	smov.u32 @p0 s23;
	v26 =	vld [tilespmem:s24+$0x9400];
	s28 =	spop (v2sf);
	s31 =	sor.u32 $0x1C00, s26  }
0x189: {  	v24 =	vadd.f32 v55, v54;
	v3 =	vadd.f32 v3, v17;
	v23 =	vld [tilespmem:s24+$0x9410];
	s30 =	spop (v2sf);
	s18 =	simm.s32 @!p2 $0x0;
	p2 =	sle.f32 s28, $5.000000000e-01  }
0x18a: {  	v5 =	vadd.f32 v20, v16;
	v16 =	vadd.f32 v40, v39;
	s24 =	sor.u32 $0x1C10, s26;
	v57 =	vld [tilespmem:s31+$0x8000];
	p0 =	seq.f32 s30, $0.0e+00;
	s31 =	smov.u32 s18  }
0x18b: {  	s25 =	smov.u32 @p1 s29;
	v17 =	vadd.f32 v63, v42;
	v10 =	vadd.f32 v13, v10;
	s29 =	sor.u32 $0x1C50, s26;
	v58 =	vld [tilespmem:s24+$0x8000];
	s31 =	simm.s32 @!p2 $0x0  }
0x18c: {  	v13 =	vadd.f32 v31, v30;
	v4 =	vadd.f32 v12, v7;
	s24 =	sor.u32 $0x1C20, s26;
	v31 =	vld [tilespmem:s29+$0x8000];
	p2 =	sgt.f32 s28, $5.000000000e-01;
	s31 =	simm.s32 @!p0 $0x0  }
0x18d: {  	v8 =	vadd.f32 v15, v9;
	v15 =	vadd.f32 v62, v36;
	v62 =	vld [tilespmem:s24+$0x8000];
	s24 =	sor.u32 $0x1C30, s26;
	p0 =	seq.f32 s30, $1.000000000e+00;
	s23 =	smov.u32 s31  }
0x18e: {  	s17 =	sadd.f32 s25, s17;
	v7 =	vadd.f32 v14, v11;
	v9 =	vadd.f32 v21, v19;
	v63 =	vld [tilespmem:s24+$0x8000];
	s28 =	sor.u32 $0x1C40, s26;
	s23 =	smov.u32 @p2 s18  }
0x18f: {  	v12 =	vadd.f32 v27, v25;
	v14 =	vadd.f32 v34, v33;
	v30 =	vld [tilespmem:s28+$0x8000];
	s30 =	sor.u32 $0x1C60, s26;
	s31 =	smov.u32 @p0 s23  }
0x190: {  	v19 =	vadd.f32 v47, v46;
	v21 =	vadd.f32 v49, v48;
	v32 =	vld [tilespmem:s30+$0x8000];
	s17 =	sadd.f32 s31, s17;
	s31 =	sor.u32 $0x1C70, s26  }
0x191: {  	v11 =	vadd.f32 v22, v18;
	v18 =	vadd.f32 v45, v44;
	v33 =	vld [tilespmem:s31+$0x8000]  }
0x192: {  	v22 =	vadd.f32 v51, v50;
	v27 =	vadd.f32 v61, v28  }
0x193: {  	v25 =	vadd.f32 v29, v56;
	v20 =	vadd.f32 v23, v26  }
0x194: {  	v23 =	vadd.f32 v53, v52;
	v26 =	vadd.f32 v60, v35;
	s24 =	simm.s32 $0x100  }
0x195: {  	s18 =	sadd.f32 s18, s20;
	s20 =	simm.s32 $0x400;
	v28 =	vadd.f32 v58, v57;
	s23 =	simm.s32 $0xFFFF8800;
	v29 =	vadd.f32 v63, v62  }
.LBB2_4:
0x196: {  	s25 =	sadd.s32 $0x8000, s23;
	p0 =	sne.s32 s24, $0xF80;
	v30 =	vadd.f32 v31, v30;
	v31 =	vadd.f32 v33, v32;
	s19 =	sadd.s32 $0x1, s19  }
0x197: {  	s26 =	sand.u32 $0x380, s24;
	v32 =	vadd.f32 v1, v0;
	v33 =	vadd.f32 v3, v2;
	s21 =	sadd.s32 $0x1, s21;
	s25 =	sand.u32 $0x6000, s25;
	v34 =	vld [tilespmem:s19+$0x0]  }
0x198: {  	v35 =	vadd.f32 v5, v4;
	v7 =	vadd.f32 v7, v6;
	s25 =	sor.u32 s26, s25;
	v36 =	vld [tilespmem:s21+$0x0]  }
0x199: {  	v8 =	vadd.f32 v9, v8;
	v9 =	vadd.f32 v11, v10;
	v0 =	vld [tilespmem:s25+$0x8000]  }
0x19a: {  	v10 =	vadd.f32 v13, v12;
	v11 =	vadd.f32 v15, v14;
	v1 =	vld [tilespmem:s25+$0x8010]  }
0x19b: {  	v12 =	vadd.f32 v17, v16;
	v13 =	vadd.f32 v19, v18;
	v2 =	vld [tilespmem:s25+$0x8020]  }
0x19c: {  	v14 =	vadd.f32 v21, v20;
	v15 =	vadd.f32 v23, v22;
	v4 =	vld [tilespmem:s25+$0x8030]  }
0x19d: {  	v16 =	vadd.f32 v25, v24;
	v17 =	vadd.f32 v27, v26;
	v3 =	vld [tilespmem:s25+$0x8040]  }
0x19e: {  	v18 =	vadd.f32 v29, v28;
	v19 =	vadd.f32 v31, v30;
	v5 =	vld [tilespmem:s25+$0x8050]  }
0x19f: {  	v20 =	vadd.f32 v33, v32;
	v21 =	vadd.f32 v7, v35;
	v6 =	vld [tilespmem:s25+$0x8060]  }
0x1a0: {  	v22 =	vadd.f32 v9, v8;
	v11 =	vadd.f32 v11, v10;
	v7 =	vld [tilespmem:s25+$0x8070]  }
0x1a1: {  	v12 =	vadd.f32 v13, v12;
	v13 =	vadd.f32 v15, v14;
	v8 =	vld [tilespmem:s25+$0x8400]  }
0x1a2: {  	v14 =	vadd.f32 v17, v16;
	v15 =	vadd.f32 v19, v18;
	v9 =	vld [tilespmem:s25+$0x8410]  }
0x1a3: {  	v16 =	vadd.f32 v21, v20;
	v11 =	vadd.f32 v11, v22;
	v10 =	vld [tilespmem:s25+$0x8420]  }
0x1a4: {  	v12 =	vadd.f32 v13, v12;
	v13 =	vadd.f32 v15, v14;
	v17 =	vld [tilespmem:s25+$0x8430]  }
0x1a5: {  	v14 =	vld [tilespmem:s25+$0x8440]  }
0x1a6: {  	v11 =	vadd.f32 v11, v16;
	v12 =	vadd.f32 v13, v12;
	v15 =	vld [tilespmem:s25+$0x8450]  }
0x1a7: {  	v13 =	vld [tilespmem:s25+$0x8460]  }
0x1a8: {  	v11 =	vadd.f32 v12, v11;
	v16 =	vld [tilespmem:s25+$0x8470]  }
0x1a9: {  	v12 =	vld [tilespmem:s25+$0x8800]  }
0x1aa: {  	v18 =	vld [tilespmem:s25+$0x8810];
	(xrf2) =	vadd.scan.msk.f32 $0xffff, v11  }
0x1ab: {  	v11 =	vld [tilespmem:s25+$0x8820]  }
0x1ac: {  	v19 =	vld [tilespmem:s25+$0x8830]  }
0x1ad: {  	v20 =	vld [tilespmem:s25+$0x8840]  }
0x1ae: {  	v21 =	vld [tilespmem:s25+$0x8850]  }
0x1af: {  	v22 =	vld [tilespmem:s25+$0x8860]  }
0x1b0: {  	v23 =	vld [tilespmem:s25+$0x8870]  }
0x1b1: {  	v24 =	vld [tilespmem:s25+$0x8C00]  }
0x1b2: {  	v25 =	vld [tilespmem:s25+$0x8C10]  }
0x1b3: {  	v26 =	vld [tilespmem:s25+$0x8C20]  }
0x1b4: {  	v27 =	vld [tilespmem:s25+$0x8C30];
	v28, _, _ =	vpop (xrf2)  }
0x1b5: {  	v29 =	vld [tilespmem:s25+$0x8C40];
	(v2sf) =	vpush v28, $0xF  }
0x1b6: {  	v28 =	vld [tilespmem:s25+$0x8C50];
	(v2sf) =	vpush v36, $0x0  }
0x1b7: {  	v31 =	vld [tilespmem:s25+$0x8C60];
	(v2sf) =	vpush v34, $0x0  }
0x1b8: {  	v32 =	vld [tilespmem:s25+$0x8C70]  }
0x1b9: {  	v33 =	vld [tilespmem:s25+$0x9000]  }
0x1ba: {  	v34 =	vld [tilespmem:s25+$0x9010]  }
0x1bb: {  	v35 =	vld [tilespmem:s25+$0x9020]  }
0x1bc: {  	v36 =	vld [tilespmem:s25+$0x9030]  }
0x1bd: {  	v37 =	vld [tilespmem:s25+$0x9040]  }
0x1be: {  	v38 =	vld [tilespmem:s25+$0x9050]  }
0x1bf: {  	v39 =	vld [tilespmem:s25+$0x9060]  }
0x1c0: {  	v40 =	vld [tilespmem:s25+$0x9070]  }
0x1c1: {  	v41 =	vld [tilespmem:s25+$0x9400]  }
0x1c2: {  	v42 =	vld [tilespmem:s25+$0x9410]  }
0x1c3: {  	v43 =	vld [tilespmem:s25+$0x9420]  }
0x1c4: {  	s26 =	spop (v2sf)  }
0x1c5: {  	v44 =	vld [tilespmem:s25+$0x9430];
	p1 =	sgt.f32 s26, $0.0e+00  }
0x1c6: {  	s29 =	simm.f32 $1.000000000e+00;
	v45 =	vld [tilespmem:s25+$0x9440];
	s26 =	spop (v2sf)  }
0x1c7: {  	p2 =	sle.f32 s26, $5.000000000e-01;
	s28 =	spop (v2sf);
	s29 =	simm.s32 @!p1 $0x0  }
0x1c8: {  	v46 =	vld [tilespmem:s25+$0x9450];
	p3 =	sgt.f32 s26, $5.000000000e-01;
	p1 =	seq.f32 s28, $0.0e+00;
	s26 =	smov.u32 s29  }
0x1c9: {  	v47 =	vld [tilespmem:s25+$0x9460];
	s26 =	simm.s32 @!p2 $0x0  }
0x1ca: {  	v48 =	vld [tilespmem:s25+$0x9470];
	s26 =	simm.s32 @!p1 $0x0  }
0x1cb: {  	p2 =	seq.f32 s28, $1.000000000e+00;
	v49 =	vld [tilespmem:s25+$0x9800];
	s28 =	smov.u32 s26  }
0x1cc: {  	s18 =	sadd.f32 s29, s18;
	v50 =	vld [tilespmem:s25+$0x9810];
	s28 =	smov.u32 @p3 s29  }
0x1cd: {  	v51 =	vld [tilespmem:s25+$0x9820];
	s26 =	smov.u32 @p2 s28  }
0x1ce: {  	s22 =	sadd.s32 $0x1, s22;
	v52 =	vld [tilespmem:s25+$0x9830];
	s17 =	sadd.f32 s26, s17  }
0x1cf: {  	s26 =	sand.u32 $0x7, s22;
	v53 =	vld [tilespmem:s25+$0x9840]  }
0x1d0: {  	s20 =	sadd.s32 $0x400, s20;
	v0 =	vadd.f32 v1, v0;
	v1 =	vadd.f32 v4, v2;
	s26 =	sshll.u32 s26, $0x7;
	v54 =	vld [tilespmem:s25+$0x9850]  }
0x1d1: {  	v2 =	vadd.f32 v5, v3;
	v3 =	vadd.f32 v7, v6;
	s26 =	sadd.s32 s26, s20;
	v55 =	vld [tilespmem:s25+$0x9860]  }
0x1d2: {  	v4 =	vadd.f32 v9, v8;
	v5 =	vadd.f32 v17, v10;
	v56 =	vld [tilespmem:s25+$0x9870];
	s25 =	sor.u32 $0x1C00, s26  }
0x1d3: {  	v6 =	vadd.f32 v15, v14;
	v7 =	vadd.f32 v16, v13;
	v57 =	vld [tilespmem:s25+$0x8000];
	s25 =	sor.u32 $0x1C10, s26  }
0x1d4: {  	v8 =	vadd.f32 v18, v12;
	v9 =	vadd.f32 v19, v11;
	v58 =	vld [tilespmem:s25+$0x8000];
	s25 =	sor.u32 $0x1C20, s26  }
0x1d5: {  	v10 =	vadd.f32 v21, v20;
	v11 =	vadd.f32 v23, v22;
	v59 =	vld [tilespmem:s25+$0x8000];
	s25 =	sor.u32 $0x1C30, s26  }
0x1d6: {  	v12 =	vadd.f32 v25, v24;
	v13 =	vadd.f32 v27, v26;
	v60 =	vld [tilespmem:s25+$0x8000];
	s25 =	sor.u32 $0x1C40, s26  }
0x1d7: {  	v14 =	vadd.f32 v28, v29;
	v15 =	vadd.f32 v32, v31;
	v30 =	vld [tilespmem:s25+$0x8000];
	s25 =	sor.u32 $0x1C50, s26  }
0x1d8: {  	v16 =	vadd.f32 v34, v33;
	v17 =	vadd.f32 v36, v35;
	v31 =	vld [tilespmem:s25+$0x8000];
	s25 =	sor.u32 $0x1C60, s26  }
0x1d9: {  	v18 =	vadd.f32 v38, v37;
	v19 =	vadd.f32 v40, v39;
	v32 =	vld [tilespmem:s25+$0x8000];
	s25 =	sor.u32 $0x1C70, s26  }
.Ltmp1:
0x1da: {  	v20 =	vadd.f32 v42, v41;
	v21 =	vadd.f32 v44, v43;
	v33 =	vld [tilespmem:s25+$0x8000];
	(pc) =	sbr.rel @p0 .LBB2_4-.Ltmp1, $4  }
0x1db: {  	v22 =	vadd.f32 v46, v45;
	v23 =	vadd.f32 v48, v47  }
0x1dc: {  	v24 =	vadd.f32 v50, v49;
	v25 =	vadd.f32 v52, v51  }
0x1dd: {  	v26 =	vadd.f32 v54, v53;
	v27 =	vadd.f32 v56, v55  }
0x1de: {  	s23 =	sadd.s32 $0x400, s23;
	s24 =	sadd.s32 $0x80, s24;
	v28 =	vadd.f32 v58, v57;
	v29 =	vadd.f32 v60, v59  }
0x1df: {  	v30 =	vadd.f32 v31, v30;
	v31 =	vadd.f32 v33, v32  }
0x1e0: {  	v0 =	vadd.f32 v1, v0;
	v1 =	vadd.f32 v3, v2  }
0x1e1: {  	v2 =	vadd.f32 v5, v4;
	v3 =	vadd.f32 v7, v6  }
0x1e2: {  	v4 =	vadd.f32 v9, v8;
	v5 =	vadd.f32 v11, v10  }
0x1e3: {  	v6 =	vadd.f32 v13, v12;
	v7 =	vadd.f32 v15, v14  }
0x1e4: {  	v8 =	vadd.f32 v17, v16;
	v9 =	vadd.f32 v19, v18  }
0x1e5: {  	v10 =	vadd.f32 v21, v20;
	v11 =	vadd.f32 v23, v22  }
0x1e6: {  	v12 =	vadd.f32 v25, v24;
	v13 =	vadd.f32 v27, v26  }
0x1e7: {  	v14 =	vadd.f32 v29, v28;
	v15 =	vadd.f32 v31, v30  }
0x1e8: {  	v0 =	vadd.f32 v1, v0;
	v1 =	vadd.f32 v3, v2  }
0x1e9: {  	v2 =	vadd.f32 v5, v4;
	v3 =	vadd.f32 v7, v6  }
0x1ea: {  	v4 =	vadd.f32 v9, v8;
	v5 =	vadd.f32 v11, v10  }
0x1eb: {  	v6 =	vadd.f32 v13, v12;
	v7 =	vadd.f32 v15, v14  }
0x1ec: {  	v0 =	vadd.f32 v1, v0;
	v1 =	vadd.f32 v3, v2  }
0x1ed: {  	v2 =	vadd.f32 v5, v4;
	v3 =	vadd.f32 v7, v6;
	_ =	sdelay $0x1  }
0x1ee: {  	v0 =	vadd.f32 v1, v0;
	v1 =	vadd.f32 v3, v2;
	_ =	sdelay $0x1  }
0x1ef: {  	v0 =	vadd.f32 v1, v0;
	_ =	sdelay $0x1  }
0x1f0: {  	(xrf2) =	vadd.scan.msk.f32 $0xffff, v0;
	_ =	sdelay $0x5  }
0x1f1: {  	s20 =	sadd.s32 $0x1, s21  }
0x1f2: {  	s19 =	sadd.s32 $0x1, s19;
	v0 =	vld [tilespmem:s20+$0x0]  }
0x1f3: {  	v1 =	vld [tilespmem:s19+$0x0];
	_ =	sdelay $0x1  }
0x1f4: {  	v2, _, _ =	vpop (xrf2)  }
0x1f5: {  	(v2sf) =	vpush v2, $0xF  }
0x1f6: {  	(v2sf) =	vpush v0, $0x0  }
0x1f7: {  	(v2sf) =	vpush v1, $0x0;
	_ =	sdelay $0xa  }
0x1f8: {  	s25 =	simm.s32 $0x0  }
0x1f9: {  	[tilespmem:s12], [sflag:$0x2] =	stream.linear.gather [hbm4b:s8+s25], $0x8000, $0x38;
	[tilespmem:$0x10300] =	vst v63  }
0x1fa: {  	s23 =	spop (v2sf)  }
0x1fb: {  	s21 =	spop (v2sf)  }
0x1fc: {  	s22 =	spop (v2sf)  }
0x1fd: {  	s26 =	simm.s32 $0x0;
	_ =	swait.ge [sflag:s13], $0x8000  }
0x1fe: {  	s24 =	sand.u32 $0x380, s25;
	s20 =	sand.u32 $0x6000, s26;
	[sflag:s13] =	ssyncset.done $0x0  }
0x1ff: {  	s20 =	sor.u32 s24, s20;
	[sflag:s13] =	ssyncadd.s32 $0xFFFF8000  }
0x200: {  	v0 =	vld [tilespmem:s20+$0x0]  }
0x201: {  	v1 =	vld [tilespmem:s20+$0x10]  }
0x202: {  	v2 =	vld [tilespmem:s20+$0x20]  }
0x203: {  	v3 =	vld [tilespmem:s20+$0x30]  }
0x204: {  	v4 =	vld [tilespmem:s20+$0x40]  }
0x205: {  	v5 =	vld [tilespmem:s20+$0x50]  }
0x206: {  	v6 =	vld [tilespmem:s20+$0x60]  }
0x207: {  	v7 =	vld [tilespmem:s20+$0x70]  }
0x208: {  	v8 =	vld [tilespmem:s20+$0x400]  }
0x209: {  	v9 =	vld [tilespmem:s20+$0x410]  }
0x20a: {  	v10 =	vld [tilespmem:s20+$0x420]  }
0x20b: {  	v11 =	vld [tilespmem:s20+$0x430]  }
0x20c: {  	v12 =	vld [tilespmem:s20+$0x440]  }
0x20d: {  	v13 =	vld [tilespmem:s20+$0x450]  }
0x20e: {  	v14 =	vld [tilespmem:s20+$0x460]  }
0x20f: {  	v15 =	vld [tilespmem:s20+$0x470]  }
0x210: {  	v16 =	vld [tilespmem:s20+$0x800]  }
0x211: {  	v17 =	vld [tilespmem:s20+$0x810]  }
0x212: {  	v18 =	vld [tilespmem:s20+$0x820]  }
0x213: {  	v19 =	vld [tilespmem:s20+$0x830]  }
0x214: {  	v20 =	vld [tilespmem:s20+$0x840]  }
0x215: {  	v21 =	vld [tilespmem:s20+$0x850]  }
0x216: {  	v22 =	vld [tilespmem:s20+$0x860]  }
0x217: {  	v23 =	vld [tilespmem:s20+$0x870]  }
0x218: {  	v24 =	vld [tilespmem:s20+$0xC00]  }
0x219: {  	v25 =	vld [tilespmem:s20+$0xC10]  }
0x21a: {  	v26 =	vld [tilespmem:s20+$0xC20]  }
0x21b: {  	v27 =	vld [tilespmem:s20+$0xC30]  }
0x21c: {  	v28 =	vld [tilespmem:s20+$0xC40]  }
0x21d: {  	v29 =	vld [tilespmem:s20+$0xC50]  }
0x21e: {  	v30 =	vld [tilespmem:s20+$0xC60]  }
0x21f: {  	v31 =	vld [tilespmem:s20+$0xC70]  }
0x220: {  	v62 =	vld [tilespmem:s20+$0x1000]  }
0x221: {  	v63 =	vld [tilespmem:s20+$0x1010]  }
0x222: {  	v34 =	vld [tilespmem:s20+$0x1020]  }
0x223: {  	v35 =	vld [tilespmem:s20+$0x1030]  }
0x224: {  	v36 =	vld [tilespmem:s20+$0x1040]  }
0x225: {  	v37 =	vld [tilespmem:s20+$0x1050]  }
0x226: {  	v38 =	vld [tilespmem:s20+$0x1060]  }
0x227: {  	v39 =	vld [tilespmem:s20+$0x1070]  }
0x228: {  	v40 =	vld [tilespmem:s20+$0x1400]  }
0x229: {  	v41 =	vld [tilespmem:s20+$0x1410]  }
0x22a: {  	v42 =	vld [tilespmem:s20+$0x1420]  }
0x22b: {  	v43 =	vld [tilespmem:s20+$0x1430]  }
0x22c: {  	v44 =	vld [tilespmem:s20+$0x1440]  }
0x22d: {  	v45 =	vld [tilespmem:s20+$0x1450]  }
0x22e: {  	v46 =	vld [tilespmem:s20+$0x1460]  }
0x22f: {  	v47 =	vld [tilespmem:s20+$0x1470]  }
0x230: {  	v48 =	vld [tilespmem:s20+$0x1800]  }
0x231: {  	v49 =	vld [tilespmem:s20+$0x1810]  }
0x232: {  	v50 =	vld [tilespmem:s20+$0x1820]  }
0x233: {  	v51 =	vld [tilespmem:s20+$0x1830]  }
0x234: {  	s19 =	sand.u32 $0x7, s25;
	v52 =	vld [tilespmem:s20+$0x1840]  }
0x235: {  	s19 =	sshll.u32 s19, $0x7;
	v53 =	vld [tilespmem:s20+$0x1850]  }
0x236: {  	s19 =	sadd.s32 $0x0, s19;
	v54 =	vld [tilespmem:s20+$0x1860]  }
0x237: {  	s28 =	sor.u32 $0x1C00, s19;
	v55 =	vld [tilespmem:s20+$0x1870]  }
0x238: {  	s29 =	sor.u32 $0x1C10, s19;
	v56 =	vld [tilespmem:s28+$0x0]  }
0x239: {  	s30 =	sor.u32 $0x1C20, s19;
	v0 =	vadd.f32 v1, v0;
	v1 =	vadd.f32 v3, v2;
	v2 =	vld [tilespmem:s29+$0x0]  }
0x23a: {  	s31 =	sor.u32 $0x1C30, s19;
	v3 =	vadd.f32 v5, v4;
	v4 =	vadd.f32 v7, v6;
	v5 =	vld [tilespmem:s30+$0x0]  }
0x23b: {  	s24 =	sor.u32 $0x1C40, s19;
	v6 =	vadd.f32 v9, v8;
	v7 =	vadd.f32 v11, v10;
	v8 =	vld [tilespmem:s31+$0x0]  }
0x23c: {  	s25 =	sor.u32 $0x1C50, s19;
	v9 =	vadd.f32 v13, v12;
	v10 =	vadd.f32 v15, v14;
	v11 =	vld [tilespmem:s24+$0x0]  }
0x23d: {  	s26 =	sor.u32 $0x1C60, s19;
	v12 =	vadd.f32 v17, v16;
	v13 =	vadd.f32 v19, v18;
	v14 =	vld [tilespmem:s25+$0x0]  }
0x23e: {  	s28 =	sor.u32 $0x1C70, s19;
	v15 =	vadd.f32 v21, v20;
	v16 =	vadd.f32 v23, v22;
	v17 =	vld [tilespmem:s26+$0x0]  }
0x23f: {  	s19 =	simm.s32 $0x10040;
	v18 =	vadd.f32 v25, v24;
	v19 =	vadd.f32 v27, v26;
	v20 =	vld [tilespmem:s28+$0x0];
	s29 =	simm.s32 $0x80;
	s25 =	simm.s32 $0x400  }
0x240: {  	s20 =	simm.s32 $0x10140;
	v21 =	vadd.f32 v29, v28;
	v22 =	vadd.f32 v31, v30;
	v23 =	vld [tilespmem:s19+$0x0];
	s25 =	sand.u32 $0x6000, s25;
	s24 =	sand.u32 $0x380, s29  }
0x241: {  	v24 =	vadd.f32 v63, v62;
	v25 =	vadd.f32 v35, v34;
	v26 =	vld [tilespmem:s20+$0x0];
	s24 =	sor.u32 s24, s25  }
0x242: {  	v27 =	vadd.f32 v37, v36;
	v28 =	vadd.f32 v39, v38;
	v29 =	vld [tilespmem:s24+$0x0]  }
0x243: {  	v30 =	vadd.f32 v41, v40;
	v31 =	vadd.f32 v43, v42;
	v32 =	vld [tilespmem:s24+$0x10]  }
0x244: {  	v45 =	vadd.f32 v45, v44;
	v47 =	vadd.f32 v47, v46;
	v35 =	vld [tilespmem:s24+$0x20]  }
0x245: {  	v57 =	vadd.f32 v49, v48;
	v58 =	vadd.f32 v51, v50;
	v38 =	vld [tilespmem:s24+$0x30]  }
0x246: {  	v59 =	vadd.f32 v53, v52;
	v60 =	vadd.f32 v55, v54;
	v61 =	vld [tilespmem:s24+$0x40]  }
0x247: {  	v0 =	vadd.f32 v1, v0;
	v1 =	vadd.f32 v4, v3;
	v3 =	vld [tilespmem:s24+$0x70]  }
0x248: {  	v4 =	vadd.f32 v7, v6;
	v6 =	vadd.f32 v10, v9;
	v7 =	vld [tilespmem:s24+$0x400]  }
0x249: {  	v9 =	vadd.f32 v13, v12;
	v10 =	vadd.f32 v16, v15;
	v12 =	vld [tilespmem:s24+$0x410]  }
0x24a: {  	v13 =	vadd.f32 v19, v18;
	v15 =	vadd.f32 v22, v21;
	v16 =	vld [tilespmem:s24+$0x420]  }
0x24b: {  	v18 =	vadd.f32 v25, v24;
	v19 =	vadd.f32 v28, v27;
	v24 =	vld [tilespmem:s24+$0x440]  }
0x24c: {  	v21 =	vadd.f32 v31, v30;
	v22 =	vadd.f32 v47, v45;
	v28 =	vld [tilespmem:s24+$0x450]  }
0x24d: {  	v25 =	vadd.f32 v58, v57;
	v27 =	vadd.f32 v60, v59;
	v30 =	vld [tilespmem:s24+$0xC20]  }
0x24e: {  	v31 =	vld [tilespmem:s24+$0xC30];
	v0 =	vadd.f32 v1, v0;
	v1 =	vadd.f32 v6, v4  }
0x24f: {  	v33 =	vld [tilespmem:s24+$0xC40];
	v2 =	vadd.f32 v2, v56;
	v5 =	vadd.f32 v8, v5  }
0x250: {  	v34 =	vld [tilespmem:s24+$0xC50];
	v11 =	vadd.f32 v14, v11;
	v14 =	vadd.f32 v20, v17  }
0x251: {  	v36 =	vld [tilespmem:s24+$0xC60];
	v4 =	vadd.f32 v10, v9;
	v6 =	vadd.f32 v15, v13  }
0x252: {  	v62 =	vld [tilespmem:s24+$0xC70];
	v2 =	vadd.f32 v5, v2;
	v5 =	vadd.f32 v14, v11  }
0x253: {  	v39 =	vld [tilespmem:s24+$0x1000];
	v10 =	vadd.f32 v19, v18;
	v13 =	vadd.f32 v22, v21  }
0x254: {  	v40 =	vld [tilespmem:s24+$0x1010];
	v18 =	vadd.f32 v27, v25;
	v2 =	vadd.f32 v5, v2  }
0x255: {  	v42 =	vld [tilespmem:s24+$0x1020];
	v0 =	vadd.f32 v1, v0;
	v1 =	vadd.f32 v6, v4  }
0x256: {  	v63 =	vld [tilespmem:s24+$0x1030];
	v4 =	vadd.f32 v13, v10;
	v2 =	vadd.f32 v2, v18  }
0x257: {  	v44 =	vld [tilespmem:s24+$0x1040]  }
0x258: {  	v45 =	vld [tilespmem:s24+$0x1050];
	v0 =	vadd.f32 v1, v0;
	v1 =	vadd.f32 v2, v4  }
0x259: {  	v46 =	vld [tilespmem:s24+$0x1060]  }
0x25a: {  	v47 =	vld [tilespmem:s24+$0x1070];
	v0 =	vadd.f32 v1, v0  }
0x25b: {  	v48 =	vld [tilespmem:s24+$0x1420]  }
0x25c: {  	v49 =	vld [tilespmem:s24+$0x1430];
	(xrf2) =	vadd.scan.msk.f32 $0xffff, v0  }
0x25d: {  	v50 =	vld [tilespmem:s24+$0x1440]  }
0x25e: {  	v51 =	vld [tilespmem:s24+$0x1450]  }
0x25f: {  	v52 =	vld [tilespmem:s24+$0x1460]  }
0x260: {  	v53 =	vld [tilespmem:s24+$0x1470]  }
0x261: {  	v54 =	vld [tilespmem:s24+$0x1800]  }
0x262: {  	v55 =	vld [tilespmem:s24+$0x1810]  }
0x263: {  	v60 =	vld [tilespmem:s24+$0x1850]  }
0x264: {  	v9 =	vld [tilespmem:s24+$0x800]  }
0x265: {  	v15 =	vld [tilespmem:s24+$0x810]  }
0x266: {  	v19 =	vld [tilespmem:s24+$0x820];
	v0, _, _ =	vpop (xrf2)  }
0x267: {  	v21 =	vld [tilespmem:s24+$0x830];
	(v2sf) =	vpush v0, $0xF  }
0x268: {  	v22 =	vld [tilespmem:s24+$0x870]  }
0x269: {  	v25 =	vld [tilespmem:s24+$0xC00];
	(v2sf) =	vpush v26, $0x0  }
0x26a: {  	v27 =	vld [tilespmem:s24+$0xC10];
	(v2sf) =	vpush v23, $0x0  }
0x26b: {  	v8 =	vld [tilespmem:s24+$0x50]  }
0x26c: {  	v17 =	vld [tilespmem:s24+$0x60]  }
0x26d: {  	v20 =	vld [tilespmem:s24+$0x430]  }
0x26e: {  	v56 =	vld [tilespmem:s24+$0x1820]  }
0x26f: {  	v10 =	vld [tilespmem:s24+$0x840]  }
0x270: {  	p0 =	sgt.f32 s23, $0.0e+00;
	v13 =	vld [tilespmem:s24+$0x850]  }
0x271: {  	s23 =	simm.f32 $1.000000000e+00;
	v11 =	vld [tilespmem:s24+$0x460]  }
0x272: {  	p1 =	sle.f32 s21, $5.000000000e-01;
	s23 =	simm.s32 @!p0 $0x0;
	v14 =	vld [tilespmem:s24+$0x470]  }
0x273: {  	p2 =	seq.f32 s22, $0.0e+00;
	p0 =	sgt.f32 s21, $5.000000000e-01;
	s21 =	simm.s32 $0x1;
	v6 =	vadd.f32 v28, v24;
	v28 =	vld [tilespmem:s24+$0x1860]  }
0x274: {  	s18 =	sadd.f32 s23, s18;
	s28 =	sand.u32 $0x7, s21;
	s25 =	smov.u32 s23;
	v18 =	vld [tilespmem:s24+$0x860]  }
0x275: {  	s30 =	sshll.u32 s28, $0x7;
	s25 =	simm.s32 @!p1 $0x0;
	p1 =	seq.f32 s22, $1.000000000e+00;
	v2 =	vadd.f32 v8, v61;
	v61 =	vld [tilespmem:s24+$0x1870]  }
0x276: {  	s22 =	simm.f32 $1.000000000e+00;
	s25 =	simm.s32 @!p2 $0x0;
	v1 =	vadd.f32 v38, v35;
	v35 =	vld [tilespmem:s24+$0x1840];
	s26 =	spop (v2sf)  }
0x277: {  	s29 =	smov.u32 s25;
	v0 =	vadd.f32 v32, v29;
	v29 =	vld [tilespmem:s24+$0x1830];
	p2 =	sgt.f32 s26, $0.0e+00;
	s26 =	sadd.s32 $0x400, s30  }
0x278: {  	s29 =	smov.u32 @p0 s23;
	v26 =	vld [tilespmem:s24+$0x1400];
	s28 =	spop (v2sf);
	s31 =	sor.u32 $0x1C00, s26  }
0x279: {  	v24 =	vadd.f32 v55, v54;
	v3 =	vadd.f32 v3, v17;
	v23 =	vld [tilespmem:s24+$0x1410];
	s30 =	spop (v2sf);
	s22 =	simm.s32 @!p2 $0x0;
	p2 =	sle.f32 s28, $5.000000000e-01  }
0x27a: {  	v5 =	vadd.f32 v20, v16;
	v16 =	vadd.f32 v40, v39;
	s24 =	sor.u32 $0x1C10, s26;
	v57 =	vld [tilespmem:s31+$0x0];
	p0 =	seq.f32 s30, $0.0e+00;
	s31 =	smov.u32 s22  }
0x27b: {  	s25 =	smov.u32 @p1 s29;
	v17 =	vadd.f32 v63, v42;
	v10 =	vadd.f32 v13, v10;
	s29 =	sor.u32 $0x1C50, s26;
	v58 =	vld [tilespmem:s24+$0x0];
	s31 =	simm.s32 @!p2 $0x0  }
0x27c: {  	v13 =	vadd.f32 v31, v30;
	v4 =	vadd.f32 v12, v7;
	s24 =	sor.u32 $0x1C20, s26;
	v31 =	vld [tilespmem:s29+$0x0];
	p2 =	sgt.f32 s28, $5.000000000e-01;
	s31 =	simm.s32 @!p0 $0x0  }
0x27d: {  	v8 =	vadd.f32 v15, v9;
	v15 =	vadd.f32 v62, v36;
	v62 =	vld [tilespmem:s24+$0x0];
	s24 =	sor.u32 $0x1C30, s26;
	p0 =	seq.f32 s30, $1.000000000e+00;
	s23 =	smov.u32 s31  }
0x27e: {  	s17 =	sadd.f32 s25, s17;
	v7 =	vadd.f32 v14, v11;
	v9 =	vadd.f32 v21, v19;
	v63 =	vld [tilespmem:s24+$0x0];
	s28 =	sor.u32 $0x1C40, s26;
	s23 =	smov.u32 @p2 s22  }
0x27f: {  	v12 =	vadd.f32 v27, v25;
	v14 =	vadd.f32 v34, v33;
	v30 =	vld [tilespmem:s28+$0x0];
	s30 =	sor.u32 $0x1C60, s26;
	s31 =	smov.u32 @p0 s23  }
0x280: {  	v19 =	vadd.f32 v47, v46;
	v21 =	vadd.f32 v49, v48;
	v32 =	vld [tilespmem:s30+$0x0];
	s17 =	sadd.f32 s31, s17;
	s31 =	sor.u32 $0x1C70, s26  }
0x281: {  	v11 =	vadd.f32 v22, v18;
	v18 =	vadd.f32 v45, v44;
	v33 =	vld [tilespmem:s31+$0x0]  }
0x282: {  	v22 =	vadd.f32 v51, v50;
	v27 =	vadd.f32 v61, v28  }
0x283: {  	v25 =	vadd.f32 v29, v56;
	v20 =	vadd.f32 v23, v26  }
0x284: {  	v23 =	vadd.f32 v53, v52;
	v26 =	vadd.f32 v60, v35;
	s18 =	sadd.f32 s22, s18  }
0x285: {  	s24 =	simm.s32 $0x100;
	s22 =	simm.s32 $0x400;
	v28 =	vadd.f32 v58, v57;
	s23 =	simm.s32 $0xFFFF8800;
	v29 =	vadd.f32 v63, v62  }
.LBB2_6:
0x286: {  	s25 =	sadd.s32 $0x8000, s23;
	p0 =	sne.s32 s24, $0xF80;
	v30 =	vadd.f32 v31, v30;
	v31 =	vadd.f32 v33, v32;
	s19 =	sadd.s32 $0x1, s19  }
0x287: {  	s26 =	sand.u32 $0x380, s24;
	v32 =	vadd.f32 v1, v0;
	v33 =	vadd.f32 v3, v2;
	s20 =	sadd.s32 $0x1, s20;
	s25 =	sand.u32 $0x6000, s25;
	v34 =	vld [tilespmem:s19+$0x0]  }
0x288: {  	v35 =	vadd.f32 v5, v4;
	v7 =	vadd.f32 v7, v6;
	s25 =	sor.u32 s26, s25;
	v36 =	vld [tilespmem:s20+$0x0]  }
0x289: {  	v8 =	vadd.f32 v9, v8;
	v9 =	vadd.f32 v11, v10;
	v0 =	vld [tilespmem:s25+$0x0]  }
0x28a: {  	v10 =	vadd.f32 v13, v12;
	v11 =	vadd.f32 v15, v14;
	v1 =	vld [tilespmem:s25+$0x10]  }
0x28b: {  	v12 =	vadd.f32 v17, v16;
	v13 =	vadd.f32 v19, v18;
	v2 =	vld [tilespmem:s25+$0x20]  }
0x28c: {  	v14 =	vadd.f32 v21, v20;
	v15 =	vadd.f32 v23, v22;
	v4 =	vld [tilespmem:s25+$0x30]  }
0x28d: {  	v16 =	vadd.f32 v25, v24;
	v17 =	vadd.f32 v27, v26;
	v3 =	vld [tilespmem:s25+$0x40]  }
0x28e: {  	v18 =	vadd.f32 v29, v28;
	v19 =	vadd.f32 v31, v30;
	v5 =	vld [tilespmem:s25+$0x50]  }
0x28f: {  	v20 =	vadd.f32 v33, v32;
	v21 =	vadd.f32 v7, v35;
	v6 =	vld [tilespmem:s25+$0x60]  }
0x290: {  	v22 =	vadd.f32 v9, v8;
	v11 =	vadd.f32 v11, v10;
	v7 =	vld [tilespmem:s25+$0x70]  }
0x291: {  	v12 =	vadd.f32 v13, v12;
	v13 =	vadd.f32 v15, v14;
	v8 =	vld [tilespmem:s25+$0x400]  }
0x292: {  	v14 =	vadd.f32 v17, v16;
	v15 =	vadd.f32 v19, v18;
	v9 =	vld [tilespmem:s25+$0x410]  }
0x293: {  	v16 =	vadd.f32 v21, v20;
	v11 =	vadd.f32 v11, v22;
	v10 =	vld [tilespmem:s25+$0x420]  }
0x294: {  	v12 =	vadd.f32 v13, v12;
	v13 =	vadd.f32 v15, v14;
	v17 =	vld [tilespmem:s25+$0x430]  }
0x295: {  	v14 =	vld [tilespmem:s25+$0x440]  }
0x296: {  	v11 =	vadd.f32 v11, v16;
	v12 =	vadd.f32 v13, v12;
	v15 =	vld [tilespmem:s25+$0x450]  }
0x297: {  	v13 =	vld [tilespmem:s25+$0x460]  }
0x298: {  	v11 =	vadd.f32 v12, v11;
	v16 =	vld [tilespmem:s25+$0x470]  }
0x299: {  	v12 =	vld [tilespmem:s25+$0x800]  }
0x29a: {  	v18 =	vld [tilespmem:s25+$0x810];
	(xrf2) =	vadd.scan.msk.f32 $0xffff, v11  }
0x29b: {  	v11 =	vld [tilespmem:s25+$0x820]  }
0x29c: {  	v19 =	vld [tilespmem:s25+$0x830]  }
0x29d: {  	v20 =	vld [tilespmem:s25+$0x840]  }
0x29e: {  	v21 =	vld [tilespmem:s25+$0x850]  }
0x29f: {  	v22 =	vld [tilespmem:s25+$0x860]  }
0x2a0: {  	v23 =	vld [tilespmem:s25+$0x870]  }
0x2a1: {  	v24 =	vld [tilespmem:s25+$0xC00]  }
0x2a2: {  	v25 =	vld [tilespmem:s25+$0xC10]  }
0x2a3: {  	v26 =	vld [tilespmem:s25+$0xC20]  }
0x2a4: {  	v27 =	vld [tilespmem:s25+$0xC30];
	v28, _, _ =	vpop (xrf2)  }
0x2a5: {  	v29 =	vld [tilespmem:s25+$0xC40];
	(v2sf) =	vpush v28, $0xF  }
0x2a6: {  	v28 =	vld [tilespmem:s25+$0xC50];
	(v2sf) =	vpush v36, $0x0  }
0x2a7: {  	v31 =	vld [tilespmem:s25+$0xC60];
	(v2sf) =	vpush v34, $0x0  }
0x2a8: {  	v32 =	vld [tilespmem:s25+$0xC70]  }
0x2a9: {  	v33 =	vld [tilespmem:s25+$0x1000]  }
0x2aa: {  	v34 =	vld [tilespmem:s25+$0x1010]  }
0x2ab: {  	v35 =	vld [tilespmem:s25+$0x1020]  }
0x2ac: {  	v36 =	vld [tilespmem:s25+$0x1030]  }
0x2ad: {  	v37 =	vld [tilespmem:s25+$0x1040]  }
0x2ae: {  	v38 =	vld [tilespmem:s25+$0x1050]  }
0x2af: {  	v39 =	vld [tilespmem:s25+$0x1060]  }
0x2b0: {  	v40 =	vld [tilespmem:s25+$0x1070]  }
0x2b1: {  	v41 =	vld [tilespmem:s25+$0x1400]  }
0x2b2: {  	v42 =	vld [tilespmem:s25+$0x1410]  }
0x2b3: {  	v43 =	vld [tilespmem:s25+$0x1420]  }
0x2b4: {  	s26 =	spop (v2sf)  }
0x2b5: {  	v44 =	vld [tilespmem:s25+$0x1430];
	p1 =	sgt.f32 s26, $0.0e+00  }
0x2b6: {  	s29 =	simm.f32 $1.000000000e+00;
	v45 =	vld [tilespmem:s25+$0x1440];
	s26 =	spop (v2sf)  }
0x2b7: {  	p2 =	sle.f32 s26, $5.000000000e-01;
	s28 =	spop (v2sf);
	s29 =	simm.s32 @!p1 $0x0  }
0x2b8: {  	v46 =	vld [tilespmem:s25+$0x1450];
	p3 =	sgt.f32 s26, $5.000000000e-01;
	p1 =	seq.f32 s28, $0.0e+00;
	s26 =	smov.u32 s29  }
0x2b9: {  	v47 =	vld [tilespmem:s25+$0x1460];
	s26 =	simm.s32 @!p2 $0x0  }
0x2ba: {  	v48 =	vld [tilespmem:s25+$0x1470];
	s26 =	simm.s32 @!p1 $0x0  }
0x2bb: {  	p2 =	seq.f32 s28, $1.000000000e+00;
	v49 =	vld [tilespmem:s25+$0x1800];
	s28 =	smov.u32 s26  }
0x2bc: {  	s18 =	sadd.f32 s29, s18;
	v50 =	vld [tilespmem:s25+$0x1810];
	s28 =	smov.u32 @p3 s29  }
0x2bd: {  	v51 =	vld [tilespmem:s25+$0x1820];
	s26 =	smov.u32 @p2 s28  }
0x2be: {  	s21 =	sadd.s32 $0x1, s21;
	v52 =	vld [tilespmem:s25+$0x1830];
	s17 =	sadd.f32 s26, s17  }
0x2bf: {  	s26 =	sand.u32 $0x7, s21;
	v53 =	vld [tilespmem:s25+$0x1840]  }
0x2c0: {  	s22 =	sadd.s32 $0x400, s22;
	v0 =	vadd.f32 v1, v0;
	v1 =	vadd.f32 v4, v2;
	s26 =	sshll.u32 s26, $0x7;
	v54 =	vld [tilespmem:s25+$0x1850]  }
0x2c1: {  	v2 =	vadd.f32 v5, v3;
	v3 =	vadd.f32 v7, v6;
	s26 =	sadd.s32 s26, s22;
	v55 =	vld [tilespmem:s25+$0x1860]  }
0x2c2: {  	v4 =	vadd.f32 v9, v8;
	v5 =	vadd.f32 v17, v10;
	v56 =	vld [tilespmem:s25+$0x1870];
	s25 =	sor.u32 $0x1C00, s26  }
0x2c3: {  	v6 =	vadd.f32 v15, v14;
	v7 =	vadd.f32 v16, v13;
	v57 =	vld [tilespmem:s25+$0x0];
	s25 =	sor.u32 $0x1C10, s26  }
0x2c4: {  	v8 =	vadd.f32 v18, v12;
	v9 =	vadd.f32 v19, v11;
	v58 =	vld [tilespmem:s25+$0x0];
	s25 =	sor.u32 $0x1C20, s26  }
0x2c5: {  	v10 =	vadd.f32 v21, v20;
	v11 =	vadd.f32 v23, v22;
	v59 =	vld [tilespmem:s25+$0x0];
	s25 =	sor.u32 $0x1C30, s26  }
0x2c6: {  	v12 =	vadd.f32 v25, v24;
	v13 =	vadd.f32 v27, v26;
	v60 =	vld [tilespmem:s25+$0x0];
	s25 =	sor.u32 $0x1C40, s26  }
0x2c7: {  	v14 =	vadd.f32 v28, v29;
	v15 =	vadd.f32 v32, v31;
	v30 =	vld [tilespmem:s25+$0x0];
	s25 =	sor.u32 $0x1C50, s26  }
0x2c8: {  	v16 =	vadd.f32 v34, v33;
	v17 =	vadd.f32 v36, v35;
	v31 =	vld [tilespmem:s25+$0x0];
	s25 =	sor.u32 $0x1C60, s26  }
0x2c9: {  	v18 =	vadd.f32 v38, v37;
	v19 =	vadd.f32 v40, v39;
	v32 =	vld [tilespmem:s25+$0x0];
	s25 =	sor.u32 $0x1C70, s26  }
.Ltmp2:
0x2ca: {  	v20 =	vadd.f32 v42, v41;
	v21 =	vadd.f32 v44, v43;
	v33 =	vld [tilespmem:s25+$0x0];
	(pc) =	sbr.rel @p0 .LBB2_6-.Ltmp2, $4  }
0x2cb: {  	v22 =	vadd.f32 v46, v45;
	v23 =	vadd.f32 v48, v47  }
0x2cc: {  	v24 =	vadd.f32 v50, v49;
	v25 =	vadd.f32 v52, v51  }
0x2cd: {  	v26 =	vadd.f32 v54, v53;
	v27 =	vadd.f32 v56, v55  }
0x2ce: {  	s23 =	sadd.s32 $0x400, s23;
	s24 =	sadd.s32 $0x80, s24;
	v28 =	vadd.f32 v58, v57;
	v29 =	vadd.f32 v60, v59  }
0x2cf: {  	v30 =	vadd.f32 v31, v30;
	v31 =	vadd.f32 v33, v32  }
0x2d0: {  	v0 =	vadd.f32 v1, v0;
	v1 =	vadd.f32 v3, v2  }
0x2d1: {  	v2 =	vadd.f32 v5, v4;
	v3 =	vadd.f32 v7, v6  }
0x2d2: {  	v4 =	vadd.f32 v9, v8;
	v5 =	vadd.f32 v11, v10  }
0x2d3: {  	v6 =	vadd.f32 v13, v12;
	v7 =	vadd.f32 v15, v14  }
0x2d4: {  	v8 =	vadd.f32 v17, v16;
	v9 =	vadd.f32 v19, v18  }
0x2d5: {  	v10 =	vadd.f32 v21, v20;
	v11 =	vadd.f32 v23, v22  }
0x2d6: {  	v12 =	vadd.f32 v25, v24;
	v13 =	vadd.f32 v27, v26  }
0x2d7: {  	v14 =	vadd.f32 v29, v28;
	v15 =	vadd.f32 v31, v30  }
0x2d8: {  	v0 =	vadd.f32 v1, v0;
	v1 =	vadd.f32 v3, v2  }
0x2d9: {  	v2 =	vadd.f32 v5, v4;
	v3 =	vadd.f32 v7, v6  }
0x2da: {  	v4 =	vadd.f32 v9, v8;
	v5 =	vadd.f32 v11, v10  }
0x2db: {  	v6 =	vadd.f32 v13, v12;
	v7 =	vadd.f32 v15, v14  }
0x2dc: {  	v0 =	vadd.f32 v1, v0;
	v1 =	vadd.f32 v3, v2  }
0x2dd: {  	v2 =	vadd.f32 v5, v4;
	v3 =	vadd.f32 v7, v6;
	_ =	sdelay $0x1  }
0x2de: {  	v0 =	vadd.f32 v1, v0;
	v1 =	vadd.f32 v3, v2;
	_ =	sdelay $0x1  }
0x2df: {  	v0 =	vadd.f32 v1, v0;
	_ =	sdelay $0x1  }
0x2e0: {  	(xrf2) =	vadd.scan.msk.f32 $0xffff, v0;
	_ =	sdelay $0x5  }
0x2e1: {  	s20 =	sadd.s32 $0x1, s20  }
0x2e2: {  	s19 =	sadd.s32 $0x1, s19;
	v0 =	vld [tilespmem:s20+$0x0]  }
0x2e3: {  	v1 =	vld [tilespmem:s19+$0x0];
	_ =	sdelay $0x1  }
0x2e4: {  	v2, _, _ =	vpop (xrf2)  }
0x2e5: {  	(v2sf) =	vpush v2, $0xF  }
0x2e6: {  	(v2sf) =	vpush v0, $0x0  }
0x2e7: {  	(v2sf) =	vpush v1, $0x0;
	_ =	sdelay $0xc  }
0x2e8: {  	s23 =	spop (v2sf)  }
0x2e9: {  	s21 =	spop (v2sf)  }
0x2ea: {  	s22 =	spop (v2sf)  }
0x2eb: {  	s25 =	simm.s32 $0x0;
	s26 =	simm.s32 $0x0;
	_ =	swait.ge [sflag:s14], $0x8000  }
0x2ec: {  	s24 =	sand.u32 $0x380, s25;
	s20 =	sand.u32 $0x6000, s26;
	[sflag:s14] =	ssyncset.done $0x0  }
0x2ed: {  	s20 =	sor.u32 s24, s20;
	[sflag:s14] =	ssyncadd.s32 $0xFFFF8000  }
0x2ee: {  	v0 =	vld [tilespmem:s20+$0x8000]  }
0x2ef: {  	v1 =	vld [tilespmem:s20+$0x8010]  }
0x2f0: {  	v2 =	vld [tilespmem:s20+$0x8020]  }
0x2f1: {  	v3 =	vld [tilespmem:s20+$0x8030]  }
0x2f2: {  	v4 =	vld [tilespmem:s20+$0x8040]  }
0x2f3: {  	v5 =	vld [tilespmem:s20+$0x8050]  }
0x2f4: {  	v6 =	vld [tilespmem:s20+$0x8060]  }
0x2f5: {  	v7 =	vld [tilespmem:s20+$0x8070]  }
0x2f6: {  	v8 =	vld [tilespmem:s20+$0x8400]  }
0x2f7: {  	v9 =	vld [tilespmem:s20+$0x8410]  }
0x2f8: {  	v10 =	vld [tilespmem:s20+$0x8420]  }
0x2f9: {  	v11 =	vld [tilespmem:s20+$0x8430]  }
0x2fa: {  	v12 =	vld [tilespmem:s20+$0x8440]  }
0x2fb: {  	v13 =	vld [tilespmem:s20+$0x8450]  }
0x2fc: {  	v14 =	vld [tilespmem:s20+$0x8460]  }
0x2fd: {  	v15 =	vld [tilespmem:s20+$0x8470]  }
0x2fe: {  	v16 =	vld [tilespmem:s20+$0x8800]  }
0x2ff: {  	v17 =	vld [tilespmem:s20+$0x8810]  }
0x300: {  	v18 =	vld [tilespmem:s20+$0x8820]  }
0x301: {  	v19 =	vld [tilespmem:s20+$0x8830]  }
0x302: {  	v20 =	vld [tilespmem:s20+$0x8840]  }
0x303: {  	v21 =	vld [tilespmem:s20+$0x8850]  }
0x304: {  	v22 =	vld [tilespmem:s20+$0x8860]  }
0x305: {  	v23 =	vld [tilespmem:s20+$0x8870]  }
0x306: {  	v24 =	vld [tilespmem:s20+$0x8C00]  }
0x307: {  	v25 =	vld [tilespmem:s20+$0x8C10]  }
0x308: {  	v26 =	vld [tilespmem:s20+$0x8C20]  }
0x309: {  	v27 =	vld [tilespmem:s20+$0x8C30]  }
0x30a: {  	v28 =	vld [tilespmem:s20+$0x8C40]  }
0x30b: {  	v29 =	vld [tilespmem:s20+$0x8C50]  }
0x30c: {  	v30 =	vld [tilespmem:s20+$0x8C60]  }
0x30d: {  	v31 =	vld [tilespmem:s20+$0x8C70]  }
0x30e: {  	v62 =	vld [tilespmem:s20+$0x9000]  }
0x30f: {  	v63 =	vld [tilespmem:s20+$0x9010]  }
0x310: {  	v34 =	vld [tilespmem:s20+$0x9020]  }
0x311: {  	v35 =	vld [tilespmem:s20+$0x9030]  }
0x312: {  	v36 =	vld [tilespmem:s20+$0x9040]  }
0x313: {  	v37 =	vld [tilespmem:s20+$0x9050]  }
0x314: {  	v38 =	vld [tilespmem:s20+$0x9060]  }
0x315: {  	v39 =	vld [tilespmem:s20+$0x9070]  }
0x316: {  	v40 =	vld [tilespmem:s20+$0x9400]  }
0x317: {  	v41 =	vld [tilespmem:s20+$0x9410]  }
0x318: {  	v42 =	vld [tilespmem:s20+$0x9420]  }
0x319: {  	v43 =	vld [tilespmem:s20+$0x9430]  }
0x31a: {  	v44 =	vld [tilespmem:s20+$0x9440]  }
0x31b: {  	v45 =	vld [tilespmem:s20+$0x9450]  }
0x31c: {  	v46 =	vld [tilespmem:s20+$0x9460]  }
0x31d: {  	v47 =	vld [tilespmem:s20+$0x9470]  }
0x31e: {  	v48 =	vld [tilespmem:s20+$0x9800]  }
0x31f: {  	v49 =	vld [tilespmem:s20+$0x9810]  }
0x320: {  	v50 =	vld [tilespmem:s20+$0x9820]  }
0x321: {  	v51 =	vld [tilespmem:s20+$0x9830]  }
0x322: {  	s19 =	sand.u32 $0x7, s25;
	v52 =	vld [tilespmem:s20+$0x9840]  }
0x323: {  	s19 =	sshll.u32 s19, $0x7;
	v53 =	vld [tilespmem:s20+$0x9850]  }
0x324: {  	s19 =	sadd.s32 $0x0, s19;
	v54 =	vld [tilespmem:s20+$0x9860]  }
0x325: {  	s28 =	sor.u32 $0x1C00, s19;
	v55 =	vld [tilespmem:s20+$0x9870]  }
0x326: {  	s29 =	sor.u32 $0x1C10, s19;
	v56 =	vld [tilespmem:s28+$0x8000]  }
0x327: {  	s30 =	sor.u32 $0x1C20, s19;
	v0 =	vadd.f32 v1, v0;
	v1 =	vadd.f32 v3, v2;
	v2 =	vld [tilespmem:s29+$0x8000]  }
0x328: {  	s31 =	sor.u32 $0x1C30, s19;
	v3 =	vadd.f32 v5, v4;
	v4 =	vadd.f32 v7, v6;
	v5 =	vld [tilespmem:s30+$0x8000]  }
0x329: {  	s24 =	sor.u32 $0x1C40, s19;
	v6 =	vadd.f32 v9, v8;
	v7 =	vadd.f32 v11, v10;
	v8 =	vld [tilespmem:s31+$0x8000]  }
0x32a: {  	s25 =	sor.u32 $0x1C50, s19;
	v9 =	vadd.f32 v13, v12;
	v10 =	vadd.f32 v15, v14;
	v11 =	vld [tilespmem:s24+$0x8000]  }
0x32b: {  	s26 =	sor.u32 $0x1C60, s19;
	v12 =	vadd.f32 v17, v16;
	v13 =	vadd.f32 v19, v18;
	v14 =	vld [tilespmem:s25+$0x8000]  }
0x32c: {  	s28 =	sor.u32 $0x1C70, s19;
	v15 =	vadd.f32 v21, v20;
	v16 =	vadd.f32 v23, v22;
	v17 =	vld [tilespmem:s26+$0x8000]  }
0x32d: {  	s19 =	simm.s32 $0x10060;
	v18 =	vadd.f32 v25, v24;
	v19 =	vadd.f32 v27, v26;
	v20 =	vld [tilespmem:s28+$0x8000];
	s29 =	simm.s32 $0x80;
	s25 =	simm.s32 $0x400  }
0x32e: {  	s20 =	simm.s32 $0x10160;
	v21 =	vadd.f32 v29, v28;
	v22 =	vadd.f32 v31, v30;
	v23 =	vld [tilespmem:s19+$0x0];
	s25 =	sand.u32 $0x6000, s25;
	s24 =	sand.u32 $0x380, s29  }
0x32f: {  	v24 =	vadd.f32 v63, v62;
	v25 =	vadd.f32 v35, v34;
	v26 =	vld [tilespmem:s20+$0x0];
	s24 =	sor.u32 s24, s25  }
0x330: {  	v27 =	vadd.f32 v37, v36;
	v28 =	vadd.f32 v39, v38;
	v29 =	vld [tilespmem:s24+$0x8000]  }
0x331: {  	v30 =	vadd.f32 v41, v40;
	v31 =	vadd.f32 v43, v42;
	v32 =	vld [tilespmem:s24+$0x8010]  }
0x332: {  	v45 =	vadd.f32 v45, v44;
	v47 =	vadd.f32 v47, v46;
	v35 =	vld [tilespmem:s24+$0x8020]  }
0x333: {  	v57 =	vadd.f32 v49, v48;
	v58 =	vadd.f32 v51, v50;
	v38 =	vld [tilespmem:s24+$0x8030]  }
0x334: {  	v59 =	vadd.f32 v53, v52;
	v60 =	vadd.f32 v55, v54;
	v61 =	vld [tilespmem:s24+$0x8040]  }
0x335: {  	v0 =	vadd.f32 v1, v0;
	v1 =	vadd.f32 v4, v3;
	v3 =	vld [tilespmem:s24+$0x8070]  }
0x336: {  	v4 =	vadd.f32 v7, v6;
	v6 =	vadd.f32 v10, v9;
	v7 =	vld [tilespmem:s24+$0x8400]  }
0x337: {  	v9 =	vadd.f32 v13, v12;
	v10 =	vadd.f32 v16, v15;
	v12 =	vld [tilespmem:s24+$0x8410]  }
0x338: {  	v13 =	vadd.f32 v19, v18;
	v15 =	vadd.f32 v22, v21;
	v16 =	vld [tilespmem:s24+$0x8420]  }
0x339: {  	v18 =	vadd.f32 v25, v24;
	v19 =	vadd.f32 v28, v27;
	v24 =	vld [tilespmem:s24+$0x8440]  }
0x33a: {  	v21 =	vadd.f32 v31, v30;
	v22 =	vadd.f32 v47, v45;
	v28 =	vld [tilespmem:s24+$0x8450]  }
0x33b: {  	v25 =	vadd.f32 v58, v57;
	v27 =	vadd.f32 v60, v59;
	v30 =	vld [tilespmem:s24+$0x8C20]  }
0x33c: {  	v31 =	vld [tilespmem:s24+$0x8C30];
	v0 =	vadd.f32 v1, v0;
	v1 =	vadd.f32 v6, v4  }
0x33d: {  	v33 =	vld [tilespmem:s24+$0x8C40];
	v2 =	vadd.f32 v2, v56;
	v5 =	vadd.f32 v8, v5  }
0x33e: {  	v34 =	vld [tilespmem:s24+$0x8C50];
	v11 =	vadd.f32 v14, v11;
	v14 =	vadd.f32 v20, v17  }
0x33f: {  	v36 =	vld [tilespmem:s24+$0x8C60];
	v4 =	vadd.f32 v10, v9;
	v6 =	vadd.f32 v15, v13  }
0x340: {  	v62 =	vld [tilespmem:s24+$0x8C70];
	v2 =	vadd.f32 v5, v2;
	v5 =	vadd.f32 v14, v11  }
0x341: {  	v39 =	vld [tilespmem:s24+$0x9000];
	v10 =	vadd.f32 v19, v18;
	v13 =	vadd.f32 v22, v21  }
0x342: {  	v40 =	vld [tilespmem:s24+$0x9010];
	v18 =	vadd.f32 v27, v25;
	v2 =	vadd.f32 v5, v2  }
0x343: {  	v42 =	vld [tilespmem:s24+$0x9020];
	v0 =	vadd.f32 v1, v0;
	v1 =	vadd.f32 v6, v4  }
0x344: {  	v63 =	vld [tilespmem:s24+$0x9030];
	v4 =	vadd.f32 v13, v10;
	v2 =	vadd.f32 v2, v18  }
0x345: {  	v44 =	vld [tilespmem:s24+$0x9040]  }
0x346: {  	v45 =	vld [tilespmem:s24+$0x9050];
	v0 =	vadd.f32 v1, v0;
	v1 =	vadd.f32 v2, v4  }
0x347: {  	v46 =	vld [tilespmem:s24+$0x9060]  }
0x348: {  	v47 =	vld [tilespmem:s24+$0x9070];
	v0 =	vadd.f32 v1, v0  }
0x349: {  	v48 =	vld [tilespmem:s24+$0x9420]  }
0x34a: {  	v49 =	vld [tilespmem:s24+$0x9430];
	(xrf2) =	vadd.scan.msk.f32 $0xffff, v0  }
0x34b: {  	v50 =	vld [tilespmem:s24+$0x9440]  }
0x34c: {  	v51 =	vld [tilespmem:s24+$0x9450]  }
0x34d: {  	v52 =	vld [tilespmem:s24+$0x9460]  }
0x34e: {  	v53 =	vld [tilespmem:s24+$0x9470]  }
0x34f: {  	v54 =	vld [tilespmem:s24+$0x9800]  }
0x350: {  	v55 =	vld [tilespmem:s24+$0x9810]  }
0x351: {  	v60 =	vld [tilespmem:s24+$0x9850]  }
0x352: {  	v9 =	vld [tilespmem:s24+$0x8800]  }
0x353: {  	v15 =	vld [tilespmem:s24+$0x8810]  }
0x354: {  	v19 =	vld [tilespmem:s24+$0x8820];
	v0, _, _ =	vpop (xrf2)  }
0x355: {  	v21 =	vld [tilespmem:s24+$0x8830];
	(v2sf) =	vpush v0, $0xF  }
0x356: {  	v22 =	vld [tilespmem:s24+$0x8870]  }
0x357: {  	v25 =	vld [tilespmem:s24+$0x8C00];
	(v2sf) =	vpush v26, $0x0  }
0x358: {  	v27 =	vld [tilespmem:s24+$0x8C10];
	(v2sf) =	vpush v23, $0x0  }
0x359: {  	v8 =	vld [tilespmem:s24+$0x8050]  }
0x35a: {  	v17 =	vld [tilespmem:s24+$0x8060]  }
0x35b: {  	v20 =	vld [tilespmem:s24+$0x8430]  }
0x35c: {  	v56 =	vld [tilespmem:s24+$0x9820]  }
0x35d: {  	v10 =	vld [tilespmem:s24+$0x8840]  }
0x35e: {  	p0 =	sgt.f32 s23, $0.0e+00;
	v13 =	vld [tilespmem:s24+$0x8850]  }
0x35f: {  	s23 =	simm.f32 $1.000000000e+00;
	v11 =	vld [tilespmem:s24+$0x8460]  }
0x360: {  	p1 =	sle.f32 s21, $5.000000000e-01;
	s23 =	simm.s32 @!p0 $0x0;
	v14 =	vld [tilespmem:s24+$0x8470]  }
0x361: {  	p2 =	seq.f32 s22, $0.0e+00;
	p0 =	sgt.f32 s21, $5.000000000e-01;
	s21 =	simm.s32 $0x1;
	v6 =	vadd.f32 v28, v24;
	v28 =	vld [tilespmem:s24+$0x9860]  }
0x362: {  	s18 =	sadd.f32 s23, s18;
	s28 =	sand.u32 $0x7, s21;
	s25 =	smov.u32 s23;
	v18 =	vld [tilespmem:s24+$0x8860]  }
0x363: {  	s30 =	sshll.u32 s28, $0x7;
	s25 =	simm.s32 @!p1 $0x0;
	p1 =	seq.f32 s22, $1.000000000e+00;
	v2 =	vadd.f32 v8, v61;
	v61 =	vld [tilespmem:s24+$0x9870]  }
0x364: {  	s22 =	simm.f32 $1.000000000e+00;
	s25 =	simm.s32 @!p2 $0x0;
	v1 =	vadd.f32 v38, v35;
	v35 =	vld [tilespmem:s24+$0x9840];
	s26 =	spop (v2sf)  }
0x365: {  	s29 =	smov.u32 s25;
	v0 =	vadd.f32 v32, v29;
	v29 =	vld [tilespmem:s24+$0x9830];
	p2 =	sgt.f32 s26, $0.0e+00;
	s26 =	sadd.s32 $0x400, s30  }
0x366: {  	s29 =	smov.u32 @p0 s23;
	v26 =	vld [tilespmem:s24+$0x9400];
	s28 =	spop (v2sf);
	s31 =	sor.u32 $0x1C00, s26  }
0x367: {  	v24 =	vadd.f32 v55, v54;
	v3 =	vadd.f32 v3, v17;
	v23 =	vld [tilespmem:s24+$0x9410];
	s30 =	spop (v2sf);
	s22 =	simm.s32 @!p2 $0x0;
	p2 =	sle.f32 s28, $5.000000000e-01  }
0x368: {  	v5 =	vadd.f32 v20, v16;
	v16 =	vadd.f32 v40, v39;
	s24 =	sor.u32 $0x1C10, s26;
	v57 =	vld [tilespmem:s31+$0x8000];
	p0 =	seq.f32 s30, $0.0e+00;
	s31 =	smov.u32 s22  }
0x369: {  	s25 =	smov.u32 @p1 s29;
	v17 =	vadd.f32 v63, v42;
	v10 =	vadd.f32 v13, v10;
	s29 =	sor.u32 $0x1C50, s26;
	v58 =	vld [tilespmem:s24+$0x8000];
	s31 =	simm.s32 @!p2 $0x0  }
0x36a: {  	v13 =	vadd.f32 v31, v30;
	v4 =	vadd.f32 v12, v7;
	s24 =	sor.u32 $0x1C20, s26;
	v31 =	vld [tilespmem:s29+$0x8000];
	p2 =	sgt.f32 s28, $5.000000000e-01;
	s31 =	simm.s32 @!p0 $0x0  }
0x36b: {  	v8 =	vadd.f32 v15, v9;
	v15 =	vadd.f32 v62, v36;
	v62 =	vld [tilespmem:s24+$0x8000];
	s24 =	sor.u32 $0x1C30, s26;
	p0 =	seq.f32 s30, $1.000000000e+00;
	s23 =	smov.u32 s31  }
0x36c: {  	s25 =	sadd.f32 s25, s17;
	v7 =	vadd.f32 v14, v11;
	v9 =	vadd.f32 v21, v19;
	v63 =	vld [tilespmem:s24+$0x8000];
	s28 =	sor.u32 $0x1C40, s26;
	s23 =	smov.u32 @p2 s22  }
0x36d: {  	v12 =	vadd.f32 v27, v25;
	v14 =	vadd.f32 v34, v33;
	s17 =	sadd.f32 s22, s18;
	v30 =	vld [tilespmem:s28+$0x8000];
	s30 =	sor.u32 $0x1C60, s26;
	s31 =	smov.u32 @p0 s23  }
0x36e: {  	v19 =	vadd.f32 v47, v46;
	v21 =	vadd.f32 v49, v48;
	v32 =	vld [tilespmem:s30+$0x8000];
	s18 =	sadd.f32 s31, s25;
	s31 =	sor.u32 $0x1C70, s26  }
0x36f: {  	v11 =	vadd.f32 v22, v18;
	v18 =	vadd.f32 v45, v44;
	v33 =	vld [tilespmem:s31+$0x8000]  }
0x370: {  	v22 =	vadd.f32 v51, v50;
	v27 =	vadd.f32 v61, v28  }
0x371: {  	v25 =	vadd.f32 v29, v56;
	v20 =	vadd.f32 v23, v26  }
0x372: {  	v23 =	vadd.f32 v53, v52;
	v26 =	vadd.f32 v60, v35  }
0x373: {  	s24 =	simm.s32 $0x100;
	s22 =	simm.s32 $0x400;
	v28 =	vadd.f32 v58, v57;
	s23 =	simm.s32 $0xFFFF8800;
	v29 =	vadd.f32 v63, v62  }
.LBB2_8:
0x374: {  	s25 =	sadd.s32 $0x8000, s23;
	p0 =	sne.s32 s24, $0xF80;
	v30 =	vadd.f32 v31, v30;
	v31 =	vadd.f32 v33, v32;
	s19 =	sadd.s32 $0x1, s19  }
0x375: {  	s26 =	sand.u32 $0x380, s24;
	v32 =	vadd.f32 v1, v0;
	v33 =	vadd.f32 v3, v2;
	s20 =	sadd.s32 $0x1, s20;
	s25 =	sand.u32 $0x6000, s25;
	v34 =	vld [tilespmem:s19+$0x0]  }
0x376: {  	v35 =	vadd.f32 v5, v4;
	v7 =	vadd.f32 v7, v6;
	s25 =	sor.u32 s26, s25;
	v36 =	vld [tilespmem:s20+$0x0]  }
0x377: {  	v8 =	vadd.f32 v9, v8;
	v9 =	vadd.f32 v11, v10;
	v0 =	vld [tilespmem:s25+$0x8000]  }
0x378: {  	v10 =	vadd.f32 v13, v12;
	v11 =	vadd.f32 v15, v14;
	v1 =	vld [tilespmem:s25+$0x8010]  }
0x379: {  	v12 =	vadd.f32 v17, v16;
	v13 =	vadd.f32 v19, v18;
	v2 =	vld [tilespmem:s25+$0x8020]  }
0x37a: {  	v14 =	vadd.f32 v21, v20;
	v15 =	vadd.f32 v23, v22;
	v4 =	vld [tilespmem:s25+$0x8030]  }
0x37b: {  	v16 =	vadd.f32 v25, v24;
	v17 =	vadd.f32 v27, v26;
	v3 =	vld [tilespmem:s25+$0x8040]  }
0x37c: {  	v18 =	vadd.f32 v29, v28;
	v19 =	vadd.f32 v31, v30;
	v5 =	vld [tilespmem:s25+$0x8050]  }
0x37d: {  	v20 =	vadd.f32 v33, v32;
	v21 =	vadd.f32 v7, v35;
	v6 =	vld [tilespmem:s25+$0x8060]  }
0x37e: {  	v22 =	vadd.f32 v9, v8;
	v11 =	vadd.f32 v11, v10;
	v7 =	vld [tilespmem:s25+$0x8070]  }
0x37f: {  	v12 =	vadd.f32 v13, v12;
	v13 =	vadd.f32 v15, v14;
	v8 =	vld [tilespmem:s25+$0x8400]  }
0x380: {  	v14 =	vadd.f32 v17, v16;
	v15 =	vadd.f32 v19, v18;
	v9 =	vld [tilespmem:s25+$0x8410]  }
0x381: {  	v16 =	vadd.f32 v21, v20;
	v11 =	vadd.f32 v11, v22;
	v10 =	vld [tilespmem:s25+$0x8420]  }
0x382: {  	v12 =	vadd.f32 v13, v12;
	v13 =	vadd.f32 v15, v14;
	v17 =	vld [tilespmem:s25+$0x8430]  }
0x383: {  	v14 =	vld [tilespmem:s25+$0x8440]  }
0x384: {  	v11 =	vadd.f32 v11, v16;
	v12 =	vadd.f32 v13, v12;
	v15 =	vld [tilespmem:s25+$0x8450]  }
0x385: {  	v13 =	vld [tilespmem:s25+$0x8460]  }
0x386: {  	v11 =	vadd.f32 v12, v11;
	v16 =	vld [tilespmem:s25+$0x8470]  }
0x387: {  	v12 =	vld [tilespmem:s25+$0x8800]  }
0x388: {  	v18 =	vld [tilespmem:s25+$0x8810];
	(xrf2) =	vadd.scan.msk.f32 $0xffff, v11  }
0x389: {  	v11 =	vld [tilespmem:s25+$0x8820]  }
0x38a: {  	v19 =	vld [tilespmem:s25+$0x8830]  }
0x38b: {  	v20 =	vld [tilespmem:s25+$0x8840]  }
0x38c: {  	v21 =	vld [tilespmem:s25+$0x8850]  }
0x38d: {  	v22 =	vld [tilespmem:s25+$0x8860]  }
0x38e: {  	v23 =	vld [tilespmem:s25+$0x8870]  }
0x38f: {  	v24 =	vld [tilespmem:s25+$0x8C00]  }
0x390: {  	v25 =	vld [tilespmem:s25+$0x8C10]  }
0x391: {  	v26 =	vld [tilespmem:s25+$0x8C20]  }
0x392: {  	v27 =	vld [tilespmem:s25+$0x8C30];
	v28, _, _ =	vpop (xrf2)  }
0x393: {  	v29 =	vld [tilespmem:s25+$0x8C40];
	(v2sf) =	vpush v28, $0xF  }
0x394: {  	v28 =	vld [tilespmem:s25+$0x8C50];
	(v2sf) =	vpush v36, $0x0  }
0x395: {  	v31 =	vld [tilespmem:s25+$0x8C60];
	(v2sf) =	vpush v34, $0x0  }
0x396: {  	v32 =	vld [tilespmem:s25+$0x8C70]  }
0x397: {  	v33 =	vld [tilespmem:s25+$0x9000]  }
0x398: {  	v34 =	vld [tilespmem:s25+$0x9010]  }
0x399: {  	v35 =	vld [tilespmem:s25+$0x9020]  }
0x39a: {  	v36 =	vld [tilespmem:s25+$0x9030]  }
0x39b: {  	v37 =	vld [tilespmem:s25+$0x9040]  }
0x39c: {  	v38 =	vld [tilespmem:s25+$0x9050]  }
0x39d: {  	v39 =	vld [tilespmem:s25+$0x9060]  }
0x39e: {  	v40 =	vld [tilespmem:s25+$0x9070]  }
0x39f: {  	v41 =	vld [tilespmem:s25+$0x9400]  }
0x3a0: {  	v42 =	vld [tilespmem:s25+$0x9410]  }
0x3a1: {  	v43 =	vld [tilespmem:s25+$0x9420]  }
0x3a2: {  	s26 =	spop (v2sf)  }
0x3a3: {  	v44 =	vld [tilespmem:s25+$0x9430];
	p1 =	sgt.f32 s26, $0.0e+00  }
0x3a4: {  	s29 =	simm.f32 $1.000000000e+00;
	v45 =	vld [tilespmem:s25+$0x9440];
	s26 =	spop (v2sf)  }
0x3a5: {  	p2 =	sle.f32 s26, $5.000000000e-01;
	s28 =	spop (v2sf);
	s29 =	simm.s32 @!p1 $0x0  }
0x3a6: {  	v46 =	vld [tilespmem:s25+$0x9450];
	p3 =	sgt.f32 s26, $5.000000000e-01;
	p1 =	seq.f32 s28, $0.0e+00;
	s26 =	smov.u32 s29  }
0x3a7: {  	v47 =	vld [tilespmem:s25+$0x9460];
	s26 =	simm.s32 @!p2 $0x0  }
0x3a8: {  	v48 =	vld [tilespmem:s25+$0x9470];
	s26 =	simm.s32 @!p1 $0x0  }
0x3a9: {  	p2 =	seq.f32 s28, $1.000000000e+00;
	v49 =	vld [tilespmem:s25+$0x9800];
	s28 =	smov.u32 s26  }
0x3aa: {  	s17 =	sadd.f32 s29, s17;
	v50 =	vld [tilespmem:s25+$0x9810];
	s28 =	smov.u32 @p3 s29  }
0x3ab: {  	v51 =	vld [tilespmem:s25+$0x9820];
	s26 =	smov.u32 @p2 s28  }
0x3ac: {  	s21 =	sadd.s32 $0x1, s21;
	v52 =	vld [tilespmem:s25+$0x9830];
	s18 =	sadd.f32 s26, s18  }
0x3ad: {  	s26 =	sand.u32 $0x7, s21;
	v53 =	vld [tilespmem:s25+$0x9840]  }
0x3ae: {  	s22 =	sadd.s32 $0x400, s22;
	v0 =	vadd.f32 v1, v0;
	v1 =	vadd.f32 v4, v2;
	s26 =	sshll.u32 s26, $0x7;
	v54 =	vld [tilespmem:s25+$0x9850]  }
0x3af: {  	v2 =	vadd.f32 v5, v3;
	v3 =	vadd.f32 v7, v6;
	s26 =	sadd.s32 s26, s22;
	v55 =	vld [tilespmem:s25+$0x9860]  }
0x3b0: {  	v4 =	vadd.f32 v9, v8;
	v5 =	vadd.f32 v17, v10;
	v56 =	vld [tilespmem:s25+$0x9870];
	s25 =	sor.u32 $0x1C00, s26  }
0x3b1: {  	v6 =	vadd.f32 v15, v14;
	v7 =	vadd.f32 v16, v13;
	v57 =	vld [tilespmem:s25+$0x8000];
	s25 =	sor.u32 $0x1C10, s26  }
0x3b2: {  	v8 =	vadd.f32 v18, v12;
	v9 =	vadd.f32 v19, v11;
	v58 =	vld [tilespmem:s25+$0x8000];
	s25 =	sor.u32 $0x1C20, s26  }
0x3b3: {  	v10 =	vadd.f32 v21, v20;
	v11 =	vadd.f32 v23, v22;
	v59 =	vld [tilespmem:s25+$0x8000];
	s25 =	sor.u32 $0x1C30, s26  }
0x3b4: {  	v12 =	vadd.f32 v25, v24;
	v13 =	vadd.f32 v27, v26;
	v60 =	vld [tilespmem:s25+$0x8000];
	s25 =	sor.u32 $0x1C40, s26  }
0x3b5: {  	v14 =	vadd.f32 v28, v29;
	v15 =	vadd.f32 v32, v31;
	v30 =	vld [tilespmem:s25+$0x8000];
	s25 =	sor.u32 $0x1C50, s26  }
0x3b6: {  	v16 =	vadd.f32 v34, v33;
	v17 =	vadd.f32 v36, v35;
	v31 =	vld [tilespmem:s25+$0x8000];
	s25 =	sor.u32 $0x1C60, s26  }
0x3b7: {  	v18 =	vadd.f32 v38, v37;
	v19 =	vadd.f32 v40, v39;
	v32 =	vld [tilespmem:s25+$0x8000];
	s25 =	sor.u32 $0x1C70, s26  }
.Ltmp3:
0x3b8: {  	v20 =	vadd.f32 v42, v41;
	v21 =	vadd.f32 v44, v43;
	v33 =	vld [tilespmem:s25+$0x8000];
	(pc) =	sbr.rel @p0 .LBB2_8-.Ltmp3, $4  }
0x3b9: {  	v22 =	vadd.f32 v46, v45;
	v23 =	vadd.f32 v48, v47  }
0x3ba: {  	v24 =	vadd.f32 v50, v49;
	v25 =	vadd.f32 v52, v51  }
0x3bb: {  	v26 =	vadd.f32 v54, v53;
	v27 =	vadd.f32 v56, v55  }
0x3bc: {  	s23 =	sadd.s32 $0x400, s23;
	s24 =	sadd.s32 $0x80, s24;
	v28 =	vadd.f32 v58, v57;
	v29 =	vadd.f32 v60, v59  }
0x3bd: {  	v30 =	vadd.f32 v31, v30;
	v63 =	vadd.f32 v33, v32  }
0x3be: {  	v0 =	vadd.f32 v1, v0;
	v33 =	vadd.f32 v3, v2  }
0x3bf: {  	v34 =	vadd.f32 v5, v4;
	v35 =	vadd.f32 v7, v6  }
0x3c0: {  	v36 =	vadd.f32 v9, v8;
	v37 =	vadd.f32 v11, v10  }
0x3c1: {  	v38 =	vadd.f32 v13, v12;
	v39 =	vadd.f32 v15, v14  }
0x3c2: {  	v40 =	vadd.f32 v17, v16;
	v41 =	vadd.f32 v19, v18  }
0x3c3: {  	v42 =	vadd.f32 v21, v20;
	v43 =	vadd.f32 v23, v22  }
0x3c4: {  	v44 =	vadd.f32 v25, v24;
	v45 =	vadd.f32 v27, v26  }
0x3c5: {  	v46 =	vadd.f32 v29, v28;
	v47 =	vadd.f32 v63, v30  }
0x3c6: {  	v0 =	vadd.f32 v33, v0;
	v48 =	vadd.f32 v35, v34  }
0x3c7: {  	v49 =	vadd.f32 v37, v36;
	v50 =	vadd.f32 v39, v38  }
0x3c8: {  	v51 =	vadd.f32 v41, v40;
	v52 =	vadd.f32 v43, v42  }
0x3c9: {  	v53 =	vadd.f32 v45, v44;
	v54 =	vadd.f32 v47, v46  }
0x3ca: {  	v0 =	vadd.f32 v48, v0;
	v55 =	vadd.f32 v50, v49  }
0x3cb: {  	v56 =	vadd.f32 v52, v51;
	v57 =	vadd.f32 v54, v53;
	_ =	sdelay $0x1  }
0x3cc: {  	v0 =	vadd.f32 v55, v0;
	v58 =	vadd.f32 v57, v56;
	_ =	sdelay $0x1  }
0x3cd: {  	v0 =	vadd.f32 v58, v0;
	_ =	sdelay $0x1  }
0x3ce: {  	(xrf2) =	vadd.scan.msk.f32 $0xffff, v0;
	_ =	sdelay $0x6  }
0x3cf: {  	s20 =	sadd.s32 $0x1, s20  }
0x3d0: {  	s19 =	sadd.s32 $0x1, s19;
	v59 =	vld [tilespmem:s20+$0x0]  }
0x3d1: {  	v60 =	vld [tilespmem:s19+$0x0]  }
0x3d2: {  	v61, _, _ =	vpop (xrf2)  }
0x3d3: {  	(v2sf) =	vpush v61, $0xF;
	_ =	sdelay $0x1  }
0x3d4: {  	(v2sf) =	vpush v59, $0x0  }
0x3d5: {  	(v2sf) =	vpush v60, $0x0;
	_ =	sdelay $0xb  }
0x3d6: {  	s30 =	spop (v2sf)  }
0x3d7: {  	p0 =	sgt.f32 s30, $0.0e+00  }
0x3d8: {  	s20 =	simm.f32 $1.000000000e+00;
	s31 =	spop (v2sf)  }
0x3d9: {  	p1 =	sle.f32 s31, $5.000000000e-01;
	s21 =	spop (v2sf);
	s20 =	simm.s32 @!p0 $0x0  }
0x3da: {  	p0 =	seq.f32 s21, $0.0e+00;
	s22 =	smov.u32 s20  }
0x3db: {  	s22 =	simm.s32 @!p1 $0x0  }
0x3dc: {  	p1 =	sgt.f32 s31, $5.000000000e-01;
	s22 =	simm.s32 @!p0 $0x0  }
0x3dd: {  	p0 =	seq.f32 s21, $1.000000000e+00;
	s19 =	smov.u32 s22  }
0x3de: {  	s19 =	smov.u32 @p1 s20  }
0x3df: {  	s17 =	sadd.f32 s20, s17;
	s22 =	smov.u32 @p0 s19  }
0x3e0: {  	s18 =	sadd.f32 s22, s18  }
0x3e1: {  	s16 =	sadd.s32 $0x1, s16;
	v63 =	vmov s17  }
0x3e2: {  	[tilespmem:$0x10280] =	vst v63;
	p0 =	sne.s32 s16, s10;
	v62 =	vmov s18  }
.Ltmp4:
0x3e3: {  	[tilespmem:$0x10200] =	vst v62;
	(pc) =	sbr.rel @p0 .LBB2_1-.Ltmp4, $4  }
0x3e4: {  	[hbm4b:s9+s2] =	stream.linear.scatter [tilespmem:s15], [sflag:$0x3], $0x100, $0x38;
	[tilespmem:$0x10300] =	vst v63  }
0x3e5: {  	_ =	swait.ge [sflag:s11], $0x100  }
0x3e6: {  	[sflag:s11] =	ssyncset.done $0x0  }
0x3e7: {  	[sflag:s11] =	ssyncadd.s32 $0xFFFFFF00  }
0x3e8: {  	_ =	sfence.sel $0x180000  }
0x3e9: {  	[bflag:$0x0] =	sbarrier.arrive $0xFFFF  }
0x3ea: {  	p0 =	sne.s32 s1, $0x0;
	_ =	strace $0x90000047  }
0x3eb: {  	s0 =	sadd.s32 @!p0 $0x100000, s0;
	[bflag:$0x2] =	sbarrier.arrive $0xFFFF  }
0x3ec: {  	[sflag:s0] =	ssyncadd.tile.s32 @!p0 $0x1;
	_ =	shalt  }
.Lfunc_end2:
_tile_overlayer_lowered:
.L_overlay_start_2:
0x3ed: {  	(tag) =	ssettag $0x2  }
0x3ee: {  	s0 =	rddreg [dreg:$0x0];
	s2 =	stileid.u32  }
0x3ef: {  	s1 =	rddreg [dreg:$0x1];
	p0 =	sne.s32 s2, $0x0  }
0x3f0: {  	s3 =	rddreg [dreg:$0x2];
	[bflag:$0x3] =	sbarrier.arrive $0xFFFF;
	s2 =	simm.s32 @!p0 $0x1C03  }
0x3f1: {  	[timem:s3], [sflag:s2] =	dma.local @!p0 [hbm:s0], s1  }
0x3f2: {  	s0 =	simm.s32 @!p0 $0x3  }
0x3f3: {  	_ =	swait.ge @!p0 [sflag:s0], s1  }
0x3f4: {  	s1 =	ssub.s32 @!p0 $0x0, s1;
	[sflag:s0] =	ssyncset.done @!p0 $0x0  }
0x3f5: {  	[sflag:s0] =	ssyncadd.s32 @!p0 s1  }
0x3f6: {  	[bflag:$0x3] =	sbarrier.arrive $0xFFFF  }
0x3f7: {  	_ =	shalt  }

</sc_bundles>
